<compile_context>
chip_gen: v7x
topology: tpu7x:2x2x1
jax: 0.10.2.dev20260603
libtpu: 0.0.44.dev20260713+nightly
codegen_flags: <defaults>
</compile_context>

<pallas_src>
import jax
import jax.numpy as jnp
from jax import lax
from jax.experimental import pallas as pl
from jax.experimental.pallas import tpu as pltpu
from jax.experimental.pallas import tpu_sc as plsc

VOCAB = 100000
D = 128
B = 16384
NEG = 5
SLICES = (4096, 12288)

NC = 2
NS = 16
NW = NC * NS
CHUNK = 128
DEPTH = 6

def _sc_gather_body(U_PER_W, N_PER_W, N_CHUNKS, u_hbm, v_hbm, pu_hbm, pv_hbm, nf_hbm,
                    ug_hbm, vg_hbm, ng_hbm,
                    idxu, idxv, idxn,
                    b0, b1, b2, b3, b4, b5,
                    g0, g1, g2, g3, g4, g5,
                    w0, w1, w2, w3, w4, w5):
  bufs = [b0, b1, b2, b3, b4, b5]
  gsem = [g0, g1, g2, g3, g4, g5]
  wsem = [w0, w1, w2, w3, w4, w5]
  c = lax.axis_index("c")
  s = lax.axis_index("s")
  wid = s * NC + c

  h0 = pltpu.async_copy(pu_hbm.at[pl.ds(wid * U_PER_W, U_PER_W)], idxu, wsem[0])
  h1 = pltpu.async_copy(pv_hbm.at[pl.ds(wid * U_PER_W, U_PER_W)], idxv, wsem[1])
  h2 = pltpu.async_copy(nf_hbm.at[pl.ds(wid * N_PER_W, N_PER_W)], idxn, wsem[2])
  h0.wait()
  h1.wait()
  h2.wait()

  chunks = []
  for j in range(U_PER_W // CHUNK):
    chunks.append((u_hbm, idxu, j * CHUNK, ug_hbm, wid * U_PER_W + j * CHUNK))
  for j in range(U_PER_W // CHUNK):
    chunks.append((v_hbm, idxv, j * CHUNK, vg_hbm, wid * U_PER_W + j * CHUNK))
  for j in range(N_PER_W // CHUNK):
    chunks.append((v_hbm, idxn, j * CHUNK, ng_hbm, wid * N_PER_W + j * CHUNK))

  gh = [None] * N_CHUNKS
  wh = [None] * N_CHUNKS

  def start_gather(t):
    tbl, iref, ioff, _, _ = chunks[t]
    b = t % DEPTH
    gh[t] = pltpu.async_copy(tbl.at[iref.at[pl.ds(ioff, CHUNK)]],
                             bufs[b], gsem[b])

  for t in range(DEPTH):
    start_gather(t)
  for t in range(N_CHUNKS):
    b = t % DEPTH
    gh[t].wait()
    _, _, _, out_hbm, ooff = chunks[t]
    wh[t] = pltpu.async_copy(bufs[b], out_hbm.at[pl.ds(ooff, CHUNK)], wsem[b])
    if t + DEPTH < N_CHUNKS:
      wh[t].wait()
      start_gather(t + DEPTH)
  for t in range(N_CHUNKS - DEPTH, N_CHUNKS):
    wh[t].wait()


def _sc_gather(u_table, v_table, pos_u, pos_v, neg_flat):
  bh = pos_u.shape[0]
  u_per_w = bh // NW
  n_per_w = bh * NEG // NW
  n_chunks = (2 * u_per_w + n_per_w) // CHUNK
  mesh = plsc.VectorSubcoreMesh(core_axis_name="c", subcore_axis_name="s")
  out_type = [
      jax.ShapeDtypeStruct((bh, D), jnp.float32),
      jax.ShapeDtypeStruct((bh, D), jnp.float32),
      jax.ShapeDtypeStruct((bh * NEG, D), jnp.float32),
  ]
  import functools as _ft
  k = pl.kernel(
      _ft.partial(_sc_gather_body, u_per_w, n_per_w, n_chunks),
      out_type=out_type,
      mesh=mesh,
      scratch_types=(
          [pltpu.VMEM((u_per_w,), jnp.int32),
           pltpu.VMEM((u_per_w,), jnp.int32),
           pltpu.VMEM((n_per_w,), jnp.int32)]
          + [pltpu.VMEM((CHUNK, D), jnp.float32) for _ in range(DEPTH)]
          + [pltpu.SemaphoreType.DMA for _ in range(2 * DEPTH)]
      ),
  )
  return k(u_table, v_table, pos_u, pos_v, neg_flat)


CB = 1024

_TWO_PI = 6.283185307179586
_INV_TWO_PI = 0.15915494309189535
_C1 = 0.9999999959723427
_C3 = -0.1666666504335272
_C5 = 0.00833331450987615
_C7 = -0.0001984031108513311
_C9 = 2.7532292011112062e-06
_C11 = -2.470160974620958e-08
_C13 = 1.3533267883357363e-10


def _sin_poly(x):
  n = jnp.round(x * jnp.float32(_INV_TWO_PI))
  r = x - jnp.float32(_TWO_PI) * n
  r2 = r * r
  p = jnp.float32(_C13)
  p = p * r2 + _C11
  p = p * r2 + _C9
  p = p * r2 + _C7
  p = p * r2 + _C5
  p = p * r2 + _C3
  p = p * r2 + _C1
  return p * r


def _tc_loss_body(t_ref, f_ref, ug_ref, vg_ref, n0, n1, n2, n3, n4, o_ref):
  i = pl.program_id(0)
  te = _sin_poly(t_ref[...] * f_ref[...])
  eu = ug_ref[...] + te
  ones = jnp.ones((D, 1), jnp.float32)
  s = jnp.clip(jnp.dot(eu * vg_ref[...], ones,
                       preferred_element_type=jnp.float32), -10.0, 10.0)
  acc = jnp.sum(jnp.log1p(jnp.exp(-s)))
  for nref in (n0, n1, n2, n3, n4):
    ns = jnp.clip(jnp.dot(nref[...] * eu, ones,
                          preferred_element_type=jnp.float32), -10.0, 10.0)
    acc = acc + jnp.sum(jnp.log1p(jnp.exp(ns)))

  @pl.when(i == 0)
  def _():
    o_ref[0, 0] = 0.0

  o_ref[0, 0] += acc


def _tc_loss(time_h, freq_emb, ug, vg, ng):
  bh = time_h.shape[0]
  nblk = bh // CB
  t2 = time_h.reshape(bh, 1)
  f2 = freq_emb.reshape(1, D)
  in_specs = [
      pl.BlockSpec((CB, 1), lambda i: (i, 0)),
      pl.BlockSpec((1, D), lambda i: (0, 0)),
      pl.BlockSpec((CB, D), lambda i: (i, 0)),
      pl.BlockSpec((CB, D), lambda i: (i, 0)),
  ] + [
      pl.BlockSpec((CB, D), lambda i, k=k: (k * nblk + i, 0))
      for k in range(NEG)
  ]
  out = pl.pallas_call(
      _tc_loss_body,
      grid=(nblk,),
      in_specs=in_specs,
      out_specs=pl.BlockSpec((1, 1), lambda i: (0, 0),
                             memory_space=pltpu.SMEM),
      out_shape=jax.ShapeDtypeStruct((1, 1), jnp.float32),
  )(t2, f2, ug, vg, ng, ng, ng, ng, ng)
  return out


def kernel(u_table, v_table, freq_emb, time, pos_u, pos_v, neg_v):
  pu = pos_u.astype(jnp.int32)
  pv = pos_v.astype(jnp.int32)
  nvi = neg_v.astype(jnp.int32)

  gathered = []
  lo = 0
  for bh in SLICES:
    nf = nvi[lo:lo + bh].T.reshape(-1)
    gathered.append(
        _sc_gather(u_table, v_table, pu[lo:lo + bh], pv[lo:lo + bh], nf))
    lo += bh

  acc = jnp.float32(0.0)
  lo = 0
  for h, bh in enumerate(SLICES):
    ug, vg, ng = gathered[h]
    acc = acc + _tc_loss(time[lo:lo + bh], freq_emb, ug, vg, ng)[0, 0]
    lo += bh
  return acc / B

# --- scband reference (transcript-rebuilt; emitter-appended) ---
"""Pipeline reference for scband-timestamped-skip-gram-model-62354335203885 (READ-ONLY COPY).

The authoritative reference and input builder live on the scoring server;
editing this copy changes nothing except your own understanding.
"""

import jax, jax.numpy as jnp
import numpy as np

VOCAB = 100000
D = 128
B = 16384
NEG = 5

def setup_inputs(seed: int = 0) -> dict:
    key = jax.random.key(seed)
    k1, k2, k3, k4, k5, k6, k7 = jax.random.split(key, 7)
    u_table = jax.random.normal(k1, (VOCAB, D), dtype=jnp.float32) * 0.02
    v_table = jax.random.normal(k2, (VOCAB, D), dtype=jnp.float32) * 0.02
    freq_emb = jax.random.normal(k3, (D,), dtype=jnp.float32)
    time = jax.random.uniform(k4, (B,), dtype=jnp.float32) * 100.0
    pos_u = jax.random.randint(k5, (B,), 0, VOCAB)
    pos_v = jax.random.randint(k6, (B,), 0, VOCAB)
    neg_v = jax.random.randint(k7, (B, NEG), 0, VOCAB)
    return {"u_table": u_table, "v_table": v_table, "freq_emb": freq_emb,
            "time": time, "pos_u": pos_u, "pos_v": pos_v, "neg_v": neg_v}

def reference(u_table, v_table, freq_emb, time, pos_u, pos_v, neg_v):
    # Time2Sin encoder: sin(time * frequency_emb)  -> [B, D]
    time_enc = jnp.sin(time[:, None] * freq_emb[None, :])
    # center-word embedding lookup + timestamp encoding
    emb_u = jnp.take(u_table, pos_u, axis=0) + time_enc
    # context-word embedding lookup
    emb_v = jnp.take(v_table, pos_v, axis=0)
    # positive score: -log sigmoid(u . v)
    score = jnp.sum(emb_u * emb_v, axis=-1)
    score = jnp.clip(score, -10.0, 10.0)
    pos_loss = -jax.nn.log_sigmoid(score)
    # negative-sample lookups [B, NEG, D]
    neg_emb = jnp.take(v_table, neg_v.reshape(-1), axis=0).reshape(B, NEG, D)
    neg_score = jnp.einsum('bkd,bd->bk', neg_emb, emb_u)
    neg_score = jnp.clip(neg_score, -10.0, 10.0)
    neg_loss = -jnp.sum(jax.nn.log_sigmoid(-neg_score), axis=-1)
    return jnp.mean(pos_loss + neg_loss)

if __name__ == "__main__":
    import jax
    _d = setup_inputs()
    print(jax.jit(kernel)(*tuple(_d.values())))

</pallas_src>

<mosaic_0001>
#map = affine_map<(d0, d1) -> (0, 0)>
#map1 = affine_map<(d0, d1) -> (0)>
module attributes {stable_mosaic.version = 14 : i64} {
  func.func @_sc_gather_body(%arg0: i32, %arg1: i32, %arg2: memref<100000x128xf32, #tpu.memory_space<hbm>>, %arg3: memref<100000x128xf32, #tpu.memory_space<hbm>>, %arg4: memref<4096xi32, #tpu.memory_space<hbm>>, %arg5: memref<4096xi32, #tpu.memory_space<hbm>>, %arg6: memref<20480xi32, #tpu.memory_space<hbm>>, %arg7: memref<4096x128xf32, #tpu.memory_space<hbm>>, %arg8: memref<4096x128xf32, #tpu.memory_space<hbm>>, %arg9: memref<20480x128xf32, #tpu.memory_space<hbm>>, %arg10: memref<128xi32, #tpu.memory_space<vmem>>, %arg11: memref<128xi32, #tpu.memory_space<vmem>>, %arg12: memref<640xi32, #tpu.memory_space<vmem>>, %arg13: memref<128x128xf32, #tpu.memory_space<vmem>>, %arg14: memref<128x128xf32, #tpu.memory_space<vmem>>, %arg15: memref<128x128xf32, #tpu.memory_space<vmem>>, %arg16: memref<128x128xf32, #tpu.memory_space<vmem>>, %arg17: memref<128x128xf32, #tpu.memory_space<vmem>>, %arg18: memref<128x128xf32, #tpu.memory_space<vmem>>, %arg19: memref<!tpu.dma_semaphore, #tpu.memory_space<semaphore_mem>>, %arg20: memref<!tpu.dma_semaphore, #tpu.memory_space<semaphore_mem>>, %arg21: memref<!tpu.dma_semaphore, #tpu.memory_space<semaphore_mem>>, %arg22: memref<!tpu.dma_semaphore, #tpu.memory_space<semaphore_mem>>, %arg23: memref<!tpu.dma_semaphore, #tpu.memory_space<semaphore_mem>>, %arg24: memref<!tpu.dma_semaphore, #tpu.memory_space<semaphore_mem>>, %arg25: memref<!tpu.dma_semaphore, #tpu.memory_space<semaphore_mem>>, %arg26: memref<!tpu.dma_semaphore, #tpu.memory_space<semaphore_mem>>, %arg27: memref<!tpu.dma_semaphore, #tpu.memory_space<semaphore_mem>>, %arg28: memref<!tpu.dma_semaphore, #tpu.memory_space<semaphore_mem>>, %arg29: memref<!tpu.dma_semaphore, #tpu.memory_space<semaphore_mem>>, %arg30: memref<!tpu.dma_semaphore, #tpu.memory_space<semaphore_mem>>) attributes {dimension_semantics = [#tpu.dimension_semantics<core_parallel>, #tpu.dimension_semantics<subcore_parallel>], iteration_bounds = array<i64: 2, 16>, scalar_prefetch = 0 : i64, scratch_operands = 21 : i64, tpu.core_type = #tpu.core_type<sc_vector_subcore>, window_params = [{transform_indices = #map}, {transform_indices = #map}, {transform_indices = #map1}, {transform_indices = #map1}, {transform_indices = #map1}, {transform_indices = #map}, {transform_indices = #map}, {transform_indices = #map}]} {
    %mul3A = arith.constant 2 : i32
    %mul3A_0 = arith.muli %arg1, %mul3A : i32
    %add3A = arith.addi %mul3A_0, %arg0 : i32
    %mul3A_1 = arith.constant 128 : i32
    %mul3A_2 = arith.muli %add3A, %mul3A_1 : i32
    %dma_start3A = tpu.memref_slice %arg4[%mul3A_2] : memref<4096xi32, #tpu.memory_space<hbm>> -> memref<128xi32, #tpu.memory_space<hbm>>
    %dma_start3A_3 = tpu.memref_slice %arg4[%mul3A_2] : memref<4096xi32, #tpu.memory_space<hbm>> -> memref<128xi32, #tpu.memory_space<hbm>>
    tpu.enqueue_dma source(%dma_start3A_3 : memref<128xi32, #tpu.memory_space<hbm>>) target(%arg10 : memref<128xi32, #tpu.memory_space<vmem>>) target_semaphore(%arg25 : memref<!tpu.dma_semaphore, #tpu.memory_space<semaphore_mem>>)
    %mul3A_4 = arith.constant 128 : i32
    %mul3A_5 = arith.muli %add3A, %mul3A_4 : i32
    %dma_start3A_6 = tpu.memref_slice %arg5[%mul3A_5] : memref<4096xi32, #tpu.memory_space<hbm>> -> memref<128xi32, #tpu.memory_space<hbm>>
    %dma_start3A_7 = tpu.memref_slice %arg5[%mul3A_5] : memref<4096xi32, #tpu.memory_space<hbm>> -> memref<128xi32, #tpu.memory_space<hbm>>
    tpu.enqueue_dma source(%dma_start3A_7 : memref<128xi32, #tpu.memory_space<hbm>>) target(%arg11 : memref<128xi32, #tpu.memory_space<vmem>>) target_semaphore(%arg26 : memref<!tpu.dma_semaphore, #tpu.memory_space<semaphore_mem>>)
    %mul3A_8 = arith.constant 640 : i32
    %mul3A_9 = arith.muli %add3A, %mul3A_8 : i32
    %dma_start3A_10 = tpu.memref_slice %arg6[%mul3A_9] : memref<20480xi32, #tpu.memory_space<hbm>> -> memref<640xi32, #tpu.memory_space<hbm>>
    %dma_start3A_11 = tpu.memref_slice %arg6[%mul3A_9] : memref<20480xi32, #tpu.memory_space<hbm>> -> memref<640xi32, #tpu.memory_space<hbm>>
    tpu.enqueue_dma source(%dma_start3A_11 : memref<640xi32, #tpu.memory_space<hbm>>) target(%arg12 : memref<640xi32, #tpu.memory_space<vmem>>) target_semaphore(%arg27 : memref<!tpu.dma_semaphore, #tpu.memory_space<semaphore_mem>>)
    %dma_wait3A = tpu.memref_slice %arg4[%mul3A_2] : memref<4096xi32, #tpu.memory_space<hbm>> -> memref<128xi32, #tpu.memory_space<hbm>>
    %dma_wait3A_12 = tpu.memref_slice %arg4[%mul3A_2] : memref<4096xi32, #tpu.memory_space<hbm>> -> memref<128xi32, #tpu.memory_space<hbm>>
    tpu.wait_dma2 semaphore(%arg25 : memref<!tpu.dma_semaphore, #tpu.memory_space<semaphore_mem>>) src(%dma_wait3A_12 : memref<128xi32, #tpu.memory_space<hbm>>) dst(%arg10 : memref<128xi32, #tpu.memory_space<vmem>>)
    %dma_wait3A_13 = tpu.memref_slice %arg5[%mul3A_5] : memref<4096xi32, #tpu.memory_space<hbm>> -> memref<128xi32, #tpu.memory_space<hbm>>
    %dma_wait3A_14 = tpu.memref_slice %arg5[%mul3A_5] : memref<4096xi32, #tpu.memory_space<hbm>> -> memref<128xi32, #tpu.memory_space<hbm>>
    tpu.wait_dma2 semaphore(%arg26 : memref<!tpu.dma_semaphore, #tpu.memory_space<semaphore_mem>>) src(%dma_wait3A_14 : memref<128xi32, #tpu.memory_space<hbm>>) dst(%arg11 : memref<128xi32, #tpu.memory_space<vmem>>)
    %dma_wait3A_15 = tpu.memref_slice %arg6[%mul3A_9] : memref<20480xi32, #tpu.memory_space<hbm>> -> memref<640xi32, #tpu.memory_space<hbm>>
    %dma_wait3A_16 = tpu.memref_slice %arg6[%mul3A_9] : memref<20480xi32, #tpu.memory_space<hbm>> -> memref<640xi32, #tpu.memory_space<hbm>>
    tpu.wait_dma2 semaphore(%arg27 : memref<!tpu.dma_semaphore, #tpu.memory_space<semaphore_mem>>) src(%dma_wait3A_16 : memref<640xi32, #tpu.memory_space<hbm>>) dst(%arg12 : memref<640xi32, #tpu.memory_space<vmem>>)
    %mul3A_17 = arith.constant 128 : i32
    %mul3A_18 = arith.muli %add3A, %mul3A_17 : i32
    %add3A_19 = arith.constant 0 : i32
    %add3A_20 = arith.addi %mul3A_18, %add3A_19 : i32
    %mul3A_21 = arith.constant 128 : i32
    %mul3A_22 = arith.muli %add3A, %mul3A_21 : i32
    %add3A_23 = arith.constant 0 : i32
    %add3A_24 = arith.addi %mul3A_22, %add3A_23 : i32
    %mul3A_25 = arith.constant 640 : i32
    %mul3A_26 = arith.muli %add3A, %mul3A_25 : i32
    %add3A_27 = arith.constant 0 : i32
    %add3A_28 = arith.addi %mul3A_26, %add3A_27 : i32
    %mul3A_29 = arith.constant 640 : i32
    %mul3A_30 = arith.muli %add3A, %mul3A_29 : i32
    %add3A_31 = arith.constant 128 : i32
    %add3A_32 = arith.addi %mul3A_30, %add3A_31 : i32
    %mul3A_33 = arith.constant 640 : i32
    %mul3A_34 = arith.muli %add3A, %mul3A_33 : i32
    %add3A_35 = arith.constant 256 : i32
    %add3A_36 = arith.addi %mul3A_34, %add3A_35 : i32
    %mul3A_37 = arith.constant 640 : i32
    %mul3A_38 = arith.muli %add3A, %mul3A_37 : i32
    %add3A_39 = arith.constant 384 : i32
    %add3A_40 = arith.addi %mul3A_38, %add3A_39 : i32
    %mul3A_41 = arith.constant 640 : i32
    %mul3A_42 = arith.muli %add3A, %mul3A_41 : i32
    %add3A_43 = arith.constant 512 : i32
    %add3A_44 = arith.addi %mul3A_42, %add3A_43 : i32
    %dma_start3A_45 = arith.constant 0 : i32
    %dma_start3A_46 = tpu.memref_slice %arg10[%dma_start3A_45] : memref<128xi32, #tpu.memory_space<vmem>> -> memref<128xi32, #tpu.memory_space<vmem>>
    %dma_start3A_47 = arith.constant 0 : i32
    %dma_start3A_48 = arith.constant 0 : i32
    %dma_start3A_49 = tpu.memref_slice %arg2[%dma_start3A_47, %dma_start3A_48] : memref<100000x128xf32, #tpu.memory_space<hbm>> -> memref<100000x128xf32, #tpu.memory_space<hbm>>
    tpu.enqueue_indirect_dma source(%dma_start3A_49 : memref<100000x128xf32, #tpu.memory_space<hbm>>) target(%arg13 : memref<128x128xf32, #tpu.memory_space<vmem>>) offsets(%dma_start3A_46 : memref<128xi32, #tpu.memory_space<vmem>>) semaphore(%arg19 : memref<!tpu.dma_semaphore, #tpu.memory_space<semaphore_mem>>)
    %dma_start3A_50 = arith.constant 0 : i32
    %dma_start3A_51 = tpu.memref_slice %arg11[%dma_start3A_50] : memref<128xi32, #tpu.memory_space<vmem>> -> memref<128xi32, #tpu.memory_space<vmem>>
    %dma_start3A_52 = arith.constant 0 : i32
    %dma_start3A_53 = arith.constant 0 : i32
    %dma_start3A_54 = tpu.memref_slice %arg3[%dma_start3A_52, %dma_start3A_53] : memref<100000x128xf32, #tpu.memory_space<hbm>> -> memref<100000x128xf32, #tpu.memory_space<hbm>>
    tpu.enqueue_indirect_dma source(%dma_start3A_54 : memref<100000x128xf32, #tpu.memory_space<hbm>>) target(%arg14 : memref<128x128xf32, #tpu.memory_space<vmem>>) offsets(%dma_start3A_51 : memref<128xi32, #tpu.memory_space<vmem>>) semaphore(%arg20 : memref<!tpu.dma_semaphore, #tpu.memory_space<semaphore_mem>>)
    %dma_start3A_55 = arith.constant 0 : i32
    %dma_start3A_56 = tpu.memref_slice %arg12[%dma_start3A_55] : memref<640xi32, #tpu.memory_space<vmem>> -> memref<128xi32, #tpu.memory_space<vmem>>
    %dma_start3A_57 = arith.constant 0 : i32
    %dma_start3A_58 = arith.constant 0 : i32
    %dma_start3A_59 = tpu.memref_slice %arg3[%dma_start3A_57, %dma_start3A_58] : memref<100000x128xf32, #tpu.memory_space<hbm>> -> memref<100000x128xf32, #tpu.memory_space<hbm>>
    tpu.enqueue_indirect_dma source(%dma_start3A_59 : memref<100000x128xf32, #tpu.memory_space<hbm>>) target(%arg15 : memref<128x128xf32, #tpu.memory_space<vmem>>) offsets(%dma_start3A_56 : memref<128xi32, #tpu.memory_space<vmem>>) semaphore(%arg21 : memref<!tpu.dma_semaphore, #tpu.memory_space<semaphore_mem>>)
    %dma_start3A_60 = arith.constant 128 : i32
    %dma_start3A_61 = tpu.memref_slice %arg12[%dma_start3A_60] : memref<640xi32, #tpu.memory_space<vmem>> -> memref<128xi32, #tpu.memory_space<vmem>>
    %dma_start3A_62 = arith.constant 0 : i32
    %dma_start3A_63 = arith.constant 0 : i32
    %dma_start3A_64 = tpu.memref_slice %arg3[%dma_start3A_62, %dma_start3A_63] : memref<100000x128xf32, #tpu.memory_space<hbm>> -> memref<100000x128xf32, #tpu.memory_space<hbm>>
    tpu.enqueue_indirect_dma source(%dma_start3A_64 : memref<100000x128xf32, #tpu.memory_space<hbm>>) target(%arg16 : memref<128x128xf32, #tpu.memory_space<vmem>>) offsets(%dma_start3A_61 : memref<128xi32, #tpu.memory_space<vmem>>) semaphore(%arg22 : memref<!tpu.dma_semaphore, #tpu.memory_space<semaphore_mem>>)
    %dma_start3A_65 = arith.constant 256 : i32
    %dma_start3A_66 = tpu.memref_slice %arg12[%dma_start3A_65] : memref<640xi32, #tpu.memory_space<vmem>> -> memref<128xi32, #tpu.memory_space<vmem>>
    %dma_start3A_67 = arith.constant 0 : i32
    %dma_start3A_68 = arith.constant 0 : i32
    %dma_start3A_69 = tpu.memref_slice %arg3[%dma_start3A_67, %dma_start3A_68] : memref<100000x128xf32, #tpu.memory_space<hbm>> -> memref<100000x128xf32, #tpu.memory_space<hbm>>
    tpu.enqueue_indirect_dma source(%dma_start3A_69 : memref<100000x128xf32, #tpu.memory_space<hbm>>) target(%arg17 : memref<128x128xf32, #tpu.memory_space<vmem>>) offsets(%dma_start3A_66 : memref<128xi32, #tpu.memory_space<vmem>>) semaphore(%arg23 : memref<!tpu.dma_semaphore, #tpu.memory_space<semaphore_mem>>)
    %dma_start3A_70 = arith.constant 384 : i32
    %dma_start3A_71 = tpu.memref_slice %arg12[%dma_start3A_70] : memref<640xi32, #tpu.memory_space<vmem>> -> memref<128xi32, #tpu.memory_space<vmem>>
    %dma_start3A_72 = arith.constant 0 : i32
    %dma_start3A_73 = arith.constant 0 : i32
    %dma_start3A_74 = tpu.memref_slice %arg3[%dma_start3A_72, %dma_start3A_73] : memref<100000x128xf32, #tpu.memory_space<hbm>> -> memref<100000x128xf32, #tpu.memory_space<hbm>>
    tpu.enqueue_indirect_dma source(%dma_start3A_74 : memref<100000x128xf32, #tpu.memory_space<hbm>>) target(%arg18 : memref<128x128xf32, #tpu.memory_space<vmem>>) offsets(%dma_start3A_71 : memref<128xi32, #tpu.memory_space<vmem>>) semaphore(%arg24 : memref<!tpu.dma_semaphore, #tpu.memory_space<semaphore_mem>>)
    %dma_wait3A_75 = arith.constant 0 : i32
    %dma_wait3A_76 = tpu.memref_slice %arg10[%dma_wait3A_75] : memref<128xi32, #tpu.memory_space<vmem>> -> memref<128xi32, #tpu.memory_space<vmem>>
    %dma_wait3A_77 = arith.constant 0 : i32
    %dma_wait3A_78 = arith.constant 0 : i32
    %dma_wait3A_79 = tpu.memref_slice %arg2[%dma_wait3A_77, %dma_wait3A_78] : memref<100000x128xf32, #tpu.memory_space<hbm>> -> memref<100000x128xf32, #tpu.memory_space<hbm>>
    tpu.wait_indirect_dma semaphore(%arg19 : memref<!tpu.dma_semaphore, #tpu.memory_space<semaphore_mem>>) src(%dma_wait3A_79 : memref<100000x128xf32, #tpu.memory_space<hbm>>) dst(%arg13 : memref<128x128xf32, #tpu.memory_space<vmem>>)
    %dma_start3A_80 = arith.constant 0 : i32
    %dma_start3A_81 = tpu.memref_slice %arg7[%add3A_20, %dma_start3A_80] : memref<4096x128xf32, #tpu.memory_space<hbm>> -> memref<128x128xf32, #tpu.memory_space<hbm>>
    %dma_start3A_82 = arith.constant 0 : i32
    %dma_start3A_83 = tpu.memref_slice %arg7[%add3A_20, %dma_start3A_82] : memref<4096x128xf32, #tpu.memory_space<hbm>> -> memref<128x128xf32, #tpu.memory_space<hbm>>
    tpu.enqueue_dma source(%arg13 : memref<128x128xf32, #tpu.memory_space<vmem>>) target(%dma_start3A_83 : memref<128x128xf32, #tpu.memory_space<hbm>>) target_semaphore(%arg25 : memref<!tpu.dma_semaphore, #tpu.memory_space<semaphore_mem>>)
    %dma_wait3A_84 = arith.constant 0 : i32
    %dma_wait3A_85 = tpu.memref_slice %arg7[%add3A_20, %dma_wait3A_84] : memref<4096x128xf32, #tpu.memory_space<hbm>> -> memref<128x128xf32, #tpu.memory_space<hbm>>
    %dma_wait3A_86 = arith.constant 0 : i32
    %dma_wait3A_87 = tpu.memref_slice %arg7[%add3A_20, %dma_wait3A_86] : memref<4096x128xf32, #tpu.memory_space<hbm>> -> memref<128x128xf32, #tpu.memory_space<hbm>>
    tpu.wait_dma2 semaphore(%arg25 : memref<!tpu.dma_semaphore, #tpu.memory_space<semaphore_mem>>) src(%arg13 : memref<128x128xf32, #tpu.memory_space<vmem>>) dst(%dma_wait3A_87 : memref<128x128xf32, #tpu.memory_space<hbm>>)
    %dma_start3A_88 = arith.constant 512 : i32
    %dma_start3A_89 = tpu.memref_slice %arg12[%dma_start3A_88] : memref<640xi32, #tpu.memory_space<vmem>> -> memref<128xi32, #tpu.memory_space<vmem>>
    %dma_start3A_90 = arith.constant 0 : i32
    %dma_start3A_91 = arith.constant 0 : i32
    %dma_start3A_92 = tpu.memref_slice %arg3[%dma_start3A_90, %dma_start3A_91] : memref<100000x128xf32, #tpu.memory_space<hbm>> -> memref<100000x128xf32, #tpu.memory_space<hbm>>
    tpu.enqueue_indirect_dma source(%dma_start3A_92 : memref<100000x128xf32, #tpu.memory_space<hbm>>) target(%arg13 : memref<128x128xf32, #tpu.memory_space<vmem>>) offsets(%dma_start3A_89 : memref<128xi32, #tpu.memory_space<vmem>>) semaphore(%arg19 : memref<!tpu.dma_semaphore, #tpu.memory_space<semaphore_mem>>)
    %dma_wait3A_93 = arith.constant 0 : i32
    %dma_wait3A_94 = tpu.memref_slice %arg11[%dma_wait3A_93] : memref<128xi32, #tpu.memory_space<vmem>> -> memref<128xi32, #tpu.memory_space<vmem>>
    %dma_wait3A_95 = arith.constant 0 : i32
    %dma_wait3A_96 = arith.constant 0 : i32
    %dma_wait3A_97 = tpu.memref_slice %arg3[%dma_wait3A_95, %dma_wait3A_96] : memref<100000x128xf32, #tpu.memory_space<hbm>> -> memref<100000x128xf32, #tpu.memory_space<hbm>>
    tpu.wait_indirect_dma semaphore(%arg20 : memref<!tpu.dma_semaphore, #tpu.memory_space<semaphore_mem>>) src(%dma_wait3A_97 : memref<100000x128xf32, #tpu.memory_space<hbm>>) dst(%arg14 : memref<128x128xf32, #tpu.memory_space<vmem>>)
    %dma_start3A_98 = arith.constant 0 : i32
    %dma_start3A_99 = tpu.memref_slice %arg8[%add3A_24, %dma_start3A_98] : memref<4096x128xf32, #tpu.memory_space<hbm>> -> memref<128x128xf32, #tpu.memory_space<hbm>>
    %dma_start3A_100 = arith.constant 0 : i32
    %dma_start3A_101 = tpu.memref_slice %arg8[%add3A_24, %dma_start3A_100] : memref<4096x128xf32, #tpu.memory_space<hbm>> -> memref<128x128xf32, #tpu.memory_space<hbm>>
    tpu.enqueue_dma source(%arg14 : memref<128x128xf32, #tpu.memory_space<vmem>>) target(%dma_start3A_101 : memref<128x128xf32, #tpu.memory_space<hbm>>) target_semaphore(%arg26 : memref<!tpu.dma_semaphore, #tpu.memory_space<semaphore_mem>>)
    %dma_wait3A_102 = arith.constant 0 : i32
    %dma_wait3A_103 = tpu.memref_slice %arg12[%dma_wait3A_102] : memref<640xi32, #tpu.memory_space<vmem>> -> memref<128xi32, #tpu.memory_space<vmem>>
    %dma_wait3A_104 = arith.constant 0 : i32
    %dma_wait3A_105 = arith.constant 0 : i32
    %dma_wait3A_106 = tpu.memref_slice %arg3[%dma_wait3A_104, %dma_wait3A_105] : memref<100000x128xf32, #tpu.memory_space<hbm>> -> memref<100000x128xf32, #tpu.memory_space<hbm>>
    tpu.wait_indirect_dma semaphore(%arg21 : memref<!tpu.dma_semaphore, #tpu.memory_space<semaphore_mem>>) src(%dma_wait3A_106 : memref<100000x128xf32, #tpu.memory_space<hbm>>) dst(%arg15 : memref<128x128xf32, #tpu.memory_space<vmem>>)
    %dma_start3A_107 = arith.constant 0 : i32
    %dma_start3A_108 = tpu.memref_slice %arg9[%add3A_28, %dma_start3A_107] : memref<20480x128xf32, #tpu.memory_space<hbm>> -> memref<128x128xf32, #tpu.memory_space<hbm>>
    %dma_start3A_109 = arith.constant 0 : i32
    %dma_start3A_110 = tpu.memref_slice %arg9[%add3A_28, %dma_start3A_109] : memref<20480x128xf32, #tpu.memory_space<hbm>> -> memref<128x128xf32, #tpu.memory_space<hbm>>
    tpu.enqueue_dma source(%arg15 : memref<128x128xf32, #tpu.memory_space<vmem>>) target(%dma_start3A_110 : memref<128x128xf32, #tpu.memory_space<hbm>>) target_semaphore(%arg27 : memref<!tpu.dma_semaphore, #tpu.memory_space<semaphore_mem>>)
    %dma_wait3A_111 = arith.constant 128 : i32
    %dma_wait3A_112 = tpu.memref_slice %arg12[%dma_wait3A_111] : memref<640xi32, #tpu.memory_space<vmem>> -> memref<128xi32, #tpu.memory_space<vmem>>
    %dma_wait3A_113 = arith.constant 0 : i32
    %dma_wait3A_114 = arith.constant 0 : i32
    %dma_wait3A_115 = tpu.memref_slice %arg3[%dma_wait3A_113, %dma_wait3A_114] : memref<100000x128xf32, #tpu.memory_space<hbm>> -> memref<100000x128xf32, #tpu.memory_space<hbm>>
    tpu.wait_indirect_dma semaphore(%arg22 : memref<!tpu.dma_semaphore, #tpu.memory_space<semaphore_mem>>) src(%dma_wait3A_115 : memref<100000x128xf32, #tpu.memory_space<hbm>>) dst(%arg16 : memref<128x128xf32, #tpu.memory_space<vmem>>)
    %dma_start3A_116 = arith.constant 0 : i32
    %dma_start3A_117 = tpu.memref_slice %arg9[%add3A_32, %dma_start3A_116] : memref<20480x128xf32, #tpu.memory_space<hbm>> -> memref<128x128xf32, #tpu.memory_space<hbm>>
    %dma_start3A_118 = arith.constant 0 : i32
    %dma_start3A_119 = tpu.memref_slice %arg9[%add3A_32, %dma_start3A_118] : memref<20480x128xf32, #tpu.memory_space<hbm>> -> memref<128x128xf32, #tpu.memory_space<hbm>>
    tpu.enqueue_dma source(%arg16 : memref<128x128xf32, #tpu.memory_space<vmem>>) target(%dma_start3A_119 : memref<128x128xf32, #tpu.memory_space<hbm>>) target_semaphore(%arg28 : memref<!tpu.dma_semaphore, #tpu.memory_space<semaphore_mem>>)
    %dma_wait3A_120 = arith.constant 256 : i32
    %dma_wait3A_121 = tpu.memref_slice %arg12[%dma_wait3A_120] : memref<640xi32, #tpu.memory_space<vmem>> -> memref<128xi32, #tpu.memory_space<vmem>>
    %dma_wait3A_122 = arith.constant 0 : i32
    %dma_wait3A_123 = arith.constant 0 : i32
    %dma_wait3A_124 = tpu.memref_slice %arg3[%dma_wait3A_122, %dma_wait3A_123] : memref<100000x128xf32, #tpu.memory_space<hbm>> -> memref<100000x128xf32, #tpu.memory_space<hbm>>
    tpu.wait_indirect_dma semaphore(%arg23 : memref<!tpu.dma_semaphore, #tpu.memory_space<semaphore_mem>>) src(%dma_wait3A_124 : memref<100000x128xf32, #tpu.memory_space<hbm>>) dst(%arg17 : memref<128x128xf32, #tpu.memory_space<vmem>>)
    %dma_start3A_125 = arith.constant 0 : i32
    %dma_start3A_126 = tpu.memref_slice %arg9[%add3A_36, %dma_start3A_125] : memref<20480x128xf32, #tpu.memory_space<hbm>> -> memref<128x128xf32, #tpu.memory_space<hbm>>
    %dma_start3A_127 = arith.constant 0 : i32
    %dma_start3A_128 = tpu.memref_slice %arg9[%add3A_36, %dma_start3A_127] : memref<20480x128xf32, #tpu.memory_space<hbm>> -> memref<128x128xf32, #tpu.memory_space<hbm>>
    tpu.enqueue_dma source(%arg17 : memref<128x128xf32, #tpu.memory_space<vmem>>) target(%dma_start3A_128 : memref<128x128xf32, #tpu.memory_space<hbm>>) target_semaphore(%arg29 : memref<!tpu.dma_semaphore, #tpu.memory_space<semaphore_mem>>)
    %dma_wait3A_129 = arith.constant 384 : i32
    %dma_wait3A_130 = tpu.memref_slice %arg12[%dma_wait3A_129] : memref<640xi32, #tpu.memory_space<vmem>> -> memref<128xi32, #tpu.memory_space<vmem>>
    %dma_wait3A_131 = arith.constant 0 : i32
    %dma_wait3A_132 = arith.constant 0 : i32
    %dma_wait3A_133 = tpu.memref_slice %arg3[%dma_wait3A_131, %dma_wait3A_132] : memref<100000x128xf32, #tpu.memory_space<hbm>> -> memref<100000x128xf32, #tpu.memory_space<hbm>>
    tpu.wait_indirect_dma semaphore(%arg24 : memref<!tpu.dma_semaphore, #tpu.memory_space<semaphore_mem>>) src(%dma_wait3A_133 : memref<100000x128xf32, #tpu.memory_space<hbm>>) dst(%arg18 : memref<128x128xf32, #tpu.memory_space<vmem>>)
    %dma_start3A_134 = arith.constant 0 : i32
    %dma_start3A_135 = tpu.memref_slice %arg9[%add3A_40, %dma_start3A_134] : memref<20480x128xf32, #tpu.memory_space<hbm>> -> memref<128x128xf32, #tpu.memory_space<hbm>>
    %dma_start3A_136 = arith.constant 0 : i32
    %dma_start3A_137 = tpu.memref_slice %arg9[%add3A_40, %dma_start3A_136] : memref<20480x128xf32, #tpu.memory_space<hbm>> -> memref<128x128xf32, #tpu.memory_space<hbm>>
    tpu.enqueue_dma source(%arg18 : memref<128x128xf32, #tpu.memory_space<vmem>>) target(%dma_start3A_137 : memref<128x128xf32, #tpu.memory_space<hbm>>) target_semaphore(%arg30 : memref<!tpu.dma_semaphore, #tpu.memory_space<semaphore_mem>>)
    %dma_wait3A_138 = arith.constant 512 : i32
    %dma_wait3A_139 = tpu.memref_slice %arg12[%dma_wait3A_138] : memref<640xi32, #tpu.memory_space<vmem>> -> memref<128xi32, #tpu.memory_space<vmem>>
    %dma_wait3A_140 = arith.constant 0 : i32
    %dma_wait3A_141 = arith.constant 0 : i32
    %dma_wait3A_142 = tpu.memref_slice %arg3[%dma_wait3A_140, %dma_wait3A_141] : memref<100000x128xf32, #tpu.memory_space<hbm>> -> memref<100000x128xf32, #tpu.memory_space<hbm>>
    tpu.wait_indirect_dma semaphore(%arg19 : memref<!tpu.dma_semaphore, #tpu.memory_space<semaphore_mem>>) src(%dma_wait3A_142 : memref<100000x128xf32, #tpu.memory_space<hbm>>) dst(%arg13 : memref<128x128xf32, #tpu.memory_space<vmem>>)
    %dma_start3A_143 = arith.constant 0 : i32
    %dma_start3A_144 = tpu.memref_slice %arg9[%add3A_44, %dma_start3A_143] : memref<20480x128xf32, #tpu.memory_space<hbm>> -> memref<128x128xf32, #tpu.memory_space<hbm>>
    %dma_start3A_145 = arith.constant 0 : i32
    %dma_start3A_146 = tpu.memref_slice %arg9[%add3A_44, %dma_start3A_145] : memref<20480x128xf32, #tpu.memory_space<hbm>> -> memref<128x128xf32, #tpu.memory_space<hbm>>
    tpu.enqueue_dma source(%arg13 : memref<128x128xf32, #tpu.memory_space<vmem>>) target(%dma_start3A_146 : memref<128x128xf32, #tpu.memory_space<hbm>>) target_semaphore(%arg25 : memref<!tpu.dma_semaphore, #tpu.memory_space<semaphore_mem>>)
    %dma_wait3A_147 = arith.constant 0 : i32
    %dma_wait3A_148 = tpu.memref_slice %arg8[%add3A_24, %dma_wait3A_147] : memref<4096x128xf32, #tpu.memory_space<hbm>> -> memref<128x128xf32, #tpu.memory_space<hbm>>
    %dma_wait3A_149 = arith.constant 0 : i32
    %dma_wait3A_150 = tpu.memref_slice %arg8[%add3A_24, %dma_wait3A_149] : memref<4096x128xf32, #tpu.memory_space<hbm>> -> memref<128x128xf32, #tpu.memory_space<hbm>>
    tpu.wait_dma2 semaphore(%arg26 : memref<!tpu.dma_semaphore, #tpu.memory_space<semaphore_mem>>) src(%arg14 : memref<128x128xf32, #tpu.memory_space<vmem>>) dst(%dma_wait3A_150 : memref<128x128xf32, #tpu.memory_space<hbm>>)
    %dma_wait3A_151 = arith.constant 0 : i32
    %dma_wait3A_152 = tpu.memref_slice %arg9[%add3A_28, %dma_wait3A_151] : memref<20480x128xf32, #tpu.memory_space<hbm>> -> memref<128x128xf32, #tpu.memory_space<hbm>>
    %dma_wait3A_153 = arith.constant 0 : i32
    %dma_wait3A_154 = tpu.memref_slice %arg9[%add3A_28, %dma_wait3A_153] : memref<20480x128xf32, #tpu.memory_space<hbm>> -> memref<128x128xf32, #tpu.memory_space<hbm>>
    tpu.wait_dma2 semaphore(%arg27 : memref<!tpu.dma_semaphore, #tpu.memory_space<semaphore_mem>>) src(%arg15 : memref<128x128xf32, #tpu.memory_space<vmem>>) dst(%dma_wait3A_154 : memref<128x128xf32, #tpu.memory_space<hbm>>)
    %dma_wait3A_155 = arith.constant 0 : i32
    %dma_wait3A_156 = tpu.memref_slice %arg9[%add3A_32, %dma_wait3A_155] : memref<20480x128xf32, #tpu.memory_space<hbm>> -> memref<128x128xf32, #tpu.memory_space<hbm>>
    %dma_wait3A_157 = arith.constant 0 : i32
    %dma_wait3A_158 = tpu.memref_slice %arg9[%add3A_32, %dma_wait3A_157] : memref<20480x128xf32, #tpu.memory_space<hbm>> -> memref<128x128xf32, #tpu.memory_space<hbm>>
    tpu.wait_dma2 semaphore(%arg28 : memref<!tpu.dma_semaphore, #tpu.memory_space<semaphore_mem>>) src(%arg16 : memref<128x128xf32, #tpu.memory_space<vmem>>) dst(%dma_wait3A_158 : memref<128x128xf32, #tpu.memory_space<hbm>>)
    %dma_wait3A_159 = arith.constant 0 : i32
    %dma_wait3A_160 = tpu.memref_slice %arg9[%add3A_36, %dma_wait3A_159] : memref<20480x128xf32, #tpu.memory_space<hbm>> -> memref<128x128xf32, #tpu.memory_space<hbm>>
    %dma_wait3A_161 = arith.constant 0 : i32
    %dma_wait3A_162 = tpu.memref_slice %arg9[%add3A_36, %dma_wait3A_161] : memref<20480x128xf32, #tpu.memory_space<hbm>> -> memref<128x128xf32, #tpu.memory_space<hbm>>
    tpu.wait_dma2 semaphore(%arg29 : memref<!tpu.dma_semaphore, #tpu.memory_space<semaphore_mem>>) src(%arg17 : memref<128x128xf32, #tpu.memory_space<vmem>>) dst(%dma_wait3A_162 : memref<128x128xf32, #tpu.memory_space<hbm>>)
    %dma_wait3A_163 = arith.constant 0 : i32
    %dma_wait3A_164 = tpu.memref_slice %arg9[%add3A_40, %dma_wait3A_163] : memref<20480x128xf32, #tpu.memory_space<hbm>> -> memref<128x128xf32, #tpu.memory_space<hbm>>
    %dma_wait3A_165 = arith.constant 0 : i32
    %dma_wait3A_166 = tpu.memref_slice %arg9[%add3A_40, %dma_wait3A_165] : memref<20480x128xf32, #tpu.memory_space<hbm>> -> memref<128x128xf32, #tpu.memory_space<hbm>>
    tpu.wait_dma2 semaphore(%arg30 : memref<!tpu.dma_semaphore, #tpu.memory_space<semaphore_mem>>) src(%arg18 : memref<128x128xf32, #tpu.memory_space<vmem>>) dst(%dma_wait3A_166 : memref<128x128xf32, #tpu.memory_space<hbm>>)
    %dma_wait3A_167 = arith.constant 0 : i32
    %dma_wait3A_168 = tpu.memref_slice %arg9[%add3A_44, %dma_wait3A_167] : memref<20480x128xf32, #tpu.memory_space<hbm>> -> memref<128x128xf32, #tpu.memory_space<hbm>>
    %dma_wait3A_169 = arith.constant 0 : i32
    %dma_wait3A_170 = tpu.memref_slice %arg9[%add3A_44, %dma_wait3A_169] : memref<20480x128xf32, #tpu.memory_space<hbm>> -> memref<128x128xf32, #tpu.memory_space<hbm>>
    tpu.wait_dma2 semaphore(%arg25 : memref<!tpu.dma_semaphore, #tpu.memory_space<semaphore_mem>>) src(%arg13 : memref<128x128xf32, #tpu.memory_space<vmem>>) dst(%dma_wait3A_170 : memref<128x128xf32, #tpu.memory_space<hbm>>)
    return
  }
}

#map = affine_map<(d0, d1) -> (0, 0)>
#map1 = affine_map<(d0, d1) -> (0)>
module attributes {stable_mosaic.version = 14 : i64} {
  func.func @_sc_gather_body(%arg0: i32, %arg1: i32, %arg2: memref<100000x128xf32, #tpu.memory_space<hbm>>, %arg3: memref<100000x128xf32, #tpu.memory_space<hbm>>, %arg4: memref<12288xi32, #tpu.memory_space<hbm>>, %arg5: memref<12288xi32, #tpu.memory_space<hbm>>, %arg6: memref<61440xi32, #tpu.memory_space<hbm>>, %arg7: memref<12288x128xf32, #tpu.memory_space<hbm>>, %arg8: memref<12288x128xf32, #tpu.memory_space<hbm>>, %arg9: memref<61440x128xf32, #tpu.memory_space<hbm>>, %arg10: memref<384xi32, #tpu.memory_space<vmem>>, %arg11: memref<384xi32, #tpu.memory_space<vmem>>, %arg12: memref<1920xi32, #tpu.memory_space<vmem>>, %arg13: memref<128x128xf32, #tpu.memory_space<vmem>>, %arg14: memref<128x128xf32, #tpu.memory_space<vmem>>, %arg15: memref<128x128xf32, #tpu.memory_space<vmem>>, %arg16: memref<128x128xf32, #tpu.memory_space<vmem>>, %arg17: memref<128x128xf32, #tpu.memory_space<vmem>>, %arg18: memref<128x128xf32, #tpu.memory_space<vmem>>, %arg19: memref<!tpu.dma_semaphore, #tpu.memory_space<semaphore_mem>>, %arg20: memref<!tpu.dma_semaphore, #tpu.memory_space<semaphore_mem>>, %arg21: memref<!tpu.dma_semaphore, #tpu.memory_space<semaphore_mem>>, %arg22: memref<!tpu.dma_semaphore, #tpu.memory_space<semaphore_mem>>, %arg23: memref<!tpu.dma_semaphore, #tpu.memory_space<semaphore_mem>>, %arg24: memref<!tpu.dma_semaphore, #tpu.memory_space<semaphore_mem>>, %arg25: memref<!tpu.dma_semaphore, #tpu.memory_space<semaphore_mem>>, %arg26: memref<!tpu.dma_semaphore, #tpu.memory_space<semaphore_mem>>, %arg27: memref<!tpu.dma_semaphore, #tpu.memory_space<semaphore_mem>>, %arg28: memref<!tpu.dma_semaphore, #tpu.memory_space<semaphore_mem>>, %arg29: memref<!tpu.dma_semaphore, #tpu.memory_space<semaphore_mem>>, %arg30: memref<!tpu.dma_semaphore, #tpu.memory_space<semaphore_mem>>) attributes {dimension_semantics = [#tpu.dimension_semantics<core_parallel>, #tpu.dimension_semantics<subcore_parallel>], iteration_bounds = array<i64: 2, 16>, scalar_prefetch = 0 : i64, scratch_operands = 21 : i64, tpu.core_type = #tpu.core_type<sc_vector_subcore>, window_params = [{transform_indices = #map}, {transform_indices = #map}, {transform_indices = #map1}, {transform_indices = #map1}, {transform_indices = #map1}, {transform_indices = #map}, {transform_indices = #map}, {transform_indices = #map}]} {
    %mul3A = arith.constant 2 : i32
    %mul3A_0 = arith.muli %arg1, %mul3A : i32
    %add3A = arith.addi %mul3A_0, %arg0 : i32
    %mul3A_1 = arith.constant 384 : i32
    %mul3A_2 = arith.muli %add3A, %mul3A_1 : i32
    %dma_start3A = tpu.memref_slice %arg4[%mul3A_2] : memref<12288xi32, #tpu.memory_space<hbm>> -> memref<384xi32, #tpu.memory_space<hbm>>
    %dma_start3A_3 = tpu.memref_slice %arg4[%mul3A_2] : memref<12288xi32, #tpu.memory_space<hbm>> -> memref<384xi32, #tpu.memory_space<hbm>>
    tpu.enqueue_dma source(%dma_start3A_3 : memref<384xi32, #tpu.memory_space<hbm>>) target(%arg10 : memref<384xi32, #tpu.memory_space<vmem>>) target_semaphore(%arg25 : memref<!tpu.dma_semaphore, #tpu.memory_space<semaphore_mem>>)
    %mul3A_4 = arith.constant 384 : i32
    %mul3A_5 = arith.muli %add3A, %mul3A_4 : i32
    %dma_start3A_6 = tpu.memref_slice %arg5[%mul3A_5] : memref<12288xi32, #tpu.memory_space<hbm>> -> memref<384xi32, #tpu.memory_space<hbm>>
    %dma_start3A_7 = tpu.memref_slice %arg5[%mul3A_5] : memref<12288xi32, #tpu.memory_space<hbm>> -> memref<384xi32, #tpu.memory_space<hbm>>
    tpu.enqueue_dma source(%dma_start3A_7 : memref<384xi32, #tpu.memory_space<hbm>>) target(%arg11 : memref<384xi32, #tpu.memory_space<vmem>>) target_semaphore(%arg26 : memref<!tpu.dma_semaphore, #tpu.memory_space<semaphore_mem>>)
    %mul3A_8 = arith.constant 1920 : i32
    %mul3A_9 = arith.muli %add3A, %mul3A_8 : i32
    %dma_start3A_10 = tpu.memref_slice %arg6[%mul3A_9] : memref<61440xi32, #tpu.memory_space<hbm>> -> memref<1920xi32, #tpu.memory_space<hbm>>
    %dma_start3A_11 = tpu.memref_slice %arg6[%mul3A_9] : memref<61440xi32, #tpu.memory_space<hbm>> -> memref<1920xi32, #tpu.memory_space<hbm>>
    tpu.enqueue_dma source(%dma_start3A_11 : memref<1920xi32, #tpu.memory_space<hbm>>) target(%arg12 : memref<1920xi32, #tpu.memory_space<vmem>>) target_semaphore(%arg27 : memref<!tpu.dma_semaphore, #tpu.memory_space<semaphore_mem>>)
    %dma_wait3A = tpu.memref_slice %arg4[%mul3A_2] : memref<12288xi32, #tpu.memory_space<hbm>> -> memref<384xi32, #tpu.memory_space<hbm>>
    %dma_wait3A_12 = tpu.memref_slice %arg4[%mul3A_2] : memref<12288xi32, #tpu.memory_space<hbm>> -> memref<384xi32, #tpu.memory_space<hbm>>
    tpu.wait_dma2 semaphore(%arg25 : memref<!tpu.dma_semaphore, #tpu.memory_space<semaphore_mem>>) src(%dma_wait3A_12 : memref<384xi32, #tpu.memory_space<hbm>>) dst(%arg10 : memref<384xi32, #tpu.memory_space<vmem>>)
    %dma_wait3A_13 = tpu.memref_slice %arg5[%mul3A_5] : memref<12288xi32, #tpu.memory_space<hbm>> -> memref<384xi32, #tpu.memory_space<hbm>>
    %dma_wait3A_14 = tpu.memref_slice %arg5[%mul3A_5] : memref<12288xi32, #tpu.memory_space<hbm>> -> memref<384xi32, #tpu.memory_space<hbm>>
    tpu.wait_dma2 semaphore(%arg26 : memref<!tpu.dma_semaphore, #tpu.memory_space<semaphore_mem>>) src(%dma_wait3A_14 : memref<384xi32, #tpu.memory_space<hbm>>) dst(%arg11 : memref<384xi32, #tpu.memory_space<vmem>>)
    %dma_wait3A_15 = tpu.memref_slice %arg6[%mul3A_9] : memref<61440xi32, #tpu.memory_space<hbm>> -> memref<1920xi32, #tpu.memory_space<hbm>>
    %dma_wait3A_16 = tpu.memref_slice %arg6[%mul3A_9] : memref<61440xi32, #tpu.memory_space<hbm>> -> memref<1920xi32, #tpu.memory_space<hbm>>
    tpu.wait_dma2 semaphore(%arg27 : memref<!tpu.dma_semaphore, #tpu.memory_space<semaphore_mem>>) src(%dma_wait3A_16 : memref<1920xi32, #tpu.memory_space<hbm>>) dst(%arg12 : memref<1920xi32, #tpu.memory_space<vmem>>)
    %mul3A_17 = arith.constant 384 : i32
    %mul3A_18 = arith.muli %add3A, %mul3A_17 : i32
    %add3A_19 = arith.constant 0 : i32
    %add3A_20 = arith.addi %mul3A_18, %add3A_19 : i32
    %mul3A_21 = arith.constant 384 : i32
    %mul3A_22 = arith.muli %add3A, %mul3A_21 : i32
    %add3A_23 = arith.constant 128 : i32
    %add3A_24 = arith.addi %mul3A_22, %add3A_23 : i32
    %mul3A_25 = arith.constant 384 : i32
    %mul3A_26 = arith.muli %add3A, %mul3A_25 : i32
    %add3A_27 = arith.constant 256 : i32
    %add3A_28 = arith.addi %mul3A_26, %add3A_27 : i32
    %mul3A_29 = arith.constant 384 : i32
    %mul3A_30 = arith.muli %add3A, %mul3A_29 : i32
    %add3A_31 = arith.constant 0 : i32
    %add3A_32 = arith.addi %mul3A_30, %add3A_31 : i32
    %mul3A_33 = arith.constant 384 : i32
    %mul3A_34 = arith.muli %add3A, %mul3A_33 : i32
    %add3A_35 = arith.constant 128 : i32
    %add3A_36 = arith.addi %mul3A_34, %add3A_35 : i32
    %mul3A_37 = arith.constant 384 : i32
    %mul3A_38 = arith.muli %add3A, %mul3A_37 : i32
    %add3A_39 = arith.constant 256 : i32
    %add3A_40 = arith.addi %mul3A_38, %add3A_39 : i32
    %mul3A_41 = arith.constant 1920 : i32
    %mul3A_42 = arith.muli %add3A, %mul3A_41 : i32
    %add3A_43 = arith.constant 0 : i32
    %add3A_44 = arith.addi %mul3A_42, %add3A_43 : i32
    %mul3A_45 = arith.constant 1920 : i32
    %mul3A_46 = arith.muli %add3A, %mul3A_45 : i32
    %add3A_47 = arith.constant 128 : i32
    %add3A_48 = arith.addi %mul3A_46, %add3A_47 : i32
    %mul3A_49 = arith.constant 1920 : i32
    %mul3A_50 = arith.muli %add3A, %mul3A_49 : i32
    %add3A_51 = arith.constant 256 : i32
    %add3A_52 = arith.addi %mul3A_50, %add3A_51 : i32
    %mul3A_53 = arith.constant 1920 : i32
    %mul3A_54 = arith.muli %add3A, %mul3A_53 : i32
    %add3A_55 = arith.constant 384 : i32
    %add3A_56 = arith.addi %mul3A_54, %add3A_55 : i32
    %mul3A_57 = arith.constant 1920 : i32
    %mul3A_58 = arith.muli %add3A, %mul3A_57 : i32
    %add3A_59 = arith.constant 512 : i32
    %add3A_60 = arith.addi %mul3A_58, %add3A_59 : i32
    %mul3A_61 = arith.constant 1920 : i32
    %mul3A_62 = arith.muli %add3A, %mul3A_61 : i32
    %add3A_63 = arith.constant 640 : i32
    %add3A_64 = arith.addi %mul3A_62, %add3A_63 : i32
    %mul3A_65 = arith.constant 1920 : i32
    %mul3A_66 = arith.muli %add3A, %mul3A_65 : i32
    %add3A_67 = arith.constant 768 : i32
    %add3A_68 = arith.addi %mul3A_66, %add3A_67 : i32
    %mul3A_69 = arith.constant 1920 : i32
    %mul3A_70 = arith.muli %add3A, %mul3A_69 : i32
    %add3A_71 = arith.constant 896 : i32
    %add3A_72 = arith.addi %mul3A_70, %add3A_71 : i32
    %mul3A_73 = arith.constant 1920 : i32
    %mul3A_74 = arith.muli %add3A, %mul3A_73 : i32
    %add3A_75 = arith.constant 1024 : i32
    %add3A_76 = arith.addi %mul3A_74, %add3A_75 : i32
    %mul3A_77 = arith.constant 1920 : i32
    %mul3A_78 = arith.muli %add3A, %mul3A_77 : i32
    %add3A_79 = arith.constant 1152 : i32
    %add3A_80 = arith.addi %mul3A_78, %add3A_79 : i32
    %mul3A_81 = arith.constant 1920 : i32
    %mul3A_82 = arith.muli %add3A, %mul3A_81 : i32
    %add3A_83 = arith.constant 1280 : i32
    %add3A_84 = arith.addi %mul3A_82, %add3A_83 : i32
    %mul3A_85 = arith.constant 1920 : i32
    %mul3A_86 = arith.muli %add3A, %mul3A_85 : i32
    %add3A_87 = arith.constant 1408 : i32
    %add3A_88 = arith.addi %mul3A_86, %add3A_87 : i32
    %mul3A_89 = arith.constant 1920 : i32
    %mul3A_90 = arith.muli %add3A, %mul3A_89 : i32
    %add3A_91 = arith.constant 1536 : i32
    %add3A_92 = arith.addi %mul3A_90, %add3A_91 : i32
    %mul3A_93 = arith.constant 1920 : i32
    %mul3A_94 = arith.muli %add3A, %mul3A_93 : i32
    %add3A_95 = arith.constant 1664 : i32
    %add3A_96 = arith.addi %mul3A_94, %add3A_95 : i32
    %mul3A_97 = arith.constant 1920 : i32
    %mul3A_98 = arith.muli %add3A, %mul3A_97 : i32
    %add3A_99 = arith.constant 1792 : i32
    %add3A_100 = arith.addi %mul3A_98, %add3A_99 : i32
    %dma_start3A_101 = arith.constant 0 : i32
    %dma_start3A_102 = tpu.memref_slice %arg10[%dma_start3A_101] : memref<384xi32, #tpu.memory_space<vmem>> -> memref<128xi32, #tpu.memory_space<vmem>>
    %dma_start3A_103 = arith.constant 0 : i32
    %dma_start3A_104 = arith.constant 0 : i32
    %dma_start3A_105 = tpu.memref_slice %arg2[%dma_start3A_103, %dma_start3A_104] : memref<100000x128xf32, #tpu.memory_space<hbm>> -> memref<100000x128xf32, #tpu.memory_space<hbm>>
    tpu.enqueue_indirect_dma source(%dma_start3A_105 : memref<100000x128xf32, #tpu.memory_space<hbm>>) target(%arg13 : memref<128x128xf32, #tpu.memory_space<vmem>>) offsets(%dma_start3A_102 : memref<128xi32, #tpu.memory_space<vmem>>) semaphore(%arg19 : memref<!tpu.dma_semaphore, #tpu.memory_space<semaphore_mem>>)
    %dma_start3A_106 = arith.constant 128 : i32
    %dma_start3A_107 = tpu.memref_slice %arg10[%dma_start3A_106] : memref<384xi32, #tpu.memory_space<vmem>> -> memref<128xi32, #tpu.memory_space<vmem>>
    %dma_start3A_108 = arith.constant 0 : i32
    %dma_start3A_109 = arith.constant 0 : i32
    %dma_start3A_110 = tpu.memref_slice %arg2[%dma_start3A_108, %dma_start3A_109] : memref<100000x128xf32, #tpu.memory_space<hbm>> -> memref<100000x128xf32, #tpu.memory_space<hbm>>
    tpu.enqueue_indirect_dma source(%dma_start3A_110 : memref<100000x128xf32, #tpu.memory_space<hbm>>) target(%arg14 : memref<128x128xf32, #tpu.memory_space<vmem>>) offsets(%dma_start3A_107 : memref<128xi32, #tpu.memory_space<vmem>>) semaphore(%arg20 : memref<!tpu.dma_semaphore, #tpu.memory_space<semaphore_mem>>)
    %dma_start3A_111 = arith.constant 256 : i32
    %dma_start3A_112 = tpu.memref_slice %arg10[%dma_start3A_111] : memref<384xi32, #tpu.memory_space<vmem>> -> memref<128xi32, #tpu.memory_space<vmem>>
    %dma_start3A_113 = arith.constant 0 : i32
    %dma_start3A_114 = arith.constant 0 : i32
    %dma_start3A_115 = tpu.memref_slice %arg2[%dma_start3A_113, %dma_start3A_114] : memref<100000x128xf32, #tpu.memory_space<hbm>> -> memref<100000x128xf32, #tpu.memory_space<hbm>>
    tpu.enqueue_indirect_dma source(%dma_start3A_115 : memref<100000x128xf32, #tpu.memory_space<hbm>>) target(%arg15 : memref<128x128xf32, #tpu.memory_space<vmem>>) offsets(%dma_start3A_112 : memref<128xi32, #tpu.memory_space<vmem>>) semaphore(%arg21 : memref<!tpu.dma_semaphore, #tpu.memory_space<semaphore_mem>>)
    %dma_start3A_116 = arith.constant 0 : i32
    %dma_start3A_117 = tpu.memref_slice %arg11[%dma_start3A_116] : memref<384xi32, #tpu.memory_space<vmem>> -> memref<128xi32, #tpu.memory_space<vmem>>
    %dma_start3A_118 = arith.constant 0 : i32
    %dma_start3A_119 = arith.constant 0 : i32
    %dma_start3A_120 = tpu.memref_slice %arg3[%dma_start3A_118, %dma_start3A_119] : memref<100000x128xf32, #tpu.memory_space<hbm>> -> memref<100000x128xf32, #tpu.memory_space<hbm>>
    tpu.enqueue_indirect_dma source(%dma_start3A_120 : memref<100000x128xf32, #tpu.memory_space<hbm>>) target(%arg16 : memref<128x128xf32, #tpu.memory_space<vmem>>) offsets(%dma_start3A_117 : memref<128xi32, #tpu.memory_space<vmem>>) semaphore(%arg22 : memref<!tpu.dma_semaphore, #tpu.memory_space<semaphore_mem>>)
    %dma_start3A_121 = arith.constant 128 : i32
    %dma_start3A_122 = tpu.memref_slice %arg11[%dma_start3A_121] : memref<384xi32, #tpu.memory_space<vmem>> -> memref<128xi32, #tpu.memory_space<vmem>>
    %dma_start3A_123 = arith.constant 0 : i32
    %dma_start3A_124 = arith.constant 0 : i32
    %dma_start3A_125 = tpu.memref_slice %arg3[%dma_start3A_123, %dma_start3A_124] : memref<100000x128xf32, #tpu.memory_space<hbm>> -> memref<100000x128xf32, #tpu.memory_space<hbm>>
    tpu.enqueue_indirect_dma source(%dma_start3A_125 : memref<100000x128xf32, #tpu.memory_space<hbm>>) target(%arg17 : memref<128x128xf32, #tpu.memory_space<vmem>>) offsets(%dma_start3A_122 : memref<128xi32, #tpu.memory_space<vmem>>) semaphore(%arg23 : memref<!tpu.dma_semaphore, #tpu.memory_space<semaphore_mem>>)
    %dma_start3A_126 = arith.constant 256 : i32
    %dma_start3A_127 = tpu.memref_slice %arg11[%dma_start3A_126] : memref<384xi32, #tpu.memory_space<vmem>> -> memref<128xi32, #tpu.memory_space<vmem>>
    %dma_start3A_128 = arith.constant 0 : i32
    %dma_start3A_129 = arith.constant 0 : i32
    %dma_start3A_130 = tpu.memref_slice %arg3[%dma_start3A_128, %dma_start3A_129] : memref<100000x128xf32, #tpu.memory_space<hbm>> -> memref<100000x128xf32, #tpu.memory_space<hbm>>
    tpu.enqueue_indirect_dma source(%dma_start3A_130 : memref<100000x128xf32, #tpu.memory_space<hbm>>) target(%arg18 : memref<128x128xf32, #tpu.memory_space<vmem>>) offsets(%dma_start3A_127 : memref<128xi32, #tpu.memory_space<vmem>>) semaphore(%arg24 : memref<!tpu.dma_semaphore, #tpu.memory_space<semaphore_mem>>)
    %dma_wait3A_131 = arith.constant 0 : i32
    %dma_wait3A_132 = tpu.memref_slice %arg10[%dma_wait3A_131] : memref<384xi32, #tpu.memory_space<vmem>> -> memref<128xi32, #tpu.memory_space<vmem>>
    %dma_wait3A_133 = arith.constant 0 : i32
    %dma_wait3A_134 = arith.constant 0 : i32
    %dma_wait3A_135 = tpu.memref_slice %arg2[%dma_wait3A_133, %dma_wait3A_134] : memref<100000x128xf32, #tpu.memory_space<hbm>> -> memref<100000x128xf32, #tpu.memory_space<hbm>>
    tpu.wait_indirect_dma semaphore(%arg19 : memref<!tpu.dma_semaphore, #tpu.memory_space<semaphore_mem>>) src(%dma_wait3A_135 : memref<100000x128xf32, #tpu.memory_space<hbm>>) dst(%arg13 : memref<128x128xf32, #tpu.memory_space<vmem>>)
    %dma_start3A_136 = arith.constant 0 : i32
    %dma_start3A_137 = tpu.memref_slice %arg7[%add3A_20, %dma_start3A_136] : memref<12288x128xf32, #tpu.memory_space<hbm>> -> memref<128x128xf32, #tpu.memory_space<hbm>>
    %dma_start3A_138 = arith.constant 0 : i32
    %dma_start3A_139 = tpu.memref_slice %arg7[%add3A_20, %dma_start3A_138] : memref<12288x128xf32, #tpu.memory_space<hbm>> -> memref<128x128xf32, #tpu.memory_space<hbm>>
    tpu.enqueue_dma source(%arg13 : memref<128x128xf32, #tpu.memory_space<vmem>>) target(%dma_start3A_139 : memref<128x128xf32, #tpu.memory_space<hbm>>) target_semaphore(%arg25 : memref<!tpu.dma_semaphore, #tpu.memory_space<semaphore_mem>>)
    %dma_wait3A_140 = arith.constant 0 : i32
    %dma_wait3A_141 = tpu.memref_slice %arg7[%add3A_20, %dma_wait3A_140] : memref<12288x128xf32, #tpu.memory_space<hbm>> -> memref<128x128xf32, #tpu.memory_space<hbm>>
    %dma_wait3A_142 = arith.constant 0 : i32
    %dma_wait3A_143 = tpu.memref_slice %arg7[%add3A_20, %dma_wait3A_142] : memref<12288x128xf32, #tpu.memory_space<hbm>> -> memref<128x128xf32, #tpu.memory_space<hbm>>
    tpu.wait_dma2 semaphore(%arg25 : memref<!tpu.dma_semaphore, #tpu.memory_space<semaphore_mem>>) src(%arg13 : memref<128x128xf32, #tpu.memory_space<vmem>>) dst(%dma_wait3A_143 : memref<128x128xf32, #tpu.memory_space<hbm>>)
    %dma_start3A_144 = arith.constant 0 : i32
    %dma_start3A_145 = tpu.memref_slice %arg12[%dma_start3A_144] : memref<1920xi32, #tpu.memory_space<vmem>> -> memref<128xi32, #tpu.memory_space<vmem>>
    %dma_start3A_146 = arith.constant 0 : i32
    %dma_start3A_147 = arith.constant 0 : i32
    %dma_start3A_148 = tpu.memref_slice %arg3[%dma_start3A_146, %dma_start3A_147] : memref<100000x128xf32, #tpu.memory_space<hbm>> -> memref<100000x128xf32, #tpu.memory_space<hbm>>
    tpu.enqueue_indirect_dma source(%dma_start3A_148 : memref<100000x128xf32, #tpu.memory_space<hbm>>) target(%arg13 : memref<128x128xf32, #tpu.memory_space<vmem>>) offsets(%dma_start3A_145 : memref<128xi32, #tpu.memory_space<vmem>>) semaphore(%arg19 : memref<!tpu.dma_semaphore, #tpu.memory_space<semaphore_mem>>)
    %dma_wait3A_149 = arith.constant 128 : i32
    %dma_wait3A_150 = tpu.memref_slice %arg10[%dma_wait3A_149] : memref<384xi32, #tpu.memory_space<vmem>> -> memref<128xi32, #tpu.memory_space<vmem>>
    %dma_wait3A_151 = arith.constant 0 : i32
    %dma_wait3A_152 = arith.constant 0 : i32
    %dma_wait3A_153 = tpu.memref_slice %arg2[%dma_wait3A_151, %dma_wait3A_152] : memref<100000x128xf32, #tpu.memory_space<hbm>> -> memref<100000x128xf32, #tpu.memory_space<hbm>>
    tpu.wait_indirect_dma semaphore(%arg20 : memref<!tpu.dma_semaphore, #tpu.memory_space<semaphore_mem>>) src(%dma_wait3A_153 : memref<100000x128xf32, #tpu.memory_space<hbm>>) dst(%arg14 : memref<128x128xf32, #tpu.memory_space<vmem>>)
    %dma_start3A_154 = arith.constant 0 : i32
    %dma_start3A_155 = tpu.memref_slice %arg7[%add3A_24, %dma_start3A_154] : memref<12288x128xf32, #tpu.memory_space<hbm>> -> memref<128x128xf32, #tpu.memory_space<hbm>>
    %dma_start3A_156 = arith.constant 0 : i32
    %dma_start3A_157 = tpu.memref_slice %arg7[%add3A_24, %dma_start3A_156] : memref<12288x128xf32, #tpu.memory_space<hbm>> -> memref<128x128xf32, #tpu.memory_space<hbm>>
    tpu.enqueue_dma source(%arg14 : memref<128x128xf32, #tpu.memory_space<vmem>>) target(%dma_start3A_157 : memref<128x128xf32, #tpu.memory_space<hbm>>) target_semaphore(%arg26 : memref<!tpu.dma_semaphore, #tpu.memory_space<semaphore_mem>>)
    %dma_wait3A_158 = arith.constant 0 : i32
    %dma_wait3A_159 = tpu.memref_slice %arg7[%add3A_24, %dma_wait3A_158] : memref<12288x128xf32, #tpu.memory_space<hbm>> -> memref<128x128xf32, #tpu.memory_space<hbm>>
    %dma_wait3A_160 = arith.constant 0 : i32
    %dma_wait3A_161 = tpu.memref_slice %arg7[%add3A_24, %dma_wait3A_160] : memref<12288x128xf32, #tpu.memory_space<hbm>> -> memref<128x128xf32, #tpu.memory_space<hbm>>
    tpu.wait_dma2 semaphore(%arg26 : memref<!tpu.dma_semaphore, #tpu.memory_space<semaphore_mem>>) src(%arg14 : memref<128x128xf32, #tpu.memory_space<vmem>>) dst(%dma_wait3A_161 : memref<128x128xf32, #tpu.memory_space<hbm>>)
    %dma_start3A_162 = arith.constant 128 : i32
    %dma_start3A_163 = tpu.memref_slice %arg12[%dma_start3A_162] : memref<1920xi32, #tpu.memory_space<vmem>> -> memref<128xi32, #tpu.memory_space<vmem>>
    %dma_start3A_164 = arith.constant 0 : i32
    %dma_start3A_165 = arith.constant 0 : i32
    %dma_start3A_166 = tpu.memref_slice %arg3[%dma_start3A_164, %dma_start3A_165] : memref<100000x128xf32, #tpu.memory_space<hbm>> -> memref<100000x128xf32, #tpu.memory_space<hbm>>
    tpu.enqueue_indirect_dma source(%dma_start3A_166 : memref<100000x128xf32, #tpu.memory_space<hbm>>) target(%arg14 : memref<128x128xf32, #tpu.memory_space<vmem>>) offsets(%dma_start3A_163 : memref<128xi32, #tpu.memory_space<vmem>>) semaphore(%arg20 : memref<!tpu.dma_semaphore, #tpu.memory_space<semaphore_mem>>)
    %dma_wait3A_167 = arith.constant 256 : i32
    %dma_wait3A_168 = tpu.memref_slice %arg10[%dma_wait3A_167] : memref<384xi32, #tpu.memory_space<vmem>> -> memref<128xi32, #tpu.memory_space<vmem>>
    %dma_wait3A_169 = arith.constant 0 : i32
    %dma_wait3A_170 = arith.constant 0 : i32
    %dma_wait3A_171 = tpu.memref_slice %arg2[%dma_wait3A_169, %dma_wait3A_170] : memref<100000x128xf32, #tpu.memory_space<hbm>> -> memref<100000x128xf32, #tpu.memory_space<hbm>>
    tpu.wait_indirect_dma semaphore(%arg21 : memref<!tpu.dma_semaphore, #tpu.memory_space<semaphore_mem>>) src(%dma_wait3A_171 : memref<100000x128xf32, #tpu.memory_space<hbm>>) dst(%arg15 : memref<128x128xf32, #tpu.memory_space<vmem>>)
    %dma_start3A_172 = arith.constant 0 : i32
    %dma_start3A_173 = tpu.memref_slice %arg7[%add3A_28, %dma_start3A_172] : memref<12288x128xf32, #tpu.memory_space<hbm>> -> memref<128x128xf32, #tpu.memory_space<hbm>>
    %dma_start3A_174 = arith.constant 0 : i32
    %dma_start3A_175 = tpu.memref_slice %arg7[%add3A_28, %dma_start3A_174] : memref<12288x128xf32, #tpu.memory_space<hbm>> -> memref<128x128xf32, #tpu.memory_space<hbm>>
    tpu.enqueue_dma source(%arg15 : memref<128x128xf32, #tpu.memory_space<vmem>>) target(%dma_start3A_175 : memref<128x128xf32, #tpu.memory_space<hbm>>) target_semaphore(%arg27 : memref<!tpu.dma_semaphore, #tpu.memory_space<semaphore_mem>>)
    %dma_wait3A_176 = arith.constant 0 : i32
    %dma_wait3A_177 = tpu.memref_slice %arg7[%add3A_28, %dma_wait3A_176] : memref<12288x128xf32, #tpu.memory_space<hbm>> -> memref<128x128xf32, #tpu.memory_space<hbm>>
    %dma_wait3A_178 = arith.constant 0 : i32
    %dma_wait3A_179 = tpu.memref_slice %arg7[%add3A_28, %dma_wait3A_178] : memref<12288x128xf32, #tpu.memory_space<hbm>> -> memref<128x128xf32, #tpu.memory_space<hbm>>
    tpu.wait_dma2 semaphore(%arg27 : memref<!tpu.dma_semaphore, #tpu.memory_space<semaphore_mem>>) src(%arg15 : memref<128x128xf32, #tpu.memory_space<vmem>>) dst(%dma_wait3A_179 : memref<128x128xf32, #tpu.memory_space<hbm>>)
    %dma_start3A_180 = arith.constant 256 : i32
    %dma_start3A_181 = tpu.memref_slice %arg12[%dma_start3A_180] : memref<1920xi32, #tpu.memory_space<vmem>> -> memref<128xi32, #tpu.memory_space<vmem>>
    %dma_start3A_182 = arith.constant 0 : i32
    %dma_start3A_183 = arith.constant 0 : i32
    %dma_start3A_184 = tpu.memref_slice %arg3[%dma_start3A_182, %dma_start3A_183] : memref<100000x128xf32, #tpu.memory_space<hbm>> -> memref<100000x128xf32, #tpu.memory_space<hbm>>
    tpu.enqueue_indirect_dma source(%dma_start3A_184 : memref<100000x128xf32, #tpu.memory_space<hbm>>) target(%arg15 : memref<128x128xf32, #tpu.memory_space<vmem>>) offsets(%dma_start3A_181 : memref<128xi32, #tpu.memory_space<vmem>>) semaphore(%arg21 : memref<!tpu.dma_semaphore, #tpu.memory_space<semaphore_mem>>)
    %dma_wait3A_185 = arith.constant 0 : i32
    %dma_wait3A_186 = tpu.memref_slice %arg11[%dma_wait3A_185] : memref<384xi32, #tpu.memory_space<vmem>> -> memref<128xi32, #tpu.memory_space<vmem>>
    %dma_wait3A_187 = arith.constant 0 : i32
    %dma_wait3A_188 = arith.constant 0 : i32
    %dma_wait3A_189 = tpu.memref_slice %arg3[%dma_wait3A_187, %dma_wait3A_188] : memref<100000x128xf32, #tpu.memory_space<hbm>> -> memref<100000x128xf32, #tpu.memory_space<hbm>>
    tpu.wait_indirect_dma semaphore(%arg22 : memref<!tpu.dma_semaphore, #tpu.memory_space<semaphore_mem>>) src(%dma_wait3A_189 : memref<100000x128xf32, #tpu.memory_space<hbm>>) dst(%arg16 : memref<128x128xf32, #tpu.memory_space<vmem>>)
    %dma_start3A_190 = arith.constant 0 : i32
    %dma_start3A_191 = tpu.memref_slice %arg8[%add3A_32, %dma_start3A_190] : memref<12288x128xf32, #tpu.memory_space<hbm>> -> memref<128x128xf32, #tpu.memory_space<hbm>>
    %dma_start3A_192 = arith.constant 0 : i32
    %dma_start3A_193 = tpu.memref_slice %arg8[%add3A_32, %dma_start3A_192] : memref<12288x128xf32, #tpu.memory_space<hbm>> -> memref<128x128xf32, #tpu.memory_space<hbm>>
    tpu.enqueue_dma source(%arg16 : memref<128x128xf32, #tpu.memory_space<vmem>>) target(%dma_start3A_193 : memref<128x128xf32, #tpu.memory_space<hbm>>) target_semaphore(%arg28 : memref<!tpu.dma_semaphore, #tpu.memory_space<semaphore_mem>>)
    %dma_wait3A_194 = arith.constant 0 : i32
    %dma_wait3A_195 = tpu.memref_slice %arg8[%add3A_32, %dma_wait3A_194] : memref<12288x128xf32, #tpu.memory_space<hbm>> -> memref<128x128xf32, #tpu.memory_space<hbm>>
    %dma_wait3A_196 = arith.constant 0 : i32
    %dma_wait3A_197 = tpu.memref_slice %arg8[%add3A_32, %dma_wait3A_196] : memref<12288x128xf32, #tpu.memory_space<hbm>> -> memref<128x128xf32, #tpu.memory_space<hbm>>
    tpu.wait_dma2 semaphore(%arg28 : memref<!tpu.dma_semaphore, #tpu.memory_space<semaphore_mem>>) src(%arg16 : memref<128x128xf32, #tpu.memory_space<vmem>>) dst(%dma_wait3A_197 : memref<128x128xf32, #tpu.memory_space<hbm>>)
    %dma_start3A_198 = arith.constant 384 : i32
    %dma_start3A_199 = tpu.memref_slice %arg12[%dma_start3A_198] : memref<1920xi32, #tpu.memory_space<vmem>> -> memref<128xi32, #tpu.memory_space<vmem>>
    %dma_start3A_200 = arith.constant 0 : i32
    %dma_start3A_201 = arith.constant 0 : i32
    %dma_start3A_202 = tpu.memref_slice %arg3[%dma_start3A_200, %dma_start3A_201] : memref<100000x128xf32, #tpu.memory_space<hbm>> -> memref<100000x128xf32, #tpu.memory_space<hbm>>
    tpu.enqueue_indirect_dma source(%dma_start3A_202 : memref<100000x128xf32, #tpu.memory_space<hbm>>) target(%arg16 : memref<128x128xf32, #tpu.memory_space<vmem>>) offsets(%dma_start3A_199 : memref<128xi32, #tpu.memory_space<vmem>>) semaphore(%arg22 : memref<!tpu.dma_semaphore, #tpu.memory_space<semaphore_mem>>)
    %dma_wait3A_203 = arith.constant 128 : i32
    %dma_wait3A_204 = tpu.memref_slice %arg11[%dma_wait3A_203] : memref<384xi32, #tpu.memory_space<vmem>> -> memref<128xi32, #tpu.memory_space<vmem>>
    %dma_wait3A_205 = arith.constant 0 : i32
    %dma_wait3A_206 = arith.constant 0 : i32
    %dma_wait3A_207 = tpu.memref_slice %arg3[%dma_wait3A_205, %dma_wait3A_206] : memref<100000x128xf32, #tpu.memory_space<hbm>> -> memref<100000x128xf32, #tpu.memory_space<hbm>>
    tpu.wait_indirect_dma semaphore(%arg23 : memref<!tpu.dma_semaphore, #tpu.memory_space<semaphore_mem>>) src(%dma_wait3A_207 : memref<100000x128xf32, #tpu.memory_space<hbm>>) dst(%arg17 : memref<128x128xf32, #tpu.memory_space<vmem>>)
    %dma_start3A_208 = arith.constant 0 : i32
    %dma_start3A_209 = tpu.memref_slice %arg8[%add3A_36, %dma_start3A_208] : memref<12288x128xf32, #tpu.memory_space<hbm>> -> memref<128x128xf32, #tpu.memory_space<hbm>>
    %dma_start3A_210 = arith.constant 0 : i32
    %dma_start3A_211 = tpu.memref_slice %arg8[%add3A_36, %dma_start3A_210] : memref<12288x128xf32, #tpu.memory_space<hbm>> -> memref<128x128xf32, #tpu.memory_space<hbm>>
    tpu.enqueue_dma source(%arg17 : memref<128x128xf32, #tpu.memory_space<vmem>>) target(%dma_start3A_211 : memref<128x128xf32, #tpu.memory_space<hbm>>) target_semaphore(%arg29 : memref<!tpu.dma_semaphore, #tpu.memory_space<semaphore_mem>>)
    %dma_wait3A_212 = arith.constant 0 : i32
    %dma_wait3A_213 = tpu.memref_slice %arg8[%add3A_36, %dma_wait3A_212] : memref<12288x128xf32, #tpu.memory_space<hbm>> -> memref<128x128xf32, #tpu.memory_space<hbm>>
    %dma_wait3A_214 = arith.constant 0 : i32
    %dma_wait3A_215 = tpu.memref_slice %arg8[%add3A_36, %dma_wait3A_214] : memref<12288x128xf32, #tpu.memory_space<hbm>> -> memref<128x128xf32, #tpu.memory_space<hbm>>
    tpu.wait_dma2 semaphore(%arg29 : memref<!tpu.dma_semaphore, #tpu.memory_space<semaphore_mem>>) src(%arg17 : memref<128x128xf32, #tpu.memory_space<vmem>>) dst(%dma_wait3A_215 : memref<128x128xf32, #tpu.memory_space<hbm>>)
    %dma_start3A_216 = arith.constant 512 : i32
    %dma_start3A_217 = tpu.memref_slice %arg12[%dma_start3A_216] : memref<1920xi32, #tpu.memory_space<vmem>> -> memref<128xi32, #tpu.memory_space<vmem>>
    %dma_start3A_218 = arith.constant 0 : i32
    %dma_start3A_219 = arith.constant 0 : i32
    %dma_start3A_220 = tpu.memref_slice %arg3[%dma_start3A_218, %dma_start3A_219] : memref<100000x128xf32, #tpu.memory_space<hbm>> -> memref<100000x128xf32, #tpu.memory_space<hbm>>
    tpu.enqueue_indirect_dma source(%dma_start3A_220 : memref<100000x128xf32, #tpu.memory_space<hbm>>) target(%arg17 : memref<128x128xf32, #tpu.memory_space<vmem>>) offsets(%dma_start3A_217 : memref<128xi32, #tpu.memory_space<vmem>>) semaphore(%arg23 : memref<!tpu.dma_semaphore, #tpu.memory_space<semaphore_mem>>)
    %dma_wait3A_221 = arith.constant 256 : i32
    %dma_wait3A_222 = tpu.memref_slice %arg11[%dma_wait3A_221] : memref<384xi32, #tpu.memory_space<vmem>> -> memref<128xi32, #tpu.memory_space<vmem>>
    %dma_wait3A_223 = arith.constant 0 : i32
    %dma_wait3A_224 = arith.constant 0 : i32
    %dma_wait3A_225 = tpu.memref_slice %arg3[%dma_wait3A_223, %dma_wait3A_224] : memref<100000x128xf32, #tpu.memory_space<hbm>> -> memref<100000x128xf32, #tpu.memory_space<hbm>>
    tpu.wait_indirect_dma semaphore(%arg24 : memref<!tpu.dma_semaphore, #tpu.memory_space<semaphore_mem>>) src(%dma_wait3A_225 : memref<100000x128xf32, #tpu.memory_space<hbm>>) dst(%arg18 : memref<128x128xf32, #tpu.memory_space<vmem>>)
    %dma_start3A_226 = arith.constant 0 : i32
    %dma_start3A_227 = tpu.memref_slice %arg8[%add3A_40, %dma_start3A_226] : memref<12288x128xf32, #tpu.memory_space<hbm>> -> memref<128x128xf32, #tpu.memory_space<hbm>>
    %dma_start3A_228 = arith.constant 0 : i32
    %dma_start3A_229 = tpu.memref_slice %arg8[%add3A_40, %dma_start3A_228] : memref<12288x128xf32, #tpu.memory_space<hbm>> -> memref<128x128xf32, #tpu.memory_space<hbm>>
    tpu.enqueue_dma source(%arg18 : memref<128x128xf32, #tpu.memory_space<vmem>>) target(%dma_start3A_229 : memref<128x128xf32, #tpu.memory_space<hbm>>) target_semaphore(%arg30 : memref<!tpu.dma_semaphore, #tpu.memory_space<semaphore_mem>>)
    %dma_wait3A_230 = arith.constant 0 : i32
    %dma_wait3A_231 = tpu.memref_slice %arg8[%add3A_40, %dma_wait3A_230] : memref<12288x128xf32, #tpu.memory_space<hbm>> -> memref<128x128xf32, #tpu.memory_space<hbm>>
    %dma_wait3A_232 = arith.constant 0 : i32
    %dma_wait3A_233 = tpu.memref_slice %arg8[%add3A_40, %dma_wait3A_232] : memref<12288x128xf32, #tpu.memory_space<hbm>> -> memref<128x128xf32, #tpu.memory_space<hbm>>
    tpu.wait_dma2 semaphore(%arg30 : memref<!tpu.dma_semaphore, #tpu.memory_space<semaphore_mem>>) src(%arg18 : memref<128x128xf32, #tpu.memory_space<vmem>>) dst(%dma_wait3A_233 : memref<128x128xf32, #tpu.memory_space<hbm>>)
    %dma_start3A_234 = arith.constant 640 : i32
    %dma_start3A_235 = tpu.memref_slice %arg12[%dma_start3A_234] : memref<1920xi32, #tpu.memory_space<vmem>> -> memref<128xi32, #tpu.memory_space<vmem>>
    %dma_start3A_236 = arith.constant 0 : i32
    %dma_start3A_237 = arith.constant 0 : i32
    %dma_start3A_238 = tpu.memref_slice %arg3[%dma_start3A_236, %dma_start3A_237] : memref<100000x128xf32, #tpu.memory_space<hbm>> -> memref<100000x128xf32, #tpu.memory_space<hbm>>
    tpu.enqueue_indirect_dma source(%dma_start3A_238 : memref<100000x128xf32, #tpu.memory_space<hbm>>) target(%arg18 : memref<128x128xf32, #tpu.memory_space<vmem>>) offsets(%dma_start3A_235 : memref<128xi32, #tpu.memory_space<vmem>>) semaphore(%arg24 : memref<!tpu.dma_semaphore, #tpu.memory_space<semaphore_mem>>)
    %dma_wait3A_239 = arith.constant 0 : i32
    %dma_wait3A_240 = tpu.memref_slice %arg12[%dma_wait3A_239] : memref<1920xi32, #tpu.memory_space<vmem>> -> memref<128xi32, #tpu.memory_space<vmem>>
    %dma_wait3A_241 = arith.constant 0 : i32
    %dma_wait3A_242 = arith.constant 0 : i32
    %dma_wait3A_243 = tpu.memref_slice %arg3[%dma_wait3A_241, %dma_wait3A_242] : memref<100000x128xf32, #tpu.memory_space<hbm>> -> memref<100000x128xf32, #tpu.memory_space<hbm>>
    tpu.wait_indirect_dma semaphore(%arg19 : memref<!tpu.dma_semaphore, #tpu.memory_space<semaphore_mem>>) src(%dma_wait3A_243 : memref<100000x128xf32, #tpu.memory_space<hbm>>) dst(%arg13 : memref<128x128xf32, #tpu.memory_space<vmem>>)
    %dma_start3A_244 = arith.constant 0 : i32
    %dma_start3A_245 = tpu.memref_slice %arg9[%add3A_44, %dma_start3A_244] : memref<61440x128xf32, #tpu.memory_space<hbm>> -> memref<128x128xf32, #tpu.memory_space<hbm>>
    %dma_start3A_246 = arith.constant 0 : i32
    %dma_start3A_247 = tpu.memref_slice %arg9[%add3A_44, %dma_start3A_246] : memref<61440x128xf32, #tpu.memory_space<hbm>> -> memref<128x128xf32, #tpu.memory_space<hbm>>
    tpu.enqueue_dma source(%arg13 : memref<128x128xf32, #tpu.memory_space<vmem>>) target(%dma_start3A_247 : memref<128x128xf32, #tpu.memory_space<hbm>>) target_semaphore(%arg25 : memref<!tpu.dma_semaphore, #tpu.memory_space<semaphore_mem>>)
    %dma_wait3A_248 = arith.constant 0 : i32
    %dma_wait3A_249 = tpu.memref_slice %arg9[%add3A_44, %dma_wait3A_248] : memref<61440x128xf32, #tpu.memory_space<hbm>> -> memref<128x128xf32, #tpu.memory_space<hbm>>
    %dma_wait3A_250 = arith.constant 0 : i32
    %dma_wait3A_251 = tpu.memref_slice %arg9[%add3A_44, %dma_wait3A_250] : memref<61440x128xf32, #tpu.memory_space<hbm>> -> memref<128x128xf32, #tpu.memory_space<hbm>>
    tpu.wait_dma2 semaphore(%arg25 : memref<!tpu.dma_semaphore, #tpu.memory_space<semaphore_mem>>) src(%arg13 : memref<128x128xf32, #tpu.memory_space<vmem>>) dst(%dma_wait3A_251 : memref<128x128xf32, #tpu.memory_space<hbm>>)
    %dma_start3A_252 = arith.constant 768 : i32
    %dma_start3A_253 = tpu.memref_slice %arg12[%dma_start3A_252] : memref<1920xi32, #tpu.memory_space<vmem>> -> memref<128xi32, #tpu.memory_space<vmem>>
    %dma_start3A_254 = arith.constant 0 : i32
    %dma_start3A_255 = arith.constant 0 : i32
    %dma_start3A_256 = tpu.memref_slice %arg3[%dma_start3A_254, %dma_start3A_255] : memref<100000x128xf32, #tpu.memory_space<hbm>> -> memref<100000x128xf32, #tpu.memory_space<hbm>>
    tpu.enqueue_indirect_dma source(%dma_start3A_256 : memref<100000x128xf32, #tpu.memory_space<hbm>>) target(%arg13 : memref<128x128xf32, #tpu.memory_space<vmem>>) offsets(%dma_start3A_253 : memref<128xi32, #tpu.memory_space<vmem>>) semaphore(%arg19 : memref<!tpu.dma_semaphore, #tpu.memory_space<semaphore_mem>>)
    %dma_wait3A_257 = arith.constant 128 : i32
    %dma_wait3A_258 = tpu.memref_slice %arg12[%dma_wait3A_257] : memref<1920xi32, #tpu.memory_space<vmem>> -> memref<128xi32, #tpu.memory_space<vmem>>
    %dma_wait3A_259 = arith.constant 0 : i32
    %dma_wait3A_260 = arith.constant 0 : i32
    %dma_wait3A_261 = tpu.memref_slice %arg3[%dma_wait3A_259, %dma_wait3A_260] : memref<100000x128xf32, #tpu.memory_space<hbm>> -> memref<100000x128xf32, #tpu.memory_space<hbm>>
    tpu.wait_indirect_dma semaphore(%arg20 : memref<!tpu.dma_semaphore, #tpu.memory_space<semaphore_mem>>) src(%dma_wait3A_261 : memref<100000x128xf32, #tpu.memory_space<hbm>>) dst(%arg14 : memref<128x128xf32, #tpu.memory_space<vmem>>)
    %dma_start3A_262 = arith.constant 0 : i32
    %dma_start3A_263 = tpu.memref_slice %arg9[%add3A_48, %dma_start3A_262] : memref<61440x128xf32, #tpu.memory_space<hbm>> -> memref<128x128xf32, #tpu.memory_space<hbm>>
    %dma_start3A_264 = arith.constant 0 : i32
    %dma_start3A_265 = tpu.memref_slice %arg9[%add3A_48, %dma_start3A_264] : memref<61440x128xf32, #tpu.memory_space<hbm>> -> memref<128x128xf32, #tpu.memory_space<hbm>>
    tpu.enqueue_dma source(%arg14 : memref<128x128xf32, #tpu.memory_space<vmem>>) target(%dma_start3A_265 : memref<128x128xf32, #tpu.memory_space<hbm>>) target_semaphore(%arg26 : memref<!tpu.dma_semaphore, #tpu.memory_space<semaphore_mem>>)
    %dma_wait3A_266 = arith.constant 0 : i32
    %dma_wait3A_267 = tpu.memref_slice %arg9[%add3A_48, %dma_wait3A_266] : memref<61440x128xf32, #tpu.memory_space<hbm>> -> memref<128x128xf32, #tpu.memory_space<hbm>>
    %dma_wait3A_268 = arith.constant 0 : i32
    %dma_wait3A_269 = tpu.memref_slice %arg9[%add3A_48, %dma_wait3A_268] : memref<61440x128xf32, #tpu.memory_space<hbm>> -> memref<128x128xf32, #tpu.memory_space<hbm>>
    tpu.wait_dma2 semaphore(%arg26 : memref<!tpu.dma_semaphore, #tpu.memory_space<semaphore_mem>>) src(%arg14 : memref<128x128xf32, #tpu.memory_space<vmem>>) dst(%dma_wait3A_269 : memref<128x128xf32, #tpu.memory_space<hbm>>)
    %dma_start3A_270 = arith.constant 896 : i32
    %dma_start3A_271 = tpu.memref_slice %arg12[%dma_start3A_270] : memref<1920xi32, #tpu.memory_space<vmem>> -> memref<128xi32, #tpu.memory_space<vmem>>
    %dma_start3A_272 = arith.constant 0 : i32
    %dma_start3A_273 = arith.constant 0 : i32
    %dma_start3A_274 = tpu.memref_slice %arg3[%dma_start3A_272, %dma_start3A_273] : memref<100000x128xf32, #tpu.memory_space<hbm>> -> memref<100000x128xf32, #tpu.memory_space<hbm>>
    tpu.enqueue_indirect_dma source(%dma_start3A_274 : memref<100000x128xf32, #tpu.memory_space<hbm>>) target(%arg14 : memref<128x128xf32, #tpu.memory_space<vmem>>) offsets(%dma_start3A_271 : memref<128xi32, #tpu.memory_space<vmem>>) semaphore(%arg20 : memref<!tpu.dma_semaphore, #tpu.memory_space<semaphore_mem>>)
    %dma_wait3A_275 = arith.constant 256 : i32
    %dma_wait3A_276 = tpu.memref_slice %arg12[%dma_wait3A_275] : memref<1920xi32, #tpu.memory_space<vmem>> -> memref<128xi32, #tpu.memory_space<vmem>>
    %dma_wait3A_277 = arith.constant 0 : i32
    %dma_wait3A_278 = arith.constant 0 : i32
    %dma_wait3A_279 = tpu.memref_slice %arg3[%dma_wait3A_277, %dma_wait3A_278] : memref<100000x128xf32, #tpu.memory_space<hbm>> -> memref<100000x128xf32, #tpu.memory_space<hbm>>
    tpu.wait_indirect_dma semaphore(%arg21 : memref<!tpu.dma_semaphore, #tpu.memory_space<semaphore_mem>>) src(%dma_wait3A_279 : memref<100000x128xf32, #tpu.memory_space<hbm>>) dst(%arg15 : memref<128x128xf32, #tpu.memory_space<vmem>>)
    %dma_start3A_280 = arith.constant 0 : i32
    %dma_start3A_281 = tpu.memref_slice %arg9[%add3A_52, %dma_start3A_280] : memref<61440x128xf32, #tpu.memory_space<hbm>> -> memref<128x128xf32, #tpu.memory_space<hbm>>
    %dma_start3A_282 = arith.constant 0 : i32
    %dma_start3A_283 = tpu.memref_slice %arg9[%add3A_52, %dma_start3A_282] : memref<61440x128xf32, #tpu.memory_space<hbm>> -> memref<128x128xf32, #tpu.memory_space<hbm>>
    tpu.enqueue_dma source(%arg15 : memref<128x128xf32, #tpu.memory_space<vmem>>) target(%dma_start3A_283 : memref<128x128xf32, #tpu.memory_space<hbm>>) target_semaphore(%arg27 : memref<!tpu.dma_semaphore, #tpu.memory_space<semaphore_mem>>)
    %dma_wait3A_284 = arith.constant 0 : i32
    %dma_wait3A_285 = tpu.memref_slice %arg9[%add3A_52, %dma_wait3A_284] : memref<61440x128xf32, #tpu.memory_space<hbm>> -> memref<128x128xf32, #tpu.memory_space<hbm>>
    %dma_wait3A_286 = arith.constant 0 : i32
    %dma_wait3A_287 = tpu.memref_slice %arg9[%add3A_52, %dma_wait3A_286] : memref<61440x128xf32, #tpu.memory_space<hbm>> -> memref<128x128xf32, #tpu.memory_space<hbm>>
    tpu.wait_dma2 semaphore(%arg27 : memref<!tpu.dma_semaphore, #tpu.memory_space<semaphore_mem>>) src(%arg15 : memref<128x128xf32, #tpu.memory_space<vmem>>) dst(%dma_wait3A_287 : memref<128x128xf32, #tpu.memory_space<hbm>>)
    %dma_start3A_288 = arith.constant 1024 : i32
    %dma_start3A_289 = tpu.memref_slice %arg12[%dma_start3A_288] : memref<1920xi32, #tpu.memory_space<vmem>> -> memref<128xi32, #tpu.memory_space<vmem>>
    %dma_start3A_290 = arith.constant 0 : i32
    %dma_start3A_291 = arith.constant 0 : i32
    %dma_start3A_292 = tpu.memref_slice %arg3[%dma_start3A_290, %dma_start3A_291] : memref<100000x128xf32, #tpu.memory_space<hbm>> -> memref<100000x128xf32, #tpu.memory_space<hbm>>
    tpu.enqueue_indirect_dma source(%dma_start3A_292 : memref<100000x128xf32, #tpu.memory_space<hbm>>) target(%arg15 : memref<128x128xf32, #tpu.memory_space<vmem>>) offsets(%dma_start3A_289 : memref<128xi32, #tpu.memory_space<vmem>>) semaphore(%arg21 : memref<!tpu.dma_semaphore, #tpu.memory_space<semaphore_mem>>)
    %dma_wait3A_293 = arith.constant 384 : i32
    %dma_wait3A_294 = tpu.memref_slice %arg12[%dma_wait3A_293] : memref<1920xi32, #tpu.memory_space<vmem>> -> memref<128xi32, #tpu.memory_space<vmem>>
    %dma_wait3A_295 = arith.constant 0 : i32
    %dma_wait3A_296 = arith.constant 0 : i32
    %dma_wait3A_297 = tpu.memref_slice %arg3[%dma_wait3A_295, %dma_wait3A_296] : memref<100000x128xf32, #tpu.memory_space<hbm>> -> memref<100000x128xf32, #tpu.memory_space<hbm>>
    tpu.wait_indirect_dma semaphore(%arg22 : memref<!tpu.dma_semaphore, #tpu.memory_space<semaphore_mem>>) src(%dma_wait3A_297 : memref<100000x128xf32, #tpu.memory_space<hbm>>) dst(%arg16 : memref<128x128xf32, #tpu.memory_space<vmem>>)
    %dma_start3A_298 = arith.constant 0 : i32
    %dma_start3A_299 = tpu.memref_slice %arg9[%add3A_56, %dma_start3A_298] : memref<61440x128xf32, #tpu.memory_space<hbm>> -> memref<128x128xf32, #tpu.memory_space<hbm>>
    %dma_start3A_300 = arith.constant 0 : i32
    %dma_start3A_301 = tpu.memref_slice %arg9[%add3A_56, %dma_start3A_300] : memref<61440x128xf32, #tpu.memory_space<hbm>> -> memref<128x128xf32, #tpu.memory_space<hbm>>
    tpu.enqueue_dma source(%arg16 : memref<128x128xf32, #tpu.memory_space<vmem>>) target(%dma_start3A_301 : memref<128x128xf32, #tpu.memory_space<hbm>>) target_semaphore(%arg28 : memref<!tpu.dma_semaphore, #tpu.memory_space<semaphore_mem>>)
    %dma_wait3A_302 = arith.constant 0 : i32
    %dma_wait3A_303 = tpu.memref_slice %arg9[%add3A_56, %dma_wait3A_302] : memref<61440x128xf32, #tpu.memory_space<hbm>> -> memref<128x128xf32, #tpu.memory_space<hbm>>
    %dma_wait3A_304 = arith.constant 0 : i32
    %dma_wait3A_305 = tpu.memref_slice %arg9[%add3A_56, %dma_wait3A_304] : memref<61440x128xf32, #tpu.memory_space<hbm>> -> memref<128x128xf32, #tpu.memory_space<hbm>>
    tpu.wait_dma2 semaphore(%arg28 : memref<!tpu.dma_semaphore, #tpu.memory_space<semaphore_mem>>) src(%arg16 : memref<128x128xf32, #tpu.memory_space<vmem>>) dst(%dma_wait3A_305 : memref<128x128xf32, #tpu.memory_space<hbm>>)
    %dma_start3A_306 = arith.constant 1152 : i32
    %dma_start3A_307 = tpu.memref_slice %arg12[%dma_start3A_306] : memref<1920xi32, #tpu.memory_space<vmem>> -> memref<128xi32, #tpu.memory_space<vmem>>
    %dma_start3A_308 = arith.constant 0 : i32
    %dma_start3A_309 = arith.constant 0 : i32
    %dma_start3A_310 = tpu.memref_slice %arg3[%dma_start3A_308, %dma_start3A_309] : memref<100000x128xf32, #tpu.memory_space<hbm>> -> memref<100000x128xf32, #tpu.memory_space<hbm>>
    tpu.enqueue_indirect_dma source(%dma_start3A_310 : memref<100000x128xf32, #tpu.memory_space<hbm>>) target(%arg16 : memref<128x128xf32, #tpu.memory_space<vmem>>) offsets(%dma_start3A_307 : memref<128xi32, #tpu.memory_space<vmem>>) semaphore(%arg22 : memref<!tpu.dma_semaphore, #tpu.memory_space<semaphore_mem>>)
    %dma_wait3A_311 = arith.constant 512 : i32
    %dma_wait3A_312 = tpu.memref_slice %arg12[%dma_wait3A_311] : memref<1920xi32, #tpu.memory_space<vmem>> -> memref<128xi32, #tpu.memory_space<vmem>>
    %dma_wait3A_313 = arith.constant 0 : i32
    %dma_wait3A_314 = arith.constant 0 : i32
    %dma_wait3A_315 = tpu.memref_slice %arg3[%dma_wait3A_313, %dma_wait3A_314] : memref<100000x128xf32, #tpu.memory_space<hbm>> -> memref<100000x128xf32, #tpu.memory_space<hbm>>
    tpu.wait_indirect_dma semaphore(%arg23 : memref<!tpu.dma_semaphore, #tpu.memory_space<semaphore_mem>>) src(%dma_wait3A_315 : memref<100000x128xf32, #tpu.memory_space<hbm>>) dst(%arg17 : memref<128x128xf32, #tpu.memory_space<vmem>>)
    %dma_start3A_316 = arith.constant 0 : i32
    %dma_start3A_317 = tpu.memref_slice %arg9[%add3A_60, %dma_start3A_316] : memref<61440x128xf32, #tpu.memory_space<hbm>> -> memref<128x128xf32, #tpu.memory_space<hbm>>
    %dma_start3A_318 = arith.constant 0 : i32
    %dma_start3A_319 = tpu.memref_slice %arg9[%add3A_60, %dma_start3A_318] : memref<61440x128xf32, #tpu.memory_space<hbm>> -> memref<128x128xf32, #tpu.memory_space<hbm>>
    tpu.enqueue_dma source(%arg17 : memref<128x128xf32, #tpu.memory_space<vmem>>) target(%dma_start3A_319 : memref<128x128xf32, #tpu.memory_space<hbm>>) target_semaphore(%arg29 : memref<!tpu.dma_semaphore, #tpu.memory_space<semaphore_mem>>)
    %dma_wait3A_320 = arith.constant 0 : i32
    %dma_wait3A_321 = tpu.memref_slice %arg9[%add3A_60, %dma_wait3A_320] : memref<61440x128xf32, #tpu.memory_space<hbm>> -> memref<128x128xf32, #tpu.memory_space<hbm>>
    %dma_wait3A_322 = arith.constant 0 : i32
    %dma_wait3A_323 = tpu.memref_slice %arg9[%add3A_60, %dma_wait3A_322] : memref<61440x128xf32, #tpu.memory_space<hbm>> -> memref<128x128xf32, #tpu.memory_space<hbm>>
    tpu.wait_dma2 semaphore(%arg29 : memref<!tpu.dma_semaphore, #tpu.memory_space<semaphore_mem>>) src(%arg17 : memref<128x128xf32, #tpu.memory_space<vmem>>) dst(%dma_wait3A_323 : memref<128x128xf32, #tpu.memory_space<hbm>>)
    %dma_start3A_324 = arith.constant 1280 : i32
    %dma_start3A_325 = tpu.memref_slice %arg12[%dma_start3A_324] : memref<1920xi32, #tpu.memory_space<vmem>> -> memref<128xi32, #tpu.memory_space<vmem>>
    %dma_start3A_326 = arith.constant 0 : i32
    %dma_start3A_327 = arith.constant 0 : i32
    %dma_start3A_328 = tpu.memref_slice %arg3[%dma_start3A_326, %dma_start3A_327] : memref<100000x128xf32, #tpu.memory_space<hbm>> -> memref<100000x128xf32, #tpu.memory_space<hbm>>
    tpu.enqueue_indirect_dma source(%dma_start3A_328 : memref<100000x128xf32, #tpu.memory_space<hbm>>) target(%arg17 : memref<128x128xf32, #tpu.memory_space<vmem>>) offsets(%dma_start3A_325 : memref<128xi32, #tpu.memory_space<vmem>>) semaphore(%arg23 : memref<!tpu.dma_semaphore, #tpu.memory_space<semaphore_mem>>)
    %dma_wait3A_329 = arith.constant 640 : i32
    %dma_wait3A_330 = tpu.memref_slice %arg12[%dma_wait3A_329] : memref<1920xi32, #tpu.memory_space<vmem>> -> memref<128xi32, #tpu.memory_space<vmem>>
    %dma_wait3A_331 = arith.constant 0 : i32
    %dma_wait3A_332 = arith.constant 0 : i32
    %dma_wait3A_333 = tpu.memref_slice %arg3[%dma_wait3A_331, %dma_wait3A_332] : memref<100000x128xf32, #tpu.memory_space<hbm>> -> memref<100000x128xf32, #tpu.memory_space<hbm>>
    tpu.wait_indirect_dma semaphore(%arg24 : memref<!tpu.dma_semaphore, #tpu.memory_space<semaphore_mem>>) src(%dma_wait3A_333 : memref<100000x128xf32, #tpu.memory_space<hbm>>) dst(%arg18 : memref<128x128xf32, #tpu.memory_space<vmem>>)
    %dma_start3A_334 = arith.constant 0 : i32
    %dma_start3A_335 = tpu.memref_slice %arg9[%add3A_64, %dma_start3A_334] : memref<61440x128xf32, #tpu.memory_space<hbm>> -> memref<128x128xf32, #tpu.memory_space<hbm>>
    %dma_start3A_336 = arith.constant 0 : i32
    %dma_start3A_337 = tpu.memref_slice %arg9[%add3A_64, %dma_start3A_336] : memref<61440x128xf32, #tpu.memory_space<hbm>> -> memref<128x128xf32, #tpu.memory_space<hbm>>
    tpu.enqueue_dma source(%arg18 : memref<128x128xf32, #tpu.memory_space<vmem>>) target(%dma_start3A_337 : memref<128x128xf32, #tpu.memory_space<hbm>>) target_semaphore(%arg30 : memref<!tpu.dma_semaphore, #tpu.memory_space<semaphore_mem>>)
    %dma_wait3A_338 = arith.constant 0 : i32
    %dma_wait3A_339 = tpu.memref_slice %arg9[%add3A_64, %dma_wait3A_338] : memref<61440x128xf32, #tpu.memory_space<hbm>> -> memref<128x128xf32, #tpu.memory_space<hbm>>
    %dma_wait3A_340 = arith.constant 0 : i32
    %dma_wait3A_341 = tpu.memref_slice %arg9[%add3A_64, %dma_wait3A_340] : memref<61440x128xf32, #tpu.memory_space<hbm>> -> memref<128x128xf32, #tpu.memory_space<hbm>>
    tpu.wait_dma2 semaphore(%arg30 : memref<!tpu.dma_semaphore, #tpu.memory_space<semaphore_mem>>) src(%arg18 : memref<128x128xf32, #tpu.memory_space<vmem>>) dst(%dma_wait3A_341 : memref<128x128xf32, #tpu.memory_space<hbm>>)
    %dma_start3A_342 = arith.constant 1408 : i32
    %dma_start3A_343 = tpu.memref_slice %arg12[%dma_start3A_342] : memref<1920xi32, #tpu.memory_space<vmem>> -> memref<128xi32, #tpu.memory_space<vmem>>
    %dma_start3A_344 = arith.constant 0 : i32
    %dma_start3A_345 = arith.constant 0 : i32
    %dma_start3A_346 = tpu.memref_slice %arg3[%dma_start3A_344, %dma_start3A_345] : memref<100000x128xf32, #tpu.memory_space<hbm>> -> memref<100000x128xf32, #tpu.memory_space<hbm>>
    tpu.enqueue_indirect_dma source(%dma_start3A_346 : memref<100000x128xf32, #tpu.memory_space<hbm>>) target(%arg18 : memref<128x128xf32, #tpu.memory_space<vmem>>) offsets(%dma_start3A_343 : memref<128xi32, #tpu.memory_space<vmem>>) semaphore(%arg24 : memref<!tpu.dma_semaphore, #tpu.memory_space<semaphore_mem>>)
    %dma_wait3A_347 = arith.constant 768 : i32
    %dma_wait3A_348 = tpu.memref_slice %arg12[%dma_wait3A_347] : memref<1920xi32, #tpu.memory_space<vmem>> -> memref<128xi32, #tpu.memory_space<vmem>>
    %dma_wait3A_349 = arith.constant 0 : i32
    %dma_wait3A_350 = arith.constant 0 : i32
    %dma_wait3A_351 = tpu.memref_slice %arg3[%dma_wait3A_349, %dma_wait3A_350] : memref<100000x128xf32, #tpu.memory_space<hbm>> -> memref<100000x128xf32, #tpu.memory_space<hbm>>
    tpu.wait_indirect_dma semaphore(%arg19 : memref<!tpu.dma_semaphore, #tpu.memory_space<semaphore_mem>>) src(%dma_wait3A_351 : memref<100000x128xf32, #tpu.memory_space<hbm>>) dst(%arg13 : memref<128x128xf32, #tpu.memory_space<vmem>>)
    %dma_start3A_352 = arith.constant 0 : i32
    %dma_start3A_353 = tpu.memref_slice %arg9[%add3A_68, %dma_start3A_352] : memref<61440x128xf32, #tpu.memory_space<hbm>> -> memref<128x128xf32, #tpu.memory_space<hbm>>
    %dma_start3A_354 = arith.constant 0 : i32
    %dma_start3A_355 = tpu.memref_slice %arg9[%add3A_68, %dma_start3A_354] : memref<61440x128xf32, #tpu.memory_space<hbm>> -> memref<128x128xf32, #tpu.memory_space<hbm>>
    tpu.enqueue_dma source(%arg13 : memref<128x128xf32, #tpu.memory_space<vmem>>) target(%dma_start3A_355 : memref<128x128xf32, #tpu.memory_space<hbm>>) target_semaphore(%arg25 : memref<!tpu.dma_semaphore, #tpu.memory_space<semaphore_mem>>)
    %dma_wait3A_356 = arith.constant 0 : i32
    %dma_wait3A_357 = tpu.memref_slice %arg9[%add3A_68, %dma_wait3A_356] : memref<61440x128xf32, #tpu.memory_space<hbm>> -> memref<128x128xf32, #tpu.memory_space<hbm>>
    %dma_wait3A_358 = arith.constant 0 : i32
    %dma_wait3A_359 = tpu.memref_slice %arg9[%add3A_68, %dma_wait3A_358] : memref<61440x128xf32, #tpu.memory_space<hbm>> -> memref<128x128xf32, #tpu.memory_space<hbm>>
    tpu.wait_dma2 semaphore(%arg25 : memref<!tpu.dma_semaphore, #tpu.memory_space<semaphore_mem>>) src(%arg13 : memref<128x128xf32, #tpu.memory_space<vmem>>) dst(%dma_wait3A_359 : memref<128x128xf32, #tpu.memory_space<hbm>>)
    %dma_start3A_360 = arith.constant 1536 : i32
    %dma_start3A_361 = tpu.memref_slice %arg12[%dma_start3A_360] : memref<1920xi32, #tpu.memory_space<vmem>> -> memref<128xi32, #tpu.memory_space<vmem>>
    %dma_start3A_362 = arith.constant 0 : i32
    %dma_start3A_363 = arith.constant 0 : i32
    %dma_start3A_364 = tpu.memref_slice %arg3[%dma_start3A_362, %dma_start3A_363] : memref<100000x128xf32, #tpu.memory_space<hbm>> -> memref<100000x128xf32, #tpu.memory_space<hbm>>
    tpu.enqueue_indirect_dma source(%dma_start3A_364 : memref<100000x128xf32, #tpu.memory_space<hbm>>) target(%arg13 : memref<128x128xf32, #tpu.memory_space<vmem>>) offsets(%dma_start3A_361 : memref<128xi32, #tpu.memory_space<vmem>>) semaphore(%arg19 : memref<!tpu.dma_semaphore, #tpu.memory_space<semaphore_mem>>)
    %dma_wait3A_365 = arith.constant 896 : i32
    %dma_wait3A_366 = tpu.memref_slice %arg12[%dma_wait3A_365] : memref<1920xi32, #tpu.memory_space<vmem>> -> memref<128xi32, #tpu.memory_space<vmem>>
    %dma_wait3A_367 = arith.constant 0 : i32
    %dma_wait3A_368 = arith.constant 0 : i32
    %dma_wait3A_369 = tpu.memref_slice %arg3[%dma_wait3A_367, %dma_wait3A_368] : memref<100000x128xf32, #tpu.memory_space<hbm>> -> memref<100000x128xf32, #tpu.memory_space<hbm>>
    tpu.wait_indirect_dma semaphore(%arg20 : memref<!tpu.dma_semaphore, #tpu.memory_space<semaphore_mem>>) src(%dma_wait3A_369 : memref<100000x128xf32, #tpu.memory_space<hbm>>) dst(%arg14 : memref<128x128xf32, #tpu.memory_space<vmem>>)
    %dma_start3A_370 = arith.constant 0 : i32
    %dma_start3A_371 = tpu.memref_slice %arg9[%add3A_72, %dma_start3A_370] : memref<61440x128xf32, #tpu.memory_space<hbm>> -> memref<128x128xf32, #tpu.memory_space<hbm>>
    %dma_start3A_372 = arith.constant 0 : i32
    %dma_start3A_373 = tpu.memref_slice %arg9[%add3A_72, %dma_start3A_372] : memref<61440x128xf32, #tpu.memory_space<hbm>> -> memref<128x128xf32, #tpu.memory_space<hbm>>
    tpu.enqueue_dma source(%arg14 : memref<128x128xf32, #tpu.memory_space<vmem>>) target(%dma_start3A_373 : memref<128x128xf32, #tpu.memory_space<hbm>>) target_semaphore(%arg26 : memref<!tpu.dma_semaphore, #tpu.memory_space<semaphore_mem>>)
    %dma_wait3A_374 = arith.constant 0 : i32
    %dma_wait3A_375 = tpu.memref_slice %arg9[%add3A_72, %dma_wait3A_374] : memref<61440x128xf32, #tpu.memory_space<hbm>> -> memref<128x128xf32, #tpu.memory_space<hbm>>
    %dma_wait3A_376 = arith.constant 0 : i32
    %dma_wait3A_377 = tpu.memref_slice %arg9[%add3A_72, %dma_wait3A_376] : memref<61440x128xf32, #tpu.memory_space<hbm>> -> memref<128x128xf32, #tpu.memory_space<hbm>>
    tpu.wait_dma2 semaphore(%arg26 : memref<!tpu.dma_semaphore, #tpu.memory_space<semaphore_mem>>) src(%arg14 : memref<128x128xf32, #tpu.memory_space<vmem>>) dst(%dma_wait3A_377 : memref<128x128xf32, #tpu.memory_space<hbm>>)
    %dma_start3A_378 = arith.constant 1664 : i32
    %dma_start3A_379 = tpu.memref_slice %arg12[%dma_start3A_378] : memref<1920xi32, #tpu.memory_space<vmem>> -> memref<128xi32, #tpu.memory_space<vmem>>
    %dma_start3A_380 = arith.constant 0 : i32
    %dma_start3A_381 = arith.constant 0 : i32
    %dma_start3A_382 = tpu.memref_slice %arg3[%dma_start3A_380, %dma_start3A_381] : memref<100000x128xf32, #tpu.memory_space<hbm>> -> memref<100000x128xf32, #tpu.memory_space<hbm>>
    tpu.enqueue_indirect_dma source(%dma_start3A_382 : memref<100000x128xf32, #tpu.memory_space<hbm>>) target(%arg14 : memref<128x128xf32, #tpu.memory_space<vmem>>) offsets(%dma_start3A_379 : memref<128xi32, #tpu.memory_space<vmem>>) semaphore(%arg20 : memref<!tpu.dma_semaphore, #tpu.memory_space<semaphore_mem>>)
    %dma_wait3A_383 = arith.constant 1024 : i32
    %dma_wait3A_384 = tpu.memref_slice %arg12[%dma_wait3A_383] : memref<1920xi32, #tpu.memory_space<vmem>> -> memref<128xi32, #tpu.memory_space<vmem>>
    %dma_wait3A_385 = arith.constant 0 : i32
    %dma_wait3A_386 = arith.constant 0 : i32
    %dma_wait3A_387 = tpu.memref_slice %arg3[%dma_wait3A_385, %dma_wait3A_386] : memref<100000x128xf32, #tpu.memory_space<hbm>> -> memref<100000x128xf32, #tpu.memory_space<hbm>>
    tpu.wait_indirect_dma semaphore(%arg21 : memref<!tpu.dma_semaphore, #tpu.memory_space<semaphore_mem>>) src(%dma_wait3A_387 : memref<100000x128xf32, #tpu.memory_space<hbm>>) dst(%arg15 : memref<128x128xf32, #tpu.memory_space<vmem>>)
    %dma_start3A_388 = arith.constant 0 : i32
    %dma_start3A_389 = tpu.memref_slice %arg9[%add3A_76, %dma_start3A_388] : memref<61440x128xf32, #tpu.memory_space<hbm>> -> memref<128x128xf32, #tpu.memory_space<hbm>>
    %dma_start3A_390 = arith.constant 0 : i32
    %dma_start3A_391 = tpu.memref_slice %arg9[%add3A_76, %dma_start3A_390] : memref<61440x128xf32, #tpu.memory_space<hbm>> -> memref<128x128xf32, #tpu.memory_space<hbm>>
    tpu.enqueue_dma source(%arg15 : memref<128x128xf32, #tpu.memory_space<vmem>>) target(%dma_start3A_391 : memref<128x128xf32, #tpu.memory_space<hbm>>) target_semaphore(%arg27 : memref<!tpu.dma_semaphore, #tpu.memory_space<semaphore_mem>>)
    %dma_wait3A_392 = arith.constant 0 : i32
    %dma_wait3A_393 = tpu.memref_slice %arg9[%add3A_76, %dma_wait3A_392] : memref<61440x128xf32, #tpu.memory_space<hbm>> -> memref<128x128xf32, #tpu.memory_space<hbm>>
    %dma_wait3A_394 = arith.constant 0 : i32
    %dma_wait3A_395 = tpu.memref_slice %arg9[%add3A_76, %dma_wait3A_394] : memref<61440x128xf32, #tpu.memory_space<hbm>> -> memref<128x128xf32, #tpu.memory_space<hbm>>
    tpu.wait_dma2 semaphore(%arg27 : memref<!tpu.dma_semaphore, #tpu.memory_space<semaphore_mem>>) src(%arg15 : memref<128x128xf32, #tpu.memory_space<vmem>>) dst(%dma_wait3A_395 : memref<128x128xf32, #tpu.memory_space<hbm>>)
    %dma_start3A_396 = arith.constant 1792 : i32
    %dma_start3A_397 = tpu.memref_slice %arg12[%dma_start3A_396] : memref<1920xi32, #tpu.memory_space<vmem>> -> memref<128xi32, #tpu.memory_space<vmem>>
    %dma_start3A_398 = arith.constant 0 : i32
    %dma_start3A_399 = arith.constant 0 : i32
    %dma_start3A_400 = tpu.memref_slice %arg3[%dma_start3A_398, %dma_start3A_399] : memref<100000x128xf32, #tpu.memory_space<hbm>> -> memref<100000x128xf32, #tpu.memory_space<hbm>>
    tpu.enqueue_indirect_dma source(%dma_start3A_400 : memref<100000x128xf32, #tpu.memory_space<hbm>>) target(%arg15 : memref<128x128xf32, #tpu.memory_space<vmem>>) offsets(%dma_start3A_397 : memref<128xi32, #tpu.memory_space<vmem>>) semaphore(%arg21 : memref<!tpu.dma_semaphore, #tpu.memory_space<semaphore_mem>>)
    %dma_wait3A_401 = arith.constant 1152 : i32
    %dma_wait3A_402 = tpu.memref_slice %arg12[%dma_wait3A_401] : memref<1920xi32, #tpu.memory_space<vmem>> -> memref<128xi32, #tpu.memory_space<vmem>>
    %dma_wait3A_403 = arith.constant 0 : i32
    %dma_wait3A_404 = arith.constant 0 : i32
    %dma_wait3A_405 = tpu.memref_slice %arg3[%dma_wait3A_403, %dma_wait3A_404] : memref<100000x128xf32, #tpu.memory_space<hbm>> -> memref<100000x128xf32, #tpu.memory_space<hbm>>
    tpu.wait_indirect_dma semaphore(%arg22 : memref<!tpu.dma_semaphore, #tpu.memory_space<semaphore_mem>>) src(%dma_wait3A_405 : memref<100000x128xf32, #tpu.memory_space<hbm>>) dst(%arg16 : memref<128x128xf32, #tpu.memory_space<vmem>>)
    %dma_start3A_406 = arith.constant 0 : i32
    %dma_start3A_407 = tpu.memref_slice %arg9[%add3A_80, %dma_start3A_406] : memref<61440x128xf32, #tpu.memory_space<hbm>> -> memref<128x128xf32, #tpu.memory_space<hbm>>
    %dma_start3A_408 = arith.constant 0 : i32
    %dma_start3A_409 = tpu.memref_slice %arg9[%add3A_80, %dma_start3A_408] : memref<61440x128xf32, #tpu.memory_space<hbm>> -> memref<128x128xf32, #tpu.memory_space<hbm>>
    tpu.enqueue_dma source(%arg16 : memref<128x128xf32, #tpu.memory_space<vmem>>) target(%dma_start3A_409 : memref<128x128xf32, #tpu.memory_space<hbm>>) target_semaphore(%arg28 : memref<!tpu.dma_semaphore, #tpu.memory_space<semaphore_mem>>)
    %dma_wait3A_410 = arith.constant 1280 : i32
    %dma_wait3A_411 = tpu.memref_slice %arg12[%dma_wait3A_410] : memref<1920xi32, #tpu.memory_space<vmem>> -> memref<128xi32, #tpu.memory_space<vmem>>
    %dma_wait3A_412 = arith.constant 0 : i32
    %dma_wait3A_413 = arith.constant 0 : i32
    %dma_wait3A_414 = tpu.memref_slice %arg3[%dma_wait3A_412, %dma_wait3A_413] : memref<100000x128xf32, #tpu.memory_space<hbm>> -> memref<100000x128xf32, #tpu.memory_space<hbm>>
    tpu.wait_indirect_dma semaphore(%arg23 : memref<!tpu.dma_semaphore, #tpu.memory_space<semaphore_mem>>) src(%dma_wait3A_414 : memref<100000x128xf32, #tpu.memory_space<hbm>>) dst(%arg17 : memref<128x128xf32, #tpu.memory_space<vmem>>)
    %dma_start3A_415 = arith.constant 0 : i32
    %dma_start3A_416 = tpu.memref_slice %arg9[%add3A_84, %dma_start3A_415] : memref<61440x128xf32, #tpu.memory_space<hbm>> -> memref<128x128xf32, #tpu.memory_space<hbm>>
    %dma_start3A_417 = arith.constant 0 : i32
    %dma_start3A_418 = tpu.memref_slice %arg9[%add3A_84, %dma_start3A_417] : memref<61440x128xf32, #tpu.memory_space<hbm>> -> memref<128x128xf32, #tpu.memory_space<hbm>>
    tpu.enqueue_dma source(%arg17 : memref<128x128xf32, #tpu.memory_space<vmem>>) target(%dma_start3A_418 : memref<128x128xf32, #tpu.memory_space<hbm>>) target_semaphore(%arg29 : memref<!tpu.dma_semaphore, #tpu.memory_space<semaphore_mem>>)
    %dma_wait3A_419 = arith.constant 1408 : i32
    %dma_wait3A_420 = tpu.memref_slice %arg12[%dma_wait3A_419] : memref<1920xi32, #tpu.memory_space<vmem>> -> memref<128xi32, #tpu.memory_space<vmem>>
    %dma_wait3A_421 = arith.constant 0 : i32
    %dma_wait3A_422 = arith.constant 0 : i32
    %dma_wait3A_423 = tpu.memref_slice %arg3[%dma_wait3A_421, %dma_wait3A_422] : memref<100000x128xf32, #tpu.memory_space<hbm>> -> memref<100000x128xf32, #tpu.memory_space<hbm>>
    tpu.wait_indirect_dma semaphore(%arg24 : memref<!tpu.dma_semaphore, #tpu.memory_space<semaphore_mem>>) src(%dma_wait3A_423 : memref<100000x128xf32, #tpu.memory_space<hbm>>) dst(%arg18 : memref<128x128xf32, #tpu.memory_space<vmem>>)
    %dma_start3A_424 = arith.constant 0 : i32
    %dma_start3A_425 = tpu.memref_slice %arg9[%add3A_88, %dma_start3A_424] : memref<61440x128xf32, #tpu.memory_space<hbm>> -> memref<128x128xf32, #tpu.memory_space<hbm>>
    %dma_start3A_426 = arith.constant 0 : i32
    %dma_start3A_427 = tpu.memref_slice %arg9[%add3A_88, %dma_start3A_426] : memref<61440x128xf32, #tpu.memory_space<hbm>> -> memref<128x128xf32, #tpu.memory_space<hbm>>
    tpu.enqueue_dma source(%arg18 : memref<128x128xf32, #tpu.memory_space<vmem>>) target(%dma_start3A_427 : memref<128x128xf32, #tpu.memory_space<hbm>>) target_semaphore(%arg30 : memref<!tpu.dma_semaphore, #tpu.memory_space<semaphore_mem>>)
    %dma_wait3A_428 = arith.constant 1536 : i32
    %dma_wait3A_429 = tpu.memref_slice %arg12[%dma_wait3A_428] : memref<1920xi32, #tpu.memory_space<vmem>> -> memref<128xi32, #tpu.memory_space<vmem>>
    %dma_wait3A_430 = arith.constant 0 : i32
    %dma_wait3A_431 = arith.constant 0 : i32
    %dma_wait3A_432 = tpu.memref_slice %arg3[%dma_wait3A_430, %dma_wait3A_431] : memref<100000x128xf32, #tpu.memory_space<hbm>> -> memref<100000x128xf32, #tpu.memory_space<hbm>>
    tpu.wait_indirect_dma semaphore(%arg19 : memref<!tpu.dma_semaphore, #tpu.memory_space<semaphore_mem>>) src(%dma_wait3A_432 : memref<100000x128xf32, #tpu.memory_space<hbm>>) dst(%arg13 : memref<128x128xf32, #tpu.memory_space<vmem>>)
    %dma_start3A_433 = arith.constant 0 : i32
    %dma_start3A_434 = tpu.memref_slice %arg9[%add3A_92, %dma_start3A_433] : memref<61440x128xf32, #tpu.memory_space<hbm>> -> memref<128x128xf32, #tpu.memory_space<hbm>>
    %dma_start3A_435 = arith.constant 0 : i32
    %dma_start3A_436 = tpu.memref_slice %arg9[%add3A_92, %dma_start3A_435] : memref<61440x128xf32, #tpu.memory_space<hbm>> -> memref<128x128xf32, #tpu.memory_space<hbm>>
    tpu.enqueue_dma source(%arg13 : memref<128x128xf32, #tpu.memory_space<vmem>>) target(%dma_start3A_436 : memref<128x128xf32, #tpu.memory_space<hbm>>) target_semaphore(%arg25 : memref<!tpu.dma_semaphore, #tpu.memory_space<semaphore_mem>>)
    %dma_wait3A_437 = arith.constant 1664 : i32
    %dma_wait3A_438 = tpu.memref_slice %arg12[%dma_wait3A_437] : memref<1920xi32, #tpu.memory_space<vmem>> -> memref<128xi32, #tpu.memory_space<vmem>>
    %dma_wait3A_439 = arith.constant 0 : i32
    %dma_wait3A_440 = arith.constant 0 : i32
    %dma_wait3A_441 = tpu.memref_slice %arg3[%dma_wait3A_439, %dma_wait3A_440] : memref<100000x128xf32, #tpu.memory_space<hbm>> -> memref<100000x128xf32, #tpu.memory_space<hbm>>
    tpu.wait_indirect_dma semaphore(%arg20 : memref<!tpu.dma_semaphore, #tpu.memory_space<semaphore_mem>>) src(%dma_wait3A_441 : memref<100000x128xf32, #tpu.memory_space<hbm>>) dst(%arg14 : memref<128x128xf32, #tpu.memory_space<vmem>>)
    %dma_start3A_442 = arith.constant 0 : i32
    %dma_start3A_443 = tpu.memref_slice %arg9[%add3A_96, %dma_start3A_442] : memref<61440x128xf32, #tpu.memory_space<hbm>> -> memref<128x128xf32, #tpu.memory_space<hbm>>
    %dma_start3A_444 = arith.constant 0 : i32
    %dma_start3A_445 = tpu.memref_slice %arg9[%add3A_96, %dma_start3A_444] : memref<61440x128xf32, #tpu.memory_space<hbm>> -> memref<128x128xf32, #tpu.memory_space<hbm>>
    tpu.enqueue_dma source(%arg14 : memref<128x128xf32, #tpu.memory_space<vmem>>) target(%dma_start3A_445 : memref<128x128xf32, #tpu.memory_space<hbm>>) target_semaphore(%arg26 : memref<!tpu.dma_semaphore, #tpu.memory_space<semaphore_mem>>)
    %dma_wait3A_446 = arith.constant 1792 : i32
    %dma_wait3A_447 = tpu.memref_slice %arg12[%dma_wait3A_446] : memref<1920xi32, #tpu.memory_space<vmem>> -> memref<128xi32, #tpu.memory_space<vmem>>
    %dma_wait3A_448 = arith.constant 0 : i32
    %dma_wait3A_449 = arith.constant 0 : i32
    %dma_wait3A_450 = tpu.memref_slice %arg3[%dma_wait3A_448, %dma_wait3A_449] : memref<100000x128xf32, #tpu.memory_space<hbm>> -> memref<100000x128xf32, #tpu.memory_space<hbm>>
    tpu.wait_indirect_dma semaphore(%arg21 : memref<!tpu.dma_semaphore, #tpu.memory_space<semaphore_mem>>) src(%dma_wait3A_450 : memref<100000x128xf32, #tpu.memory_space<hbm>>) dst(%arg15 : memref<128x128xf32, #tpu.memory_space<vmem>>)
    %dma_start3A_451 = arith.constant 0 : i32
    %dma_start3A_452 = tpu.memref_slice %arg9[%add3A_100, %dma_start3A_451] : memref<61440x128xf32, #tpu.memory_space<hbm>> -> memref<128x128xf32, #tpu.memory_space<hbm>>
    %dma_start3A_453 = arith.constant 0 : i32
    %dma_start3A_454 = tpu.memref_slice %arg9[%add3A_100, %dma_start3A_453] : memref<61440x128xf32, #tpu.memory_space<hbm>> -> memref<128x128xf32, #tpu.memory_space<hbm>>
    tpu.enqueue_dma source(%arg15 : memref<128x128xf32, #tpu.memory_space<vmem>>) target(%dma_start3A_454 : memref<128x128xf32, #tpu.memory_space<hbm>>) target_semaphore(%arg27 : memref<!tpu.dma_semaphore, #tpu.memory_space<semaphore_mem>>)
    %dma_wait3A_455 = arith.constant 0 : i32
    %dma_wait3A_456 = tpu.memref_slice %arg9[%add3A_80, %dma_wait3A_455] : memref<61440x128xf32, #tpu.memory_space<hbm>> -> memref<128x128xf32, #tpu.memory_space<hbm>>
    %dma_wait3A_457 = arith.constant 0 : i32
    %dma_wait3A_458 = tpu.memref_slice %arg9[%add3A_80, %dma_wait3A_457] : memref<61440x128xf32, #tpu.memory_space<hbm>> -> memref<128x128xf32, #tpu.memory_space<hbm>>
    tpu.wait_dma2 semaphore(%arg28 : memref<!tpu.dma_semaphore, #tpu.memory_space<semaphore_mem>>) src(%arg16 : memref<128x128xf32, #tpu.memory_space<vmem>>) dst(%dma_wait3A_458 : memref<128x128xf32, #tpu.memory_space<hbm>>)
    %dma_wait3A_459 = arith.constant 0 : i32
    %dma_wait3A_460 = tpu.memref_slice %arg9[%add3A_84, %dma_wait3A_459] : memref<61440x128xf32, #tpu.memory_space<hbm>> -> memref<128x128xf32, #tpu.memory_space<hbm>>
    %dma_wait3A_461 = arith.constant 0 : i32
    %dma_wait3A_462 = tpu.memref_slice %arg9[%add3A_84, %dma_wait3A_461] : memref<61440x128xf32, #tpu.memory_space<hbm>> -> memref<128x128xf32, #tpu.memory_space<hbm>>
    tpu.wait_dma2 semaphore(%arg29 : memref<!tpu.dma_semaphore, #tpu.memory_space<semaphore_mem>>) src(%arg17 : memref<128x128xf32, #tpu.memory_space<vmem>>) dst(%dma_wait3A_462 : memref<128x128xf32, #tpu.memory_space<hbm>>)
    %dma_wait3A_463 = arith.constant 0 : i32
    %dma_wait3A_464 = tpu.memref_slice %arg9[%add3A_88, %dma_wait3A_463] : memref<61440x128xf32, #tpu.memory_space<hbm>> -> memref<128x128xf32, #tpu.memory_space<hbm>>
    %dma_wait3A_465 = arith.constant 0 : i32
    %dma_wait3A_466 = tpu.memref_slice %arg9[%add3A_88, %dma_wait3A_465] : memref<61440x128xf32, #tpu.memory_space<hbm>> -> memref<128x128xf32, #tpu.memory_space<hbm>>
    tpu.wait_dma2 semaphore(%arg30 : memref<!tpu.dma_semaphore, #tpu.memory_space<semaphore_mem>>) src(%arg18 : memref<128x128xf32, #tpu.memory_space<vmem>>) dst(%dma_wait3A_466 : memref<128x128xf32, #tpu.memory_space<hbm>>)
    %dma_wait3A_467 = arith.constant 0 : i32
    %dma_wait3A_468 = tpu.memref_slice %arg9[%add3A_92, %dma_wait3A_467] : memref<61440x128xf32, #tpu.memory_space<hbm>> -> memref<128x128xf32, #tpu.memory_space<hbm>>
    %dma_wait3A_469 = arith.constant 0 : i32
    %dma_wait3A_470 = tpu.memref_slice %arg9[%add3A_92, %dma_wait3A_469] : memref<61440x128xf32, #tpu.memory_space<hbm>> -> memref<128x128xf32, #tpu.memory_space<hbm>>
    tpu.wait_dma2 semaphore(%arg25 : memref<!tpu.dma_semaphore, #tpu.memory_space<semaphore_mem>>) src(%arg13 : memref<128x128xf32, #tpu.memory_space<vmem>>) dst(%dma_wait3A_470 : memref<128x128xf32, #tpu.memory_space<hbm>>)
    %dma_wait3A_471 = arith.constant 0 : i32
    %dma_wait3A_472 = tpu.memref_slice %arg9[%add3A_96, %dma_wait3A_471] : memref<61440x128xf32, #tpu.memory_space<hbm>> -> memref<128x128xf32, #tpu.memory_space<hbm>>
    %dma_wait3A_473 = arith.constant 0 : i32
    %dma_wait3A_474 = tpu.memref_slice %arg9[%add3A_96, %dma_wait3A_473] : memref<61440x128xf32, #tpu.memory_space<hbm>> -> memref<128x128xf32, #tpu.memory_space<hbm>>
    tpu.wait_dma2 semaphore(%arg26 : memref<!tpu.dma_semaphore, #tpu.memory_space<semaphore_mem>>) src(%arg14 : memref<128x128xf32, #tpu.memory_space<vmem>>) dst(%dma_wait3A_474 : memref<128x128xf32, #tpu.memory_space<hbm>>)
    %dma_wait3A_475 = arith.constant 0 : i32
    %dma_wait3A_476 = tpu.memref_slice %arg9[%add3A_100, %dma_wait3A_475] : memref<61440x128xf32, #tpu.memory_space<hbm>> -> memref<128x128xf32, #tpu.memory_space<hbm>>
    %dma_wait3A_477 = arith.constant 0 : i32
    %dma_wait3A_478 = tpu.memref_slice %arg9[%add3A_100, %dma_wait3A_477] : memref<61440x128xf32, #tpu.memory_space<hbm>> -> memref<128x128xf32, #tpu.memory_space<hbm>>
    tpu.wait_dma2 semaphore(%arg27 : memref<!tpu.dma_semaphore, #tpu.memory_space<semaphore_mem>>) src(%arg15 : memref<128x128xf32, #tpu.memory_space<vmem>>) dst(%dma_wait3A_478 : memref<128x128xf32, #tpu.memory_space<hbm>>)
    return
  }
}

module attributes {stable_mosaic.version = 14 : i64} {
  func.func @_tc_loss_body(%arg0: i32, %arg1: memref<1024x1xf32, #tpu.memory_space<vmem>>, %arg2: memref<1x128xf32, #tpu.memory_space<vmem>>, %arg3: memref<1024x128xf32, #tpu.memory_space<vmem>>, %arg4: memref<1024x128xf32, #tpu.memory_space<vmem>>, %arg5: memref<1024x128xf32, #tpu.memory_space<vmem>>, %arg6: memref<1024x128xf32, #tpu.memory_space<vmem>>, %arg7: memref<1024x128xf32, #tpu.memory_space<vmem>>, %arg8: memref<1024x128xf32, #tpu.memory_space<vmem>>, %arg9: memref<1024x128xf32, #tpu.memory_space<vmem>>, %arg10: memref<1x1xf32, #tpu.memory_space<smem>>) attributes {dimension_semantics = [#tpu.dimension_semantics<arbitrary>], iteration_bounds = array<i64: 12>, scalar_prefetch = 0 : i64, scratch_operands = 0 : i64, tpu.core_type = #tpu.core_type<tc>, window_params = [{transform_indices = @transform_0, window_bounds = array<i64: 1024, 1>}, {pipeline_mode = #tpu.pipeline_mode<synchronous>, transform_indices = @transform_1, window_bounds = array<i64: 1, 128>}, {transform_indices = @transform_2, window_bounds = array<i64: 1024, 128>}, {transform_indices = @transform_3, window_bounds = array<i64: 1024, 128>}, {transform_indices = @transform_4, window_bounds = array<i64: 1024, 128>}, {transform_indices = @transform_5, window_bounds = array<i64: 1024, 128>}, {transform_indices = @transform_6, window_bounds = array<i64: 1024, 128>}, {transform_indices = @transform_7, window_bounds = array<i64: 1024, 128>}, {transform_indices = @transform_8, window_bounds = array<i64: 1024, 128>}, {transform_indices = @transform_9, window_bounds = array<i64: 1, 1>}]} {
    %get3A = arith.constant 0 : index
    %get3A_0 = arith.constant 0 : index
    %get3A_1 = vector.load %arg1[%get3A, %get3A_0] : memref<1024x1xf32, #tpu.memory_space<vmem>>, vector<1024x1xf32>
    %get3A_2 = arith.constant 0 : index
    %get3A_3 = arith.constant 0 : index
    %get3A_4 = vector.load %arg2[%get3A_2, %get3A_3] : memref<1x128xf32, #tpu.memory_space<vmem>>, vector<1x128xf32>
    %mul3A = vector.broadcast %get3A_1 : vector<1024x1xf32> to vector<1024x128xf32>
    %mul3A_5 = vector.broadcast %get3A_4 : vector<1x128xf32> to vector<1024x128xf32>
    %mul3A_6 = arith.mulf %mul3A, %mul3A_5 : vector<1024x128xf32>
    %mul3A_7 = arith.constant 0.159154937 : f32
    %mul3A_8 = vector.broadcast %mul3A_7 : f32 to vector<1024x128xf32>
    %mul3A_9 = arith.mulf %mul3A_6, %mul3A_8 : vector<1024x128xf32>
    %round3A = math.roundeven %mul3A_9 : vector<1024x128xf32>
    %mul3A_10 = arith.constant 6.28318548 : f32
    %mul3A_11 = vector.broadcast %mul3A_10 : f32 to vector<1024x128xf32>
    %mul3A_12 = arith.mulf %mul3A_11, %round3A : vector<1024x128xf32>
    %sub3A = arith.subf %mul3A_6, %mul3A_12 : vector<1024x128xf32>
    %mul3A_13 = arith.mulf %sub3A, %sub3A : vector<1024x128xf32>
    %mul3A_14 = arith.constant 1.35332676E-10 : f32
    %mul3A_15 = vector.broadcast %mul3A_14 : f32 to vector<1024x128xf32>
    %mul3A_16 = arith.mulf %mul3A_15, %mul3A_13 : vector<1024x128xf32>
    %add3A = arith.constant -2.47016096E-8 : f32
    %add3A_17 = vector.broadcast %add3A : f32 to vector<1024x128xf32>
    %add3A_18 = arith.addf %mul3A_16, %add3A_17 : vector<1024x128xf32>
    %mul3A_19 = arith.mulf %add3A_18, %mul3A_13 : vector<1024x128xf32>
    %add3A_20 = arith.constant 2.75322918E-6 : f32
    %add3A_21 = vector.broadcast %add3A_20 : f32 to vector<1024x128xf32>
    %add3A_22 = arith.addf %mul3A_19, %add3A_21 : vector<1024x128xf32>
    %mul3A_23 = arith.mulf %add3A_22, %mul3A_13 : vector<1024x128xf32>
    %add3A_24 = arith.constant -1.98403111E-4 : f32
    %add3A_25 = vector.broadcast %add3A_24 : f32 to vector<1024x128xf32>
    %add3A_26 = arith.addf %mul3A_23, %add3A_25 : vector<1024x128xf32>
    %mul3A_27 = arith.mulf %add3A_26, %mul3A_13 : vector<1024x128xf32>
    %add3A_28 = arith.constant 0.00833331421 : f32
    %add3A_29 = vector.broadcast %add3A_28 : f32 to vector<1024x128xf32>
    %add3A_30 = arith.addf %mul3A_27, %add3A_29 : vector<1024x128xf32>
    %mul3A_31 = arith.mulf %add3A_30, %mul3A_13 : vector<1024x128xf32>
    %add3A_32 = arith.constant -0.166666657 : f32
    %add3A_33 = vector.broadcast %add3A_32 : f32 to vector<1024x128xf32>
    %add3A_34 = arith.addf %mul3A_31, %add3A_33 : vector<1024x128xf32>
    %mul3A_35 = arith.mulf %add3A_34, %mul3A_13 : vector<1024x128xf32>
    %add3A_36 = arith.constant 1.000000e+00 : f32
    %add3A_37 = vector.broadcast %add3A_36 : f32 to vector<1024x128xf32>
    %add3A_38 = arith.addf %mul3A_35, %add3A_37 : vector<1024x128xf32>
    %mul3A_39 = arith.mulf %add3A_38, %sub3A : vector<1024x128xf32>
    %get3A_40 = arith.constant 0 : index
    %get3A_41 = arith.constant 0 : index
    %get3A_42 = vector.load %arg3[%get3A_40, %get3A_41] : memref<1024x128xf32, #tpu.memory_space<vmem>>, vector<1024x128xf32>
    %add3A_43 = arith.addf %get3A_42, %mul3A_39 : vector<1024x128xf32>
    %broadcast_in_dim3A = arith.constant 1.000000e+00 : f32
    %broadcast_in_dim3A_44 = vector.broadcast %broadcast_in_dim3A : f32 to vector<128x1xf32>
    %get3A_45 = arith.constant 0 : index
    %get3A_46 = arith.constant 0 : index
    %get3A_47 = vector.load %arg4[%get3A_45, %get3A_46] : memref<1024x128xf32, #tpu.memory_space<vmem>>, vector<1024x128xf32>
    %mul3A_48 = arith.mulf %add3A_43, %get3A_47 : vector<1024x128xf32>
    %dot_general3A = arith.constant dense<0.000000e+00> : vector<1024x1xf32>
    %dot_general3A_49 = tpu.matmul %mul3A_48, %broadcast_in_dim3A_44, %dot_general3A {dimension_numbers = #tpu.dot_dimension_numbers<[1], [0], [0], [1], [0, 0, 1, 1], [], []>, transpose_lhs_hint = false} : vector<1024x128xf32>, vector<128x1xf32>, vector<1024x1xf32> -> vector<1024x1xf32>
    %jit3A = arith.constant -1.000000e+01 : f32
    %jit3A_50 = arith.constant 1.000000e+01 : f32
    %max3A = vector.broadcast %jit3A : f32 to vector<1024x1xf32>
    %max3A_51 = arith.maximumf %max3A, %dot_general3A_49 : vector<1024x1xf32>
    %min3A = vector.broadcast %jit3A_50 : f32 to vector<1024x1xf32>
    %min3A_52 = arith.minimumf %min3A, %max3A_51 : vector<1024x1xf32>
    %neg3A = arith.constant 0.000000e+00 : f32
    %neg3A_53 = vector.broadcast %neg3A : f32 to vector<1024x1xf32>
    %neg3A_54 = arith.subf %neg3A_53, %min3A_52 : vector<1024x1xf32>
    %exp3A = math.exp %neg3A_54 : vector<1024x1xf32>
    %log1p3A = math.log1p %exp3A : vector<1024x1xf32>
    %reduce_sum3A = vector.shape_cast %log1p3A : vector<1024x1xf32> to vector<1x1024x1xf32>
    %reduce_sum3A_55 = arith.constant dense<0.000000e+00> : vector<1xf32>
    %reduce_sum3A_56 = vector.multi_reduction <add>, %reduce_sum3A, %reduce_sum3A_55 [1, 2] : vector<1x1024x1xf32> to vector<1xf32>
    %reduce_sum3A_57 = vector.shape_cast %reduce_sum3A_56 : vector<1xf32> to vector<1x1x1xf32>
    %reduce_sum3A_58 = vector.extract %reduce_sum3A_57[0, 0, 0] : f32 from vector<1x1x1xf32>
    %get3A_59 = arith.constant 0 : index
    %get3A_60 = arith.constant 0 : index
    %get3A_61 = vector.load %arg5[%get3A_59, %get3A_60] : memref<1024x128xf32, #tpu.memory_space<vmem>>, vector<1024x128xf32>
    %mul3A_62 = arith.mulf %get3A_61, %add3A_43 : vector<1024x128xf32>
    %dot_general3A_63 = arith.constant dense<0.000000e+00> : vector<1024x1xf32>
    %dot_general3A_64 = tpu.matmul %mul3A_62, %broadcast_in_dim3A_44, %dot_general3A_63 {dimension_numbers = #tpu.dot_dimension_numbers<[1], [0], [0], [1], [0, 0, 1, 1], [], []>, transpose_lhs_hint = false} : vector<1024x128xf32>, vector<128x1xf32>, vector<1024x1xf32> -> vector<1024x1xf32>
    %jit3A_65 = arith.constant -1.000000e+01 : f32
    %jit3A_66 = arith.constant 1.000000e+01 : f32
    %max3A_67 = vector.broadcast %jit3A_65 : f32 to vector<1024x1xf32>
    %max3A_68 = arith.maximumf %max3A_67, %dot_general3A_64 : vector<1024x1xf32>
    %min3A_69 = vector.broadcast %jit3A_66 : f32 to vector<1024x1xf32>
    %min3A_70 = arith.minimumf %min3A_69, %max3A_68 : vector<1024x1xf32>
    %exp3A_71 = math.exp %min3A_70 : vector<1024x1xf32>
    %log1p3A_72 = math.log1p %exp3A_71 : vector<1024x1xf32>
    %reduce_sum3A_73 = vector.shape_cast %log1p3A_72 : vector<1024x1xf32> to vector<1x1024x1xf32>
    %reduce_sum3A_74 = arith.constant dense<0.000000e+00> : vector<1xf32>
    %reduce_sum3A_75 = vector.multi_reduction <add>, %reduce_sum3A_73, %reduce_sum3A_74 [1, 2] : vector<1x1024x1xf32> to vector<1xf32>
    %reduce_sum3A_76 = vector.shape_cast %reduce_sum3A_75 : vector<1xf32> to vector<1x1x1xf32>
    %reduce_sum3A_77 = vector.extract %reduce_sum3A_76[0, 0, 0] : f32 from vector<1x1x1xf32>
    %add3A_78 = arith.addf %reduce_sum3A_58, %reduce_sum3A_77 : f32
    %get3A_79 = arith.constant 0 : index
    %get3A_80 = arith.constant 0 : index
    %get3A_81 = vector.load %arg6[%get3A_79, %get3A_80] : memref<1024x128xf32, #tpu.memory_space<vmem>>, vector<1024x128xf32>
    %mul3A_82 = arith.mulf %get3A_81, %add3A_43 : vector<1024x128xf32>
    %dot_general3A_83 = arith.constant dense<0.000000e+00> : vector<1024x1xf32>
    %dot_general3A_84 = tpu.matmul %mul3A_82, %broadcast_in_dim3A_44, %dot_general3A_83 {dimension_numbers = #tpu.dot_dimension_numbers<[1], [0], [0], [1], [0, 0, 1, 1], [], []>, transpose_lhs_hint = false} : vector<1024x128xf32>, vector<128x1xf32>, vector<1024x1xf32> -> vector<1024x1xf32>
    %jit3A_85 = arith.constant -1.000000e+01 : f32
    %jit3A_86 = arith.constant 1.000000e+01 : f32
    %max3A_87 = vector.broadcast %jit3A_85 : f32 to vector<1024x1xf32>
    %max3A_88 = arith.maximumf %max3A_87, %dot_general3A_84 : vector<1024x1xf32>
    %min3A_89 = vector.broadcast %jit3A_86 : f32 to vector<1024x1xf32>
    %min3A_90 = arith.minimumf %min3A_89, %max3A_88 : vector<1024x1xf32>
    %exp3A_91 = math.exp %min3A_90 : vector<1024x1xf32>
    %log1p3A_92 = math.log1p %exp3A_91 : vector<1024x1xf32>
    %reduce_sum3A_93 = vector.shape_cast %log1p3A_92 : vector<1024x1xf32> to vector<1x1024x1xf32>
    %reduce_sum3A_94 = arith.constant dense<0.000000e+00> : vector<1xf32>
    %reduce_sum3A_95 = vector.multi_reduction <add>, %reduce_sum3A_93, %reduce_sum3A_94 [1, 2] : vector<1x1024x1xf32> to vector<1xf32>
    %reduce_sum3A_96 = vector.shape_cast %reduce_sum3A_95 : vector<1xf32> to vector<1x1x1xf32>
    %reduce_sum3A_97 = vector.extract %reduce_sum3A_96[0, 0, 0] : f32 from vector<1x1x1xf32>
    %add3A_98 = arith.addf %add3A_78, %reduce_sum3A_97 : f32
    %get3A_99 = arith.constant 0 : index
    %get3A_100 = arith.constant 0 : index
    %get3A_101 = vector.load %arg7[%get3A_99, %get3A_100] : memref<1024x128xf32, #tpu.memory_space<vmem>>, vector<1024x128xf32>
    %mul3A_102 = arith.mulf %get3A_101, %add3A_43 : vector<1024x128xf32>
    %dot_general3A_103 = arith.constant dense<0.000000e+00> : vector<1024x1xf32>
    %dot_general3A_104 = tpu.matmul %mul3A_102, %broadcast_in_dim3A_44, %dot_general3A_103 {dimension_numbers = #tpu.dot_dimension_numbers<[1], [0], [0], [1], [0, 0, 1, 1], [], []>, transpose_lhs_hint = false} : vector<1024x128xf32>, vector<128x1xf32>, vector<1024x1xf32> -> vector<1024x1xf32>
    %jit3A_105 = arith.constant -1.000000e+01 : f32
    %jit3A_106 = arith.constant 1.000000e+01 : f32
    %max3A_107 = vector.broadcast %jit3A_105 : f32 to vector<1024x1xf32>
    %max3A_108 = arith.maximumf %max3A_107, %dot_general3A_104 : vector<1024x1xf32>
    %min3A_109 = vector.broadcast %jit3A_106 : f32 to vector<1024x1xf32>
    %min3A_110 = arith.minimumf %min3A_109, %max3A_108 : vector<1024x1xf32>
    %exp3A_111 = math.exp %min3A_110 : vector<1024x1xf32>
    %log1p3A_112 = math.log1p %exp3A_111 : vector<1024x1xf32>
    %reduce_sum3A_113 = vector.shape_cast %log1p3A_112 : vector<1024x1xf32> to vector<1x1024x1xf32>
    %reduce_sum3A_114 = arith.constant dense<0.000000e+00> : vector<1xf32>
    %reduce_sum3A_115 = vector.multi_reduction <add>, %reduce_sum3A_113, %reduce_sum3A_114 [1, 2] : vector<1x1024x1xf32> to vector<1xf32>
    %reduce_sum3A_116 = vector.shape_cast %reduce_sum3A_115 : vector<1xf32> to vector<1x1x1xf32>
    %reduce_sum3A_117 = vector.extract %reduce_sum3A_116[0, 0, 0] : f32 from vector<1x1x1xf32>
    %add3A_118 = arith.addf %add3A_98, %reduce_sum3A_117 : f32
    %get3A_119 = arith.constant 0 : index
    %get3A_120 = arith.constant 0 : index
    %get3A_121 = vector.load %arg8[%get3A_119, %get3A_120] : memref<1024x128xf32, #tpu.memory_space<vmem>>, vector<1024x128xf32>
    %mul3A_122 = arith.mulf %get3A_121, %add3A_43 : vector<1024x128xf32>
    %dot_general3A_123 = arith.constant dense<0.000000e+00> : vector<1024x1xf32>
    %dot_general3A_124 = tpu.matmul %mul3A_122, %broadcast_in_dim3A_44, %dot_general3A_123 {dimension_numbers = #tpu.dot_dimension_numbers<[1], [0], [0], [1], [0, 0, 1, 1], [], []>, transpose_lhs_hint = false} : vector<1024x128xf32>, vector<128x1xf32>, vector<1024x1xf32> -> vector<1024x1xf32>
    %jit3A_125 = arith.constant -1.000000e+01 : f32
    %jit3A_126 = arith.constant 1.000000e+01 : f32
    %max3A_127 = vector.broadcast %jit3A_125 : f32 to vector<1024x1xf32>
    %max3A_128 = arith.maximumf %max3A_127, %dot_general3A_124 : vector<1024x1xf32>
    %min3A_129 = vector.broadcast %jit3A_126 : f32 to vector<1024x1xf32>
    %min3A_130 = arith.minimumf %min3A_129, %max3A_128 : vector<1024x1xf32>
    %exp3A_131 = math.exp %min3A_130 : vector<1024x1xf32>
    %log1p3A_132 = math.log1p %exp3A_131 : vector<1024x1xf32>
    %reduce_sum3A_133 = vector.shape_cast %log1p3A_132 : vector<1024x1xf32> to vector<1x1024x1xf32>
    %reduce_sum3A_134 = arith.constant dense<0.000000e+00> : vector<1xf32>
    %reduce_sum3A_135 = vector.multi_reduction <add>, %reduce_sum3A_133, %reduce_sum3A_134 [1, 2] : vector<1x1024x1xf32> to vector<1xf32>
    %reduce_sum3A_136 = vector.shape_cast %reduce_sum3A_135 : vector<1xf32> to vector<1x1x1xf32>
    %reduce_sum3A_137 = vector.extract %reduce_sum3A_136[0, 0, 0] : f32 from vector<1x1x1xf32>
    %add3A_138 = arith.addf %add3A_118, %reduce_sum3A_137 : f32
    %get3A_139 = arith.constant 0 : index
    %get3A_140 = arith.constant 0 : index
    %get3A_141 = vector.load %arg9[%get3A_139, %get3A_140] : memref<1024x128xf32, #tpu.memory_space<vmem>>, vector<1024x128xf32>
    %mul3A_142 = arith.mulf %get3A_141, %add3A_43 : vector<1024x128xf32>
    %dot_general3A_143 = arith.constant dense<0.000000e+00> : vector<1024x1xf32>
    %dot_general3A_144 = tpu.matmul %mul3A_142, %broadcast_in_dim3A_44, %dot_general3A_143 {dimension_numbers = #tpu.dot_dimension_numbers<[1], [0], [0], [1], [0, 0, 1, 1], [], []>, transpose_lhs_hint = false} : vector<1024x128xf32>, vector<128x1xf32>, vector<1024x1xf32> -> vector<1024x1xf32>
    %jit3A_145 = arith.constant -1.000000e+01 : f32
    %jit3A_146 = arith.constant 1.000000e+01 : f32
    %max3A_147 = vector.broadcast %jit3A_145 : f32 to vector<1024x1xf32>
    %max3A_148 = arith.maximumf %max3A_147, %dot_general3A_144 : vector<1024x1xf32>
    %min3A_149 = vector.broadcast %jit3A_146 : f32 to vector<1024x1xf32>
    %min3A_150 = arith.minimumf %min3A_149, %max3A_148 : vector<1024x1xf32>
    %exp3A_151 = math.exp %min3A_150 : vector<1024x1xf32>
    %log1p3A_152 = math.log1p %exp3A_151 : vector<1024x1xf32>
    %reduce_sum3A_153 = vector.shape_cast %log1p3A_152 : vector<1024x1xf32> to vector<1x1024x1xf32>
    %reduce_sum3A_154 = arith.constant dense<0.000000e+00> : vector<1xf32>
    %reduce_sum3A_155 = vector.multi_reduction <add>, %reduce_sum3A_153, %reduce_sum3A_154 [1, 2] : vector<1x1024x1xf32> to vector<1xf32>
    %reduce_sum3A_156 = vector.shape_cast %reduce_sum3A_155 : vector<1xf32> to vector<1x1x1xf32>
    %reduce_sum3A_157 = vector.extract %reduce_sum3A_156[0, 0, 0] : f32 from vector<1x1x1xf32>
    %add3A_158 = arith.addf %add3A_138, %reduce_sum3A_157 : f32
    %eq3A = arith.constant 0 : i32
    %eq3A_159 = arith.cmpi eq, %arg0, %eq3A : i32
    %convert_element_type3A = arith.extui %eq3A_159 : i1 to i32
    %cond3A = arith.constant 0 : i32
    %cond3A_160 = arith.cmpi ne, %convert_element_type3A, %cond3A : i32
    scf.if %cond3A_160 {
      %swap3A_167 = arith.constant 0.000000e+00 : f32
      %swap3A_168 = arith.constant 0 : index
      %swap3A_169 = arith.constant 0 : index
      %swap3A_170 = memref.load %arg10[%swap3A_168, %swap3A_169] : memref<1x1xf32, #tpu.memory_space<smem>>
      memref.store %swap3A_167, %arg10[%swap3A_168, %swap3A_169] : memref<1x1xf32, #tpu.memory_space<smem>>
    } else {
    }
    %get3A_161 = arith.constant 0 : index
    %get3A_162 = arith.constant 0 : index
    %get3A_163 = memref.load %arg10[%get3A_161, %get3A_162] : memref<1x1xf32, #tpu.memory_space<smem>>
    %add3A_164 = arith.addf %get3A_163, %add3A_158 : f32
    %swap3A = arith.constant 0 : index
    %swap3A_165 = arith.constant 0 : index
    %swap3A_166 = memref.load %arg10[%swap3A, %swap3A_165] : memref<1x1xf32, #tpu.memory_space<smem>>
    memref.store %add3A_164, %arg10[%swap3A, %swap3A_165] : memref<1x1xf32, #tpu.memory_space<smem>>
    return
  }
  func.func @transform_0(%arg0: i32) -> (i32, i32) {
    %c0_i32 = arith.constant 0 : i32
    %c0_i32_0 = arith.constant 0 : i32
    return %arg0, %c0_i32 : i32, i32
  }
  func.func @transform_1(%arg0: i32) -> (i32, i32) {
    %c0_i32 = arith.constant 0 : i32
    %c0_i32_0 = arith.constant 0 : i32
    %c0_i32_1 = arith.constant 0 : i32
    return %c0_i32, %c0_i32_0 : i32, i32
  }
  func.func @transform_2(%arg0: i32) -> (i32, i32) {
    %c0_i32 = arith.constant 0 : i32
    %c0_i32_0 = arith.constant 0 : i32
    return %arg0, %c0_i32 : i32, i32
  }
  func.func @transform_3(%arg0: i32) -> (i32, i32) {
    %c0_i32 = arith.constant 0 : i32
    %c0_i32_0 = arith.constant 0 : i32
    return %arg0, %c0_i32 : i32, i32
  }
  func.func @transform_4(%arg0: i32) -> (i32, i32) {
    %add3A = arith.constant 0 : i32
    %add3A_0 = arith.addi %add3A, %arg0 : i32
    %c0_i32 = arith.constant 0 : i32
    %c0_i32_1 = arith.constant 0 : i32
    return %add3A_0, %c0_i32 : i32, i32
  }
  func.func @transform_5(%arg0: i32) -> (i32, i32) {
    %add3A = arith.constant 12 : i32
    %add3A_0 = arith.addi %add3A, %arg0 : i32
    %c0_i32 = arith.constant 0 : i32
    %c0_i32_1 = arith.constant 0 : i32
    return %add3A_0, %c0_i32 : i32, i32
  }
  func.func @transform_6(%arg0: i32) -> (i32, i32) {
    %add3A = arith.constant 24 : i32
    %add3A_0 = arith.addi %add3A, %arg0 : i32
    %c0_i32 = arith.constant 0 : i32
    %c0_i32_1 = arith.constant 0 : i32
    return %add3A_0, %c0_i32 : i32, i32
  }
  func.func @transform_7(%arg0: i32) -> (i32, i32) {
    %add3A = arith.constant 36 : i32
    %add3A_0 = arith.addi %add3A, %arg0 : i32
    %c0_i32 = arith.constant 0 : i32
    %c0_i32_1 = arith.constant 0 : i32
    return %add3A_0, %c0_i32 : i32, i32
  }
  func.func @transform_8(%arg0: i32) -> (i32, i32) {
    %add3A = arith.constant 48 : i32
    %add3A_0 = arith.addi %add3A, %arg0 : i32
    %c0_i32 = arith.constant 0 : i32
    %c0_i32_1 = arith.constant 0 : i32
    return %add3A_0, %c0_i32 : i32, i32
  }
  func.func @transform_9(%arg0: i32) -> (i32, i32) {
    %c0_i32 = arith.constant 0 : i32
    %c0_i32_0 = arith.constant 0 : i32
    %c0_i32_1 = arith.constant 0 : i32
    return %c0_i32, %c0_i32_0 : i32, i32
  }
}

module attributes {stable_mosaic.version = 14 : i64} {
  func.func @_tc_loss_body(%arg0: i32, %arg1: memref<1024x1xf32, #tpu.memory_space<vmem>>, %arg2: memref<1x128xf32, #tpu.memory_space<vmem>>, %arg3: memref<1024x128xf32, #tpu.memory_space<vmem>>, %arg4: memref<1024x128xf32, #tpu.memory_space<vmem>>, %arg5: memref<1024x128xf32, #tpu.memory_space<vmem>>, %arg6: memref<1024x128xf32, #tpu.memory_space<vmem>>, %arg7: memref<1024x128xf32, #tpu.memory_space<vmem>>, %arg8: memref<1024x128xf32, #tpu.memory_space<vmem>>, %arg9: memref<1024x128xf32, #tpu.memory_space<vmem>>, %arg10: memref<1x1xf32, #tpu.memory_space<smem>>) attributes {dimension_semantics = [#tpu.dimension_semantics<arbitrary>], iteration_bounds = array<i64: 4>, scalar_prefetch = 0 : i64, scratch_operands = 0 : i64, tpu.core_type = #tpu.core_type<tc>, window_params = [{transform_indices = @transform_0, window_bounds = array<i64: 1024, 1>}, {pipeline_mode = #tpu.pipeline_mode<synchronous>, transform_indices = @transform_1, window_bounds = array<i64: 1, 128>}, {transform_indices = @transform_2, window_bounds = array<i64: 1024, 128>}, {transform_indices = @transform_3, window_bounds = array<i64: 1024, 128>}, {transform_indices = @transform_4, window_bounds = array<i64: 1024, 128>}, {transform_indices = @transform_5, window_bounds = array<i64: 1024, 128>}, {transform_indices = @transform_6, window_bounds = array<i64: 1024, 128>}, {transform_indices = @transform_7, window_bounds = array<i64: 1024, 128>}, {transform_indices = @transform_8, window_bounds = array<i64: 1024, 128>}, {transform_indices = @transform_9, window_bounds = array<i64: 1, 1>}]} {
    %get3A = arith.constant 0 : index
    %get3A_0 = arith.constant 0 : index
    %get3A_1 = vector.load %arg1[%get3A, %get3A_0] : memref<1024x1xf32, #tpu.memory_space<vmem>>, vector<1024x1xf32>
    %get3A_2 = arith.constant 0 : index
    %get3A_3 = arith.constant 0 : index
    %get3A_4 = vector.load %arg2[%get3A_2, %get3A_3] : memref<1x128xf32, #tpu.memory_space<vmem>>, vector<1x128xf32>
    %mul3A = vector.broadcast %get3A_1 : vector<1024x1xf32> to vector<1024x128xf32>
    %mul3A_5 = vector.broadcast %get3A_4 : vector<1x128xf32> to vector<1024x128xf32>
    %mul3A_6 = arith.mulf %mul3A, %mul3A_5 : vector<1024x128xf32>
    %mul3A_7 = arith.constant 0.159154937 : f32
    %mul3A_8 = vector.broadcast %mul3A_7 : f32 to vector<1024x128xf32>
    %mul3A_9 = arith.mulf %mul3A_6, %mul3A_8 : vector<1024x128xf32>
    %round3A = math.roundeven %mul3A_9 : vector<1024x128xf32>
    %mul3A_10 = arith.constant 6.28318548 : f32
    %mul3A_11 = vector.broadcast %mul3A_10 : f32 to vector<1024x128xf32>
    %mul3A_12 = arith.mulf %mul3A_11, %round3A : vector<1024x128xf32>
    %sub3A = arith.subf %mul3A_6, %mul3A_12 : vector<1024x128xf32>
    %mul3A_13 = arith.mulf %sub3A, %sub3A : vector<1024x128xf32>
    %mul3A_14 = arith.constant 1.35332676E-10 : f32
    %mul3A_15 = vector.broadcast %mul3A_14 : f32 to vector<1024x128xf32>
    %mul3A_16 = arith.mulf %mul3A_15, %mul3A_13 : vector<1024x128xf32>
    %add3A = arith.constant -2.47016096E-8 : f32
    %add3A_17 = vector.broadcast %add3A : f32 to vector<1024x128xf32>
    %add3A_18 = arith.addf %mul3A_16, %add3A_17 : vector<1024x128xf32>
    %mul3A_19 = arith.mulf %add3A_18, %mul3A_13 : vector<1024x128xf32>
    %add3A_20 = arith.constant 2.75322918E-6 : f32
    %add3A_21 = vector.broadcast %add3A_20 : f32 to vector<1024x128xf32>
    %add3A_22 = arith.addf %mul3A_19, %add3A_21 : vector<1024x128xf32>
    %mul3A_23 = arith.mulf %add3A_22, %mul3A_13 : vector<1024x128xf32>
    %add3A_24 = arith.constant -1.98403111E-4 : f32
    %add3A_25 = vector.broadcast %add3A_24 : f32 to vector<1024x128xf32>
    %add3A_26 = arith.addf %mul3A_23, %add3A_25 : vector<1024x128xf32>
    %mul3A_27 = arith.mulf %add3A_26, %mul3A_13 : vector<1024x128xf32>
    %add3A_28 = arith.constant 0.00833331421 : f32
    %add3A_29 = vector.broadcast %add3A_28 : f32 to vector<1024x128xf32>
    %add3A_30 = arith.addf %mul3A_27, %add3A_29 : vector<1024x128xf32>
    %mul3A_31 = arith.mulf %add3A_30, %mul3A_13 : vector<1024x128xf32>
    %add3A_32 = arith.constant -0.166666657 : f32
    %add3A_33 = vector.broadcast %add3A_32 : f32 to vector<1024x128xf32>
    %add3A_34 = arith.addf %mul3A_31, %add3A_33 : vector<1024x128xf32>
    %mul3A_35 = arith.mulf %add3A_34, %mul3A_13 : vector<1024x128xf32>
    %add3A_36 = arith.constant 1.000000e+00 : f32
    %add3A_37 = vector.broadcast %add3A_36 : f32 to vector<1024x128xf32>
    %add3A_38 = arith.addf %mul3A_35, %add3A_37 : vector<1024x128xf32>
    %mul3A_39 = arith.mulf %add3A_38, %sub3A : vector<1024x128xf32>
    %get3A_40 = arith.constant 0 : index
    %get3A_41 = arith.constant 0 : index
    %get3A_42 = vector.load %arg3[%get3A_40, %get3A_41] : memref<1024x128xf32, #tpu.memory_space<vmem>>, vector<1024x128xf32>
    %add3A_43 = arith.addf %get3A_42, %mul3A_39 : vector<1024x128xf32>
    %broadcast_in_dim3A = arith.constant 1.000000e+00 : f32
    %broadcast_in_dim3A_44 = vector.broadcast %broadcast_in_dim3A : f32 to vector<128x1xf32>
    %get3A_45 = arith.constant 0 : index
    %get3A_46 = arith.constant 0 : index
    %get3A_47 = vector.load %arg4[%get3A_45, %get3A_46] : memref<1024x128xf32, #tpu.memory_space<vmem>>, vector<1024x128xf32>
    %mul3A_48 = arith.mulf %add3A_43, %get3A_47 : vector<1024x128xf32>
    %dot_general3A = arith.constant dense<0.000000e+00> : vector<1024x1xf32>
    %dot_general3A_49 = tpu.matmul %mul3A_48, %broadcast_in_dim3A_44, %dot_general3A {dimension_numbers = #tpu.dot_dimension_numbers<[1], [0], [0], [1], [0, 0, 1, 1], [], []>, transpose_lhs_hint = false} : vector<1024x128xf32>, vector<128x1xf32>, vector<1024x1xf32> -> vector<1024x1xf32>
    %jit3A = arith.constant -1.000000e+01 : f32
    %jit3A_50 = arith.constant 1.000000e+01 : f32
    %max3A = vector.broadcast %jit3A : f32 to vector<1024x1xf32>
    %max3A_51 = arith.maximumf %max3A, %dot_general3A_49 : vector<1024x1xf32>
    %min3A = vector.broadcast %jit3A_50 : f32 to vector<1024x1xf32>
    %min3A_52 = arith.minimumf %min3A, %max3A_51 : vector<1024x1xf32>
    %neg3A = arith.constant 0.000000e+00 : f32
    %neg3A_53 = vector.broadcast %neg3A : f32 to vector<1024x1xf32>
    %neg3A_54 = arith.subf %neg3A_53, %min3A_52 : vector<1024x1xf32>
    %exp3A = math.exp %neg3A_54 : vector<1024x1xf32>
    %log1p3A = math.log1p %exp3A : vector<1024x1xf32>
    %reduce_sum3A = vector.shape_cast %log1p3A : vector<1024x1xf32> to vector<1x1024x1xf32>
    %reduce_sum3A_55 = arith.constant dense<0.000000e+00> : vector<1xf32>
    %reduce_sum3A_56 = vector.multi_reduction <add>, %reduce_sum3A, %reduce_sum3A_55 [1, 2] : vector<1x1024x1xf32> to vector<1xf32>
    %reduce_sum3A_57 = vector.shape_cast %reduce_sum3A_56 : vector<1xf32> to vector<1x1x1xf32>
    %reduce_sum3A_58 = vector.extract %reduce_sum3A_57[0, 0, 0] : f32 from vector<1x1x1xf32>
    %get3A_59 = arith.constant 0 : index
    %get3A_60 = arith.constant 0 : index
    %get3A_61 = vector.load %arg5[%get3A_59, %get3A_60] : memref<1024x128xf32, #tpu.memory_space<vmem>>, vector<1024x128xf32>
    %mul3A_62 = arith.mulf %get3A_61, %add3A_43 : vector<1024x128xf32>
    %dot_general3A_63 = arith.constant dense<0.000000e+00> : vector<1024x1xf32>
    %dot_general3A_64 = tpu.matmul %mul3A_62, %broadcast_in_dim3A_44, %dot_general3A_63 {dimension_numbers = #tpu.dot_dimension_numbers<[1], [0], [0], [1], [0, 0, 1, 1], [], []>, transpose_lhs_hint = false} : vector<1024x128xf32>, vector<128x1xf32>, vector<1024x1xf32> -> vector<1024x1xf32>
    %jit3A_65 = arith.constant -1.000000e+01 : f32
    %jit3A_66 = arith.constant 1.000000e+01 : f32
    %max3A_67 = vector.broadcast %jit3A_65 : f32 to vector<1024x1xf32>
    %max3A_68 = arith.maximumf %max3A_67, %dot_general3A_64 : vector<1024x1xf32>
    %min3A_69 = vector.broadcast %jit3A_66 : f32 to vector<1024x1xf32>
    %min3A_70 = arith.minimumf %min3A_69, %max3A_68 : vector<1024x1xf32>
    %exp3A_71 = math.exp %min3A_70 : vector<1024x1xf32>
    %log1p3A_72 = math.log1p %exp3A_71 : vector<1024x1xf32>
    %reduce_sum3A_73 = vector.shape_cast %log1p3A_72 : vector<1024x1xf32> to vector<1x1024x1xf32>
    %reduce_sum3A_74 = arith.constant dense<0.000000e+00> : vector<1xf32>
    %reduce_sum3A_75 = vector.multi_reduction <add>, %reduce_sum3A_73, %reduce_sum3A_74 [1, 2] : vector<1x1024x1xf32> to vector<1xf32>
    %reduce_sum3A_76 = vector.shape_cast %reduce_sum3A_75 : vector<1xf32> to vector<1x1x1xf32>
    %reduce_sum3A_77 = vector.extract %reduce_sum3A_76[0, 0, 0] : f32 from vector<1x1x1xf32>
    %add3A_78 = arith.addf %reduce_sum3A_58, %reduce_sum3A_77 : f32
    %get3A_79 = arith.constant 0 : index
    %get3A_80 = arith.constant 0 : index
    %get3A_81 = vector.load %arg6[%get3A_79, %get3A_80] : memref<1024x128xf32, #tpu.memory_space<vmem>>, vector<1024x128xf32>
    %mul3A_82 = arith.mulf %get3A_81, %add3A_43 : vector<1024x128xf32>
    %dot_general3A_83 = arith.constant dense<0.000000e+00> : vector<1024x1xf32>
    %dot_general3A_84 = tpu.matmul %mul3A_82, %broadcast_in_dim3A_44, %dot_general3A_83 {dimension_numbers = #tpu.dot_dimension_numbers<[1], [0], [0], [1], [0, 0, 1, 1], [], []>, transpose_lhs_hint = false} : vector<1024x128xf32>, vector<128x1xf32>, vector<1024x1xf32> -> vector<1024x1xf32>
    %jit3A_85 = arith.constant -1.000000e+01 : f32
    %jit3A_86 = arith.constant 1.000000e+01 : f32
    %max3A_87 = vector.broadcast %jit3A_85 : f32 to vector<1024x1xf32>
    %max3A_88 = arith.maximumf %max3A_87, %dot_general3A_84 : vector<1024x1xf32>
    %min3A_89 = vector.broadcast %jit3A_86 : f32 to vector<1024x1xf32>
    %min3A_90 = arith.minimumf %min3A_89, %max3A_88 : vector<1024x1xf32>
    %exp3A_91 = math.exp %min3A_90 : vector<1024x1xf32>
    %log1p3A_92 = math.log1p %exp3A_91 : vector<1024x1xf32>
    %reduce_sum3A_93 = vector.shape_cast %log1p3A_92 : vector<1024x1xf32> to vector<1x1024x1xf32>
    %reduce_sum3A_94 = arith.constant dense<0.000000e+00> : vector<1xf32>
    %reduce_sum3A_95 = vector.multi_reduction <add>, %reduce_sum3A_93, %reduce_sum3A_94 [1, 2] : vector<1x1024x1xf32> to vector<1xf32>
    %reduce_sum3A_96 = vector.shape_cast %reduce_sum3A_95 : vector<1xf32> to vector<1x1x1xf32>
    %reduce_sum3A_97 = vector.extract %reduce_sum3A_96[0, 0, 0] : f32 from vector<1x1x1xf32>
    %add3A_98 = arith.addf %add3A_78, %reduce_sum3A_97 : f32
    %get3A_99 = arith.constant 0 : index
    %get3A_100 = arith.constant 0 : index
    %get3A_101 = vector.load %arg7[%get3A_99, %get3A_100] : memref<1024x128xf32, #tpu.memory_space<vmem>>, vector<1024x128xf32>
    %mul3A_102 = arith.mulf %get3A_101, %add3A_43 : vector<1024x128xf32>
    %dot_general3A_103 = arith.constant dense<0.000000e+00> : vector<1024x1xf32>
    %dot_general3A_104 = tpu.matmul %mul3A_102, %broadcast_in_dim3A_44, %dot_general3A_103 {dimension_numbers = #tpu.dot_dimension_numbers<[1], [0], [0], [1], [0, 0, 1, 1], [], []>, transpose_lhs_hint = false} : vector<1024x128xf32>, vector<128x1xf32>, vector<1024x1xf32> -> vector<1024x1xf32>
    %jit3A_105 = arith.constant -1.000000e+01 : f32
    %jit3A_106 = arith.constant 1.000000e+01 : f32
    %max3A_107 = vector.broadcast %jit3A_105 : f32 to vector<1024x1xf32>
    %max3A_108 = arith.maximumf %max3A_107, %dot_general3A_104 : vector<1024x1xf32>
    %min3A_109 = vector.broadcast %jit3A_106 : f32 to vector<1024x1xf32>
    %min3A_110 = arith.minimumf %min3A_109, %max3A_108 : vector<1024x1xf32>
    %exp3A_111 = math.exp %min3A_110 : vector<1024x1xf32>
    %log1p3A_112 = math.log1p %exp3A_111 : vector<1024x1xf32>
    %reduce_sum3A_113 = vector.shape_cast %log1p3A_112 : vector<1024x1xf32> to vector<1x1024x1xf32>
    %reduce_sum3A_114 = arith.constant dense<0.000000e+00> : vector<1xf32>
    %reduce_sum3A_115 = vector.multi_reduction <add>, %reduce_sum3A_113, %reduce_sum3A_114 [1, 2] : vector<1x1024x1xf32> to vector<1xf32>
    %reduce_sum3A_116 = vector.shape_cast %reduce_sum3A_115 : vector<1xf32> to vector<1x1x1xf32>
    %reduce_sum3A_117 = vector.extract %reduce_sum3A_116[0, 0, 0] : f32 from vector<1x1x1xf32>
    %add3A_118 = arith.addf %add3A_98, %reduce_sum3A_117 : f32
    %get3A_119 = arith.constant 0 : index
    %get3A_120 = arith.constant 0 : index
    %get3A_121 = vector.load %arg8[%get3A_119, %get3A_120] : memref<1024x128xf32, #tpu.memory_space<vmem>>, vector<1024x128xf32>
    %mul3A_122 = arith.mulf %get3A_121, %add3A_43 : vector<1024x128xf32>
    %dot_general3A_123 = arith.constant dense<0.000000e+00> : vector<1024x1xf32>
    %dot_general3A_124 = tpu.matmul %mul3A_122, %broadcast_in_dim3A_44, %dot_general3A_123 {dimension_numbers = #tpu.dot_dimension_numbers<[1], [0], [0], [1], [0, 0, 1, 1], [], []>, transpose_lhs_hint = false} : vector<1024x128xf32>, vector<128x1xf32>, vector<1024x1xf32> -> vector<1024x1xf32>
    %jit3A_125 = arith.constant -1.000000e+01 : f32
    %jit3A_126 = arith.constant 1.000000e+01 : f32
    %max3A_127 = vector.broadcast %jit3A_125 : f32 to vector<1024x1xf32>
    %max3A_128 = arith.maximumf %max3A_127, %dot_general3A_124 : vector<1024x1xf32>
    %min3A_129 = vector.broadcast %jit3A_126 : f32 to vector<1024x1xf32>
    %min3A_130 = arith.minimumf %min3A_129, %max3A_128 : vector<1024x1xf32>
    %exp3A_131 = math.exp %min3A_130 : vector<1024x1xf32>
    %log1p3A_132 = math.log1p %exp3A_131 : vector<1024x1xf32>
    %reduce_sum3A_133 = vector.shape_cast %log1p3A_132 : vector<1024x1xf32> to vector<1x1024x1xf32>
    %reduce_sum3A_134 = arith.constant dense<0.000000e+00> : vector<1xf32>
    %reduce_sum3A_135 = vector.multi_reduction <add>, %reduce_sum3A_133, %reduce_sum3A_134 [1, 2] : vector<1x1024x1xf32> to vector<1xf32>
    %reduce_sum3A_136 = vector.shape_cast %reduce_sum3A_135 : vector<1xf32> to vector<1x1x1xf32>
    %reduce_sum3A_137 = vector.extract %reduce_sum3A_136[0, 0, 0] : f32 from vector<1x1x1xf32>
    %add3A_138 = arith.addf %add3A_118, %reduce_sum3A_137 : f32
    %get3A_139 = arith.constant 0 : index
    %get3A_140 = arith.constant 0 : index
    %get3A_141 = vector.load %arg9[%get3A_139, %get3A_140] : memref<1024x128xf32, #tpu.memory_space<vmem>>, vector<1024x128xf32>
    %mul3A_142 = arith.mulf %get3A_141, %add3A_43 : vector<1024x128xf32>
    %dot_general3A_143 = arith.constant dense<0.000000e+00> : vector<1024x1xf32>
    %dot_general3A_144 = tpu.matmul %mul3A_142, %broadcast_in_dim3A_44, %dot_general3A_143 {dimension_numbers = #tpu.dot_dimension_numbers<[1], [0], [0], [1], [0, 0, 1, 1], [], []>, transpose_lhs_hint = false} : vector<1024x128xf32>, vector<128x1xf32>, vector<1024x1xf32> -> vector<1024x1xf32>
    %jit3A_145 = arith.constant -1.000000e+01 : f32
    %jit3A_146 = arith.constant 1.000000e+01 : f32
    %max3A_147 = vector.broadcast %jit3A_145 : f32 to vector<1024x1xf32>
    %max3A_148 = arith.maximumf %max3A_147, %dot_general3A_144 : vector<1024x1xf32>
    %min3A_149 = vector.broadcast %jit3A_146 : f32 to vector<1024x1xf32>
    %min3A_150 = arith.minimumf %min3A_149, %max3A_148 : vector<1024x1xf32>
    %exp3A_151 = math.exp %min3A_150 : vector<1024x1xf32>
    %log1p3A_152 = math.log1p %exp3A_151 : vector<1024x1xf32>
    %reduce_sum3A_153 = vector.shape_cast %log1p3A_152 : vector<1024x1xf32> to vector<1x1024x1xf32>
    %reduce_sum3A_154 = arith.constant dense<0.000000e+00> : vector<1xf32>
    %reduce_sum3A_155 = vector.multi_reduction <add>, %reduce_sum3A_153, %reduce_sum3A_154 [1, 2] : vector<1x1024x1xf32> to vector<1xf32>
    %reduce_sum3A_156 = vector.shape_cast %reduce_sum3A_155 : vector<1xf32> to vector<1x1x1xf32>
    %reduce_sum3A_157 = vector.extract %reduce_sum3A_156[0, 0, 0] : f32 from vector<1x1x1xf32>
    %add3A_158 = arith.addf %add3A_138, %reduce_sum3A_157 : f32
    %eq3A = arith.constant 0 : i32
    %eq3A_159 = arith.cmpi eq, %arg0, %eq3A : i32
    %convert_element_type3A = arith.extui %eq3A_159 : i1 to i32
    %cond3A = arith.constant 0 : i32
    %cond3A_160 = arith.cmpi ne, %convert_element_type3A, %cond3A : i32
    scf.if %cond3A_160 {
      %swap3A_167 = arith.constant 0.000000e+00 : f32
      %swap3A_168 = arith.constant 0 : index
      %swap3A_169 = arith.constant 0 : index
      %swap3A_170 = memref.load %arg10[%swap3A_168, %swap3A_169] : memref<1x1xf32, #tpu.memory_space<smem>>
      memref.store %swap3A_167, %arg10[%swap3A_168, %swap3A_169] : memref<1x1xf32, #tpu.memory_space<smem>>
    } else {
    }
    %get3A_161 = arith.constant 0 : index
    %get3A_162 = arith.constant 0 : index
    %get3A_163 = memref.load %arg10[%get3A_161, %get3A_162] : memref<1x1xf32, #tpu.memory_space<smem>>
    %add3A_164 = arith.addf %get3A_163, %add3A_158 : f32
    %swap3A = arith.constant 0 : index
    %swap3A_165 = arith.constant 0 : index
    %swap3A_166 = memref.load %arg10[%swap3A, %swap3A_165] : memref<1x1xf32, #tpu.memory_space<smem>>
    memref.store %add3A_164, %arg10[%swap3A, %swap3A_165] : memref<1x1xf32, #tpu.memory_space<smem>>
    return
  }
  func.func @transform_0(%arg0: i32) -> (i32, i32) {
    %c0_i32 = arith.constant 0 : i32
    %c0_i32_0 = arith.constant 0 : i32
    return %arg0, %c0_i32 : i32, i32
  }
  func.func @transform_1(%arg0: i32) -> (i32, i32) {
    %c0_i32 = arith.constant 0 : i32
    %c0_i32_0 = arith.constant 0 : i32
    %c0_i32_1 = arith.constant 0 : i32
    return %c0_i32, %c0_i32_0 : i32, i32
  }
  func.func @transform_2(%arg0: i32) -> (i32, i32) {
    %c0_i32 = arith.constant 0 : i32
    %c0_i32_0 = arith.constant 0 : i32
    return %arg0, %c0_i32 : i32, i32
  }
  func.func @transform_3(%arg0: i32) -> (i32, i32) {
    %c0_i32 = arith.constant 0 : i32
    %c0_i32_0 = arith.constant 0 : i32
    return %arg0, %c0_i32 : i32, i32
  }
  func.func @transform_4(%arg0: i32) -> (i32, i32) {
    %add3A = arith.constant 0 : i32
    %add3A_0 = arith.addi %add3A, %arg0 : i32
    %c0_i32 = arith.constant 0 : i32
    %c0_i32_1 = arith.constant 0 : i32
    return %add3A_0, %c0_i32 : i32, i32
  }
  func.func @transform_5(%arg0: i32) -> (i32, i32) {
    %add3A = arith.constant 4 : i32
    %add3A_0 = arith.addi %add3A, %arg0 : i32
    %c0_i32 = arith.constant 0 : i32
    %c0_i32_1 = arith.constant 0 : i32
    return %add3A_0, %c0_i32 : i32, i32
  }
  func.func @transform_6(%arg0: i32) -> (i32, i32) {
    %add3A = arith.constant 8 : i32
    %add3A_0 = arith.addi %add3A, %arg0 : i32
    %c0_i32 = arith.constant 0 : i32
    %c0_i32_1 = arith.constant 0 : i32
    return %add3A_0, %c0_i32 : i32, i32
  }
  func.func @transform_7(%arg0: i32) -> (i32, i32) {
    %add3A = arith.constant 12 : i32
    %add3A_0 = arith.addi %add3A, %arg0 : i32
    %c0_i32 = arith.constant 0 : i32
    %c0_i32_1 = arith.constant 0 : i32
    return %add3A_0, %c0_i32 : i32, i32
  }
  func.func @transform_8(%arg0: i32) -> (i32, i32) {
    %add3A = arith.constant 16 : i32
    %add3A_0 = arith.addi %add3A, %arg0 : i32
    %c0_i32 = arith.constant 0 : i32
    %c0_i32_1 = arith.constant 0 : i32
    return %add3A_0, %c0_i32 : i32, i32
  }
  func.func @transform_9(%arg0: i32) -> (i32, i32) {
    %c0_i32 = arith.constant 0 : i32
    %c0_i32_0 = arith.constant 0 : i32
    %c0_i32_1 = arith.constant 0 : i32
    return %c0_i32, %c0_i32_0 : i32, i32
  }
}

</mosaic_0001>

<sc_bundles>
// kernel: kernel.6.cloned.1.call-start
scs
__scs_entry_jumppad:
0x0: {  	(pc) =	sbr.rel $0x88, $3  }
0x1: {  	(tag) =	ssettag $0x0;
	lr =	simm.s32 $0x1  }
0x2: {  	[smem:$0x3F9A] =	sst lr;
	_ =	strace $0xD0000000  }
0x3: {  	_ = 	snop  }
0x4: {  	_ = 	snop  }
0x5: {  	_ = 	snop  }
0x6: {  	_ = 	snop  }
0x7: {  	_ = 	snop  }
__scs_overlays_trampoline_lowered:
0x8: {  	[smem:$0x3FA9] =	sst s0  }
0x9: {  	[smem:$0x3FAA] =	sst s1  }
0xa: {  	[smem:$0x3FAB] =	sst s2  }
0xb: {  	[smem:$0x3FAC] =	sst s3  }
0xc: {  	[smem:$0x3FAD] =	sst s4  }
0xd: {  	[smem:$0x3FAE] =	sst s5  }
0xe: {  	[smem:$0x3FAF] =	sst s6  }
0xf: {  	[smem:$0x3FB0] =	sst s7  }
0x10: {  	[smem:$0x3FB1] =	sst s8  }
0x11: {  	[smem:$0x3FB2] =	sst s9;
	s0 =	simm.s32 @!p0 $0x0  }
0x12: {  	s1 =	sld [smem:$0x3F98];
	s0 =	simm.s32 @p0 $0x1  }
0x13: {  	[smem:$0x3FB3] =	sst s0;
	s0 =	simm.s32 @!p1 $0x0  }
0x14: {  	s2 =	sld [smem:$0x3F97];
	s0 =	simm.s32 @p1 $0x1  }
0x15: {  	[smem:$0x3FB4] =	sst s0;
	s0 =	simm.s32 @!p2 $0x0  }
0x16: {  	s3 =	sld [smem:$0x3FDB];
	s0 =	simm.s32 @p2 $0x1  }
0x17: {  	s4 =	simm.s32 $0x1BF5;
	[smem:$0x3FB6] =	sst s0  }
0x18: {  	s0 =	sld [smem:$0x3F99];
	_ =	swait.ge [sflag:s4], $0x0  }
0x19: {  	s7 =	sld [smem:$0x3F9A]  }
0x1a: {  	s8 =	sadd.s32 $0xFFFFE003, lr  }
0x1b: {  	s9 =	sadd.s32 $0xFFFFFEF7, lr;
	s5 =	simm.s32 $0xFFFFFFFF;
	p2 =	slt.u32 s8, $0xFFFFF086  }
0x1c: {  	p1 =	slt.u32 s9, $0xF7A;
	s5 =	simm.s32 @!p2 $0x0  }
0x1d: {  	s5 =	simm.s32 @p1 $0x1;
	p0 =	seq.s32 s7, s2  }
0x1e: {  	s7 =	smul.u32 @!p0 $0xF7A, s2;
	p2 =	seq.s32 @!p0 s5, $0x0  }
0x1f: {  	s9 =	smul.u32 $0xF7A, s1;
	s8 =	simm.s32 @!p0 $0x1BF5;
	p2 =	por !p2, p0  }
0x20: {  	[sflag:s8] =	ssyncset.s32 @!p0 $0xFFFFF086;
	s6 =	sadd.s32 @!p0 s3, s7;
	s7 =	simm.s32 @!p0 $0x108  }
0x21: {  	s3 =	sadd.s32 s3, s9;
	s6 =	sadd.s32 @!p0 $0x88, s6;
	s7 =	simm.s32 @p2 $0x1082  }
0x22: {  	[simem:s7], [sflag:s8] =	dma.local @!p0 [hbm:s6], $0xF7A  }
0x23: {  	s9 =	sor.u32 $0xD0000000, s2;
	s6 =	simm.s32 $0x108;
	_ =	swait.ge @!p0 [sflag:s8], $0x0  }
0x24: {  	s3 =	sadd.s32 $0x88, s3;
	s6 =	simm.s32 @!p1 $0x1082;
	[sflag:s4] =	ssyncset.s32 $0xFFFFF086  }
0x25: {  	[simem:s6], [sflag:s4] =	dma.local [hbm:s3], $0xF7A  }
0x26: {  	[smem:$0x3F9A] =	sst s1;
	(tag) =	ssettag s2;
	_ =	strace s9  }
0x27: {  	s1 =	sld [smem:$0x3FAA]  }
0x28: {  	s2 =	sld [smem:$0x3FAB]  }
0x29: {  	s4 =	sld [smem:$0x3FAD]  }
0x2a: {  	p0 =	seq.s32 s5, $0x0;
	s5 =	sld [smem:$0x3FAE]  }
0x2b: {  	s6 =	sld [smem:$0x3FAF]  }
0x2c: {  	s7 =	sld [smem:$0x3FB0]  }
0x2d: {  	s3 =	simm.s32 $0x108;
	s8 =	sld [smem:$0x3FB1]  }
0x2e: {  	s3 =	simm.s32 @!p0 $0x1082;
	s9 =	sld [smem:$0x3FB2]  }
0x2f: {  	lr =	sadd.s32 s0, s3;
	s0 =	sld [smem:$0x3FA9]  }
0x30: {  	s3 =	sld [smem:$0x3FAC]  }
0x31: {  	[smem:$0x3FB5] =	sst s10  }
0x32: {  	s10 =	sld [smem:$0x3FB3];
	_ =	sdelay $0x3  }
0x33: {  	p0 =	seq.s32 s10, $0x1;
	s10 =	sld [smem:$0x3FB5];
	_ =	sdelay $0x3  }
0x34: {  	[smem:$0x3FB5] =	sst s10  }
0x35: {  	s10 =	sld [smem:$0x3FB4];
	_ =	sdelay $0x3  }
0x36: {  	p1 =	seq.s32 s10, $0x1;
	s10 =	sld [smem:$0x3FB5];
	_ =	sdelay $0x3  }
0x37: {  	[smem:$0x3FB5] =	sst s10  }
0x38: {  	s10 =	sld [smem:$0x3FB6]  }
0x39: {  	_ = 	snop;
	(pc) =	sbr.ind lr, $3  }
0x3a: {  	_ = 	snop  }
0x3b: {  	_ = 	snop  }
0x3c: {  	p2 =	seq.s32 s10, $0x1;
	s10 =	sld [smem:$0x3FB5]  }
0x3d: {  	_ =	shalt  }
0x3e: {  	_ =	shalt  }
0x3f: {  	_ =	shalt  }
0x40: {  	_ =	shalt  }
0x41: {  	_ =	shalt  }
0x42: {  	_ =	shalt  }
0x43: {  	_ =	shalt  }
0x44: {  	_ =	shalt  }
0x45: {  	_ =	shalt  }
0x46: {  	_ =	shalt  }
0x47: {  	_ =	shalt  }
0x48: {  	_ =	shalt  }
0x49: {  	_ =	shalt  }
0x4a: {  	_ =	shalt  }
0x4b: {  	_ =	shalt  }
0x4c: {  	_ =	shalt  }
0x4d: {  	_ =	shalt  }
0x4e: {  	_ =	shalt  }
0x4f: {  	_ =	shalt  }
0x50: {  	_ =	shalt  }
0x51: {  	_ =	shalt  }
0x52: {  	_ =	shalt  }
0x53: {  	_ =	shalt  }
0x54: {  	_ =	shalt  }
0x55: {  	_ =	shalt  }
0x56: {  	_ =	shalt  }
0x57: {  	_ =	shalt  }
0x58: {  	_ =	shalt  }
0x59: {  	_ =	shalt  }
0x5a: {  	_ =	shalt  }
0x5b: {  	_ =	shalt  }
0x5c: {  	_ =	shalt  }
0x5d: {  	_ =	shalt  }
0x5e: {  	_ =	shalt  }
0x5f: {  	_ =	shalt  }
0x60: {  	_ =	shalt  }
0x61: {  	_ =	shalt  }
0x62: {  	_ =	shalt  }
0x63: {  	_ =	shalt  }
0x64: {  	_ =	shalt  }
0x65: {  	_ =	shalt  }
0x66: {  	_ =	shalt  }
0x67: {  	_ =	shalt  }
0x68: {  	_ =	shalt  }
0x69: {  	_ =	shalt  }
0x6a: {  	_ =	shalt  }
0x6b: {  	_ =	shalt  }
0x6c: {  	_ =	shalt  }
0x6d: {  	_ =	shalt  }
0x6e: {  	_ =	shalt  }
0x6f: {  	_ =	shalt  }
0x70: {  	_ =	shalt  }
0x71: {  	_ =	shalt  }
0x72: {  	_ =	shalt  }
0x73: {  	_ =	shalt  }
0x74: {  	_ =	shalt  }
0x75: {  	_ =	shalt  }
0x76: {  	_ =	shalt  }
0x77: {  	_ =	shalt  }
0x78: {  	_ =	shalt  }
0x79: {  	_ =	shalt  }
0x7a: {  	_ =	shalt  }
0x7b: {  	_ =	shalt  }
0x7c: {  	_ =	shalt  }
0x7d: {  	_ =	shalt  }
0x7e: {  	_ =	shalt  }
0x7f: {  	_ =	shalt  }
0x80: {  	_ =	shalt  }
0x81: {  	_ =	shalt  }
0x82: {  	_ =	shalt  }
0x83: {  	_ =	shalt  }
0x84: {  	_ =	shalt  }
0x85: {  	_ =	shalt  }
0x86: {  	_ =	shalt  }
0x87: {  	_ =	shalt  }
.Lfunc_end0:
.L_simem_size_0:
called_computation_lowered:
.L_overlay_start_0:
0x88: {  	s2 =	sld [smem:$0x3FD9]  }
0x89: {  	s3 =	sld [smem:$0x3FFE];
	_ =	sdelay $0x1  }
0x8a: {  	s1 =	srdreg.scid  }
0x8b: {  	s0 =	sand.u32 $0x1, s1  }
0x8c: {  	s17 =	sshll.u32 s0, $0xA;
	s2 =	sadd.s32 s3, s2  }
0x8d: {  	s2 =	sadd.s32 s2, s17  }
0x8e: {  	[smem:$0x3FC1] =	sst s2  }
0x8f: {  	_ = 	snop  }
0x90: {  	s18 =	sld [smem:$0x3FC9]  }
0x91: {  	s4 =	sld [smem:$0x3FC8];
	(tm) =	ssettm $0x1  }
0x92: {  	s19 =	sld [smem:$0x3FFB];
	_ =	sdelay $0x3  }
0x93: {  	_ =	strace s19  }
0x94: {  	s2 =	sld [smem:$0x3FFC];
	_ =	sdelay $0x3  }
0x95: {  	_ =	strace s2  }
0x96: {  	s2 =	sld [smem:$0x3FFD];
	_ =	sdelay $0x3  }
0x97: {  	_ =	strace s2  }
0x98: {  	_ =	strace $0x8FFFFFFF  }
0x99: {  	s20 =	sld [smem:$0x3FDB];
	_ =	sdelay $0x1  }
0x9a: {  	s5 =	simm.s32 $_scs_section_size  }
0x9b: {  	s6 =	simm.s32 $_size__tile_overlayer_lowered;
	s7 =	simm.s32 $_tile_overlayer_lowered  }
0x9c: {  	s8 =	simm.s32 $0x1BFF;
	s21 =	sshll.u32 s7, $0x1;
	s5 =	sadd.s32 s5, s20  }
0x9d: {  	s22 =	simm.s32 $0x0;
	s6 =	sshll.u32 s6, $0x1;
	s7 =	sadd.s32 s21, s5  }
0x9e: {  	[timem:s22], [sflag:s8] =	dma.local [hbm:s7], s6  }
0x9f: {  	_ =	swait.ge [sflag:s8], s6  }
0xa0: {  	s6 =	ssub.s32 $0x0, s6;
	[sflag:s8] =	ssyncset.done $0x0  }
0xa1: {  	[sflag:s8] =	ssyncadd.s32 s6;
	_ =	sdelay $0x1  }
0xa2: {  	s23 =	simm.s32 $0x1B8B  }
0xa3: {  	_ =	swait.ge [sflag:s23], $0x1  }
0xa4: {  	[sflag:s23] =	ssyncset.done $0x0  }
0xa5: {  	[sflag:s23] =	ssyncadd.s32 $0xFFFFFFFF  }
0xa6: {  	s6 =	sld [smem:$0x0]  }
0xa7: {  	s7 =	sand.u32 $0xFFFFFFFE, s1  }
0xa8: {  	p0 =	sne.s32 s1, s7  }
0xa9: {  	s7 =	sshll.u32 @p0 s7, $0xE  }
0xaa: {  	s7 =	sadd.s32 @p0 $0x11B8D, s7;
	s8 =	sshll.u32 @p0 s6, $0x11  }
0xab: {  	s7 =	sor.u32 @p0 s8, s7  }
0xac: {  	[sflag:s7] =	ssyncadd.remote.s32 @p0 $0x1;
	_ =	sdelay $0x1  }
0xad: {  	s7 =	simm.s32 @p0 $0x1B8D  }
0xae: {  	_ =	swait.eq @p0 [sflag:s7], $0x1  }
0xaf: {  	[sflag:s7] =	ssyncadd.s32 @p0 $0xFFFFFFFF  }
0xb0: {  	s8 =	sshll.u32 @!p0 s1, $0xE  }
0xb1: {  	s8 =	sor.u32 @!p0 $0x4000, s8;
	s7 =	simm.s32 @!p0 $0x1B8D  }
0xb2: {  	s6 =	sshll.u32 @!p0 s6, $0x11;
	s8 =	sadd.s32 @!p0 $0x11B8D, s8;
	_ =	swait.eq @!p0 [sflag:s7], $0x1  }
0xb3: {  	s6 =	sor.u32 @!p0 s6, s8;
	[sflag:s7] =	ssyncadd.s32 @!p0 $0xFFFFFFFF  }
0xb4: {  	s25 =	simm.s32 $0x1B8E;
	s24 =	sld [smem:$0x3FFE];
	[sflag:s6] =	ssyncadd.remote.s32 @!p0 $0x1  }
0xb5: {  	s26 =	simm.s32 $execute0_lowered;
	[smem:$0x3FD2] =	sst s25  }
0xb6: {  	s7 =	sshll.u32 s26, $0x1;
	_ =	strace $0x80000049;
	[dreg:$0x1] =	wrdreg $0xFFFFFFFF  }
0xb7: {  	s28 =	simm.s32 $_size_execute0_lowered;
	s5 =	sadd.s32 s5, s7;
	[dreg:$0x0] =	wrdreg $0x0  }
0xb8: {  	s7 =	sshll.u32 s28, $0x1;
	[dreg:$0x2] =	wrdreg s5  }
0xb9: {  	[dreg:$0x3] =	wrdreg s7  }
0xba: {  	[dreg:$0x4] =	wrdreg $0xC0  }
0xbb: {  	_ =	task [dreg:s22], $0x5FFFF  }
0xbc: {  	[dreg:$0x1] =	wrdreg $0xFFFFFFFF  }
0xbd: {  	[dreg:$0x0] =	wrdreg $0x60  }
0xbe: {  	[dreg:$0x2] =	wrdreg s18  }
0xbf: {  	[dreg:$0x3] =	wrdreg s4  }
0xc0: {  	[dreg:$0x4] =	wrdreg s24  }
0xc1: {  	[dreg:$0x5] =	wrdreg $0x9  }
0xc2: {  	_ =	task.clear_ibuf [dreg:s22], $0x6FFFF;
	_ =	strace $0x90000049  }
0xc3: {  	s29 =	simm.s32 $0x9;
	_ =	strace $0x8000004B  }
0xc4: {  	_ =	swait.ge [sflag:s29], $0x1  }
0xc5: {  	[sflag:s29] =	ssyncadd.s32 $0xFFFFFFFF  }
0xc6: {  	_ =	strace $0x9000004B  }
0xc7: {  	_ =	sfence  }
0xc8: {  	s30 =	sld [smem:$0x0];
	_ =	sdelay $0x2  }
0xc9: {  	s31 =	sshll.u32 s1, $0xD;
	s1 =	sshrl.u32 s1, $0x2  }
0xca: {  	s4 =	sand.u32 $0x4000, s31;
	s1 =	sadd.s32 s1, s30  }
0xcb: {  	s0 =	sor.u32 s4, s0;
	s1 =	sshll.u32 s1, $0x11  }
0xcc: {  	s0 =	sor.u32 s1, s0  }
0xcd: {  	s0 =	sadd.s32 $0x8F2B, s0  }
0xce: {  	[sflag:s0] =	ssyncadd.remote.s32 $0x1  }
0xcf: {  	_ =	sfence.sel $0xFFFF  }
0xd0: {  	[dreg:$0x0] =	wrdreg $0xFFFFFFFF;
	(pc) =	sbr.abs _section_cstart, $3  }
0xd1: {  	[dreg:$0x1] =	wrdreg $0xFFFFFFFF  }
0xd2: {  	_ =	task.clear_ibuf [dreg:s22], $0x2FFFF;
	_ =	strace $0x9FFFFFFF  }
0xd3: {  	(tm) =	ssettm $0x7FFFFFFF  }
tec
execute0_lowered:
.L_overlay_start_1:
0x0: {  	(tag) =	ssettag $0x1  }
0x1: {  	s0 =	rddreg [dreg:$0x0]  }
0x2: {  	s3 =	rddreg [dreg:$0x1];
	s22 =	srdreg.scid  }
0x3: {  	s2 =	stileid.u32;
	s1 =	rddreg [dreg:$0x2];
	s19 =	simm.s32 $0x80  }
0x4: {  	s10 =	simm.s32 $0x380;
	s20 =	simm.s32 $0x4380;
	s18 =	simm.s32 $0x8380  }
0x5: {  	s17 =	simm.s32 $0xC380;
	s31 =	simm.s32 $0x200;
	s16 =	simm.s32 $0x10380  }
0x6: {  	s30 =	simm.s32 $0x280;
	s15 =	simm.s32 $0x14380;
	s13 =	simm.s32 $0x1  }
0x7: {  	s29 =	simm.s32 $0x300;
	p0 =	por $0x0, $0x0;
	s21 =	simm.s32 $0x6  }
0x8: {  	s14 =	simm.s32 $0xA;
	s12 =	simm.s32 $0xB;
	s11 =	simm.s32 $0xC  }
0x9: {  	[dreg:$0x4] =	wrdreg s0;
	s0 =	sand.u32 $0x1, s22;
	s4 =	sshll.u32 s2, $0x1  }
0xa: {  	s2 =	simm.s32 $0x0;
	s22 =	simm.s32 $0x5;
	s4 =	sor.u32 s0, s4  }
0xb: {  	[smem:$0x7FF] =	sst s2;
	s0 =	ssub.s32 $0x2, s0;
	s5 =	smul.u32 $0x50, s4  }
0xc: {  	_ =	strace $0x8000004A;
	s6 =	sshll.u32 s4, $0x4;
	s23 =	smul.u32 $0x14000, s4  }
0xd: {  	s7 =	sshll.u32 s4, $0xB;
	s9 =	sshrl.u32 s0, $0x1;
	s4 =	smul.u32 $0x2800, s4  }
0xe: {  	s6 =	sadd.s32 s6, s1;
	s7 =	sadd.s32 s7, s1;
	s0 =	ssub.s32 s0, s9  }
0xf: {  	s5 =	sadd.s32 s5, s1;
	s1 =	sadd.s32 $0x155C00, s1;
	s8 =	sadd.s32 $0x155000, s6  }
0x10: {  	s6 =	sadd.s32 $0x154E00, s6;
	s24 =	sadd.s32 $0x1A5C00, s7;
	[dreg:$0x5] =	wrdreg s8  }
0x11: {  	s25 =	sadd.s32 $0x1B5C00, s7;
	s0 =	smax.u32 s0, $0x1;
	[dreg:$0x6] =	wrdreg s6  }
0x12: {  	s7 =	simm.s32 $0x8;
	s5 =	sadd.s32 $0x155200, s5;
	[dreg:$0x8] =	wrdreg s24  }
0x13: {  	s6 =	sshrl.u32 s23, $0x3;
	[dreg:$0x9] =	wrdreg s25;
	s4 =	sadd.s32 s1, s4  }
0x14: {  	s25 =	simm.s32 $0x2;
	s24 =	simm.s32 $0x3;
	p1 =	sne.s32 s0, $0x1  }
.Ltmp0:
0x15: {  	s28 =	sadd.s32 $0xFFFFFFFF, s0;
	[dreg:$0x7] =	wrdreg s5;
	(pc) =	sbr.rel @!p1 .LBB2_1-.Ltmp0, $4  }
0x16: {  	s23 =	simm.s32 $0x4;
	s1 =	sadd.s32 s1, s6;
	[dreg:$0xa] =	wrdreg s4  }
0x17: {  	s4 =	simm.s32 $0x7;
	s6 =	simm.s32 $0x9;
	s0 =	rddreg [dreg:$0x5]  }
0x18: {  	s26 =	sadd.s32 $0x800, s1;
	s9 =	sadd.s32 $0x1000, s1;
	s8 =	sadd.s32 $0x1800, s1  }
0x19: {  	s5 =	sadd.s32 $0x2000, s1;
	[dreg:$0xb] =	wrdreg s26;
	s26 =	simm.s32 $0x100  }
0x1a: {  	[tilespmem:s2], [sflag:$0x7] =	stream.linear.gather [hbm4b:s0+s2], $0x80, $0x38;
	[tilespmem:$0x18380] =	vst v63  }
0x1b: {  	s1 =	rddreg [dreg:$0x6]  }
0x1c: {  	[tilespmem:s19], [sflag:$0x8] =	stream.linear.gather [hbm4b:s1+s2], $0x80, $0x38;
	[tilespmem:$0x18380] =	vst v63  }
0x1d: {  	s0 =	rddreg [dreg:$0x7]  }
0x1e: {  	[tilespmem:s26], [sflag:$0x9] =	stream.linear.gather [hbm4b:s0+s2], $0x280, $0x38;
	[tilespmem:$0x18380] =	vst v63  }
0x1f: {  	_ =	swait.ge [sflag:s4], $0x80  }
0x20: {  	[sflag:s4] =	ssyncset.done $0x0  }
0x21: {  	[sflag:s4] =	ssyncadd.s32 $0xFFFFFF80  }
0x22: {  	_ =	swait.ge [sflag:s7], $0x80  }
0x23: {  	[sflag:s7] =	ssyncset.done $0x0  }
0x24: {  	[sflag:s7] =	ssyncadd.s32 $0xFFFFFF80  }
0x25: {  	_ =	swait.ge [sflag:s6], $0x280  }
0x26: {  	[sflag:s6] =	ssyncset.done $0x0  }
0x27: {  	s1 =	rddreg [dreg:$0x4];
	[sflag:s6] =	ssyncadd.s32 $0xFFFFFD80  }
0x28: {  	[tilespmem:s10], [sflag:$0x1] =	stream.indirect.gather [hbm4b:s1+s19], $0x80, s2, s19, $0xb8;
	[tilespmem:$0x18380] =	vst v63  }
0x29: {  	_ = 	snop  }
0x2a: {  	[tilespmem:s20], [sflag:$0x2] =	stream.indirect.gather [hbm4b:s3+s19], $0x80, s19, s19, $0xb8;
	[tilespmem:$0x18380] =	vst v63  }
0x2b: {  	_ = 	snop  }
0x2c: {  	[tilespmem:s18], [sflag:$0x3] =	stream.indirect.gather [hbm4b:s3+s19], $0x80, s26, s19, $0xb8;
	[tilespmem:$0x18380] =	vst v63  }
0x2d: {  	s1 =	simm.s32 $0x180  }
0x2e: {  	[tilespmem:s17], [sflag:$0x4] =	stream.indirect.gather [hbm4b:s3+s19], $0x80, s1, s19, $0xb8;
	[tilespmem:$0x18380] =	vst v63  }
0x2f: {  	_ = 	snop  }
0x30: {  	[tilespmem:s16], [sflag:$0x5] =	stream.indirect.gather [hbm4b:s3+s19], $0x80, s31, s19, $0xb8;
	[tilespmem:$0x18380] =	vst v63  }
0x31: {  	_ = 	snop  }
0x32: {  	[tilespmem:s15], [sflag:$0x6] =	stream.indirect.gather [hbm4b:s3+s19], $0x80, s30, s19, $0xb8;
	[tilespmem:$0x18380] =	vst v63  }
0x33: {  	_ =	swait.ge [sflag:s13], $0x4000  }
0x34: {  	[sflag:s13] =	ssyncset.done $0x0  }
0x35: {  	s1 =	rddreg [dreg:$0x8];
	[sflag:s13] =	ssyncadd.s32 $0xFFFFC000  }
0x36: {  	[hbm4b:s1+s2] =	stream.linear.scatter [tilespmem:s10], [sflag:$0x7], $0x4000, $0x38;
	[tilespmem:$0x18380] =	vst v63  }
0x37: {  	_ =	swait.ge [sflag:s4], $0x4000  }
0x38: {  	[sflag:s4] =	ssyncset.done $0x0  }
0x39: {  	[sflag:s4] =	ssyncadd.s32 $0xFFFFC000  }
0x3a: {  	[tilespmem:s10], [sflag:$0x1] =	stream.indirect.gather [hbm4b:s3+s19], $0x80, s29, s19, $0xb8;
	[tilespmem:$0x18380] =	vst v63  }
0x3b: {  	_ =	swait.ge [sflag:s25], $0x4000  }
0x3c: {  	[sflag:s25] =	ssyncset.done $0x0  }
0x3d: {  	s1 =	rddreg [dreg:$0x9];
	[sflag:s25] =	ssyncadd.s32 $0xFFFFC000  }
0x3e: {  	[hbm4b:s1+s2] =	stream.linear.scatter [tilespmem:s20], [sflag:$0x8], $0x4000, $0x38;
	[tilespmem:$0x18380] =	vst v63  }
0x3f: {  	_ =	swait.ge [sflag:s24], $0x4000  }
0x40: {  	[sflag:s24] =	ssyncset.done $0x0  }
0x41: {  	s1 =	rddreg [dreg:$0xa];
	[sflag:s24] =	ssyncadd.s32 $0xFFFFC000  }
0x42: {  	[hbm4b:s1+s2] =	stream.linear.scatter [tilespmem:s18], [sflag:$0x9], $0x4000, $0x38;
	[tilespmem:$0x18380] =	vst v63  }
0x43: {  	_ =	swait.ge [sflag:s23], $0x4000  }
0x44: {  	[sflag:s23] =	ssyncset.done $0x0  }
0x45: {  	s1 =	rddreg [dreg:$0xb];
	[sflag:s23] =	ssyncadd.s32 $0xFFFFC000  }
0x46: {  	[hbm4b:s1+s2] =	stream.linear.scatter [tilespmem:s17], [sflag:$0xA], $0x4000, $0x38;
	[tilespmem:$0x18380] =	vst v63  }
0x47: {  	_ =	swait.ge [sflag:s22], $0x4000  }
0x48: {  	[sflag:s22] =	ssyncset.done $0x0  }
0x49: {  	[sflag:s22] =	ssyncadd.s32 $0xFFFFC000  }
0x4a: {  	[hbm4b:s9+s2] =	stream.linear.scatter [tilespmem:s16], [sflag:$0xB], $0x4000, $0x38;
	[tilespmem:$0x18380] =	vst v63  }
0x4b: {  	_ =	swait.ge [sflag:s21], $0x4000  }
0x4c: {  	[sflag:s21] =	ssyncset.done $0x0  }
0x4d: {  	[sflag:s21] =	ssyncadd.s32 $0xFFFFC000  }
0x4e: {  	[hbm4b:s8+s2] =	stream.linear.scatter [tilespmem:s15], [sflag:$0xC], $0x4000, $0x38;
	[tilespmem:$0x18380] =	vst v63  }
0x4f: {  	_ =	swait.ge [sflag:s13], $0x4000  }
0x50: {  	[sflag:s13] =	ssyncset.done $0x0  }
0x51: {  	[sflag:s13] =	ssyncadd.s32 $0xFFFFC000  }
0x52: {  	[hbm4b:s5+s2] =	stream.linear.scatter [tilespmem:s10], [sflag:$0x7], $0x4000, $0x38;
	[tilespmem:$0x18380] =	vst v63  }
0x53: {  	_ =	swait.ge [sflag:s7], $0x4000  }
0x54: {  	[sflag:s7] =	ssyncset.done $0x0  }
0x55: {  	[sflag:s7] =	ssyncadd.s32 $0xFFFFC000  }
0x56: {  	_ =	swait.ge [sflag:s6], $0x4000  }
0x57: {  	[sflag:s6] =	ssyncset.done $0x0  }
0x58: {  	[sflag:s6] =	ssyncadd.s32 $0xFFFFC000  }
0x59: {  	_ =	swait.ge [sflag:s14], $0x4000  }
0x5a: {  	[sflag:s14] =	ssyncset.done $0x0  }
0x5b: {  	[sflag:s14] =	ssyncadd.s32 $0xFFFFC000  }
0x5c: {  	_ =	swait.ge [sflag:s12], $0x4000  }
0x5d: {  	[sflag:s12] =	ssyncset.done $0x0  }
0x5e: {  	p1 =	sne.s32 s28, $0x1;
	[sflag:s12] =	ssyncadd.s32 $0xFFFFC000  }
.Ltmp1:
0x5f: {  	_ =	swait.ge [sflag:s11], $0x4000;
	(pc) =	sbr.rel @!p1 .LBB2_3-.Ltmp1, $4  }
0x60: {  	[sflag:s11] =	ssyncset.done $0x0  }
0x61: {  	[sflag:s11] =	ssyncadd.s32 $0xFFFFC000  }
0x62: {  	p0 =	por $0x1, $0x1;
	_ =	swait.ge [sflag:s4], $0x4000  }
0x63: {  	s1 =	sadd.s32 $0xFFFFFFFF, s28;
	s0 =	rddreg [dreg:$0x5];
	[sflag:s4] =	ssyncset.done $0x0  }
.LBB2_4:
0x64: {  	[sflag:s4] =	ssyncadd.s32 $0xFFFFC000  }
0x65: {  	[tilespmem:s2], [sflag:$0x7] =	stream.linear.gather [hbm4b:s0+s2], $0x80, $0x38;
	[tilespmem:$0x18380] =	vst v63  }
0x66: {  	s28 =	rddreg [dreg:$0x6]  }
0x67: {  	[tilespmem:s19], [sflag:$0x8] =	stream.linear.gather [hbm4b:s28+s2], $0x80, $0x38;
	[tilespmem:$0x18380] =	vst v63  }
0x68: {  	s0 =	rddreg [dreg:$0x7]  }
0x69: {  	[tilespmem:s26], [sflag:$0x9] =	stream.linear.gather [hbm4b:s0+s2], $0x280, $0x38;
	[tilespmem:$0x18380] =	vst v63  }
0x6a: {  	_ =	swait.ge [sflag:s4], $0x80  }
0x6b: {  	[sflag:s4] =	ssyncset.done $0x0  }
0x6c: {  	[sflag:s4] =	ssyncadd.s32 $0xFFFFFF80  }
0x6d: {  	_ =	swait.ge [sflag:s7], $0x80  }
0x6e: {  	[sflag:s7] =	ssyncset.done $0x0  }
0x6f: {  	[sflag:s7] =	ssyncadd.s32 $0xFFFFFF80  }
0x70: {  	_ =	swait.ge [sflag:s6], $0x280  }
0x71: {  	[sflag:s6] =	ssyncset.done $0x0  }
0x72: {  	s28 =	rddreg [dreg:$0x4];
	[sflag:s6] =	ssyncadd.s32 $0xFFFFFD80  }
0x73: {  	[tilespmem:s10], [sflag:$0x1] =	stream.indirect.gather [hbm4b:s28+s19], $0x80, s2, s19, $0xb8;
	[tilespmem:$0x18380] =	vst v63  }
0x74: {  	_ = 	snop  }
0x75: {  	[tilespmem:s20], [sflag:$0x2] =	stream.indirect.gather [hbm4b:s3+s19], $0x80, s19, s19, $0xb8;
	[tilespmem:$0x18380] =	vst v63  }
0x76: {  	_ = 	snop  }
0x77: {  	[tilespmem:s18], [sflag:$0x3] =	stream.indirect.gather [hbm4b:s3+s19], $0x80, s26, s19, $0xb8;
	[tilespmem:$0x18380] =	vst v63  }
0x78: {  	s28 =	simm.s32 $0x180  }
0x79: {  	[tilespmem:s17], [sflag:$0x4] =	stream.indirect.gather [hbm4b:s3+s19], $0x80, s28, s19, $0xb8;
	[tilespmem:$0x18380] =	vst v63  }
0x7a: {  	_ = 	snop  }
0x7b: {  	[tilespmem:s16], [sflag:$0x5] =	stream.indirect.gather [hbm4b:s3+s19], $0x80, s31, s19, $0xb8;
	[tilespmem:$0x18380] =	vst v63  }
0x7c: {  	_ = 	snop  }
0x7d: {  	[tilespmem:s15], [sflag:$0x6] =	stream.indirect.gather [hbm4b:s3+s19], $0x80, s30, s19, $0xb8;
	[tilespmem:$0x18380] =	vst v63  }
0x7e: {  	_ =	swait.ge [sflag:s13], $0x4000  }
0x7f: {  	[sflag:s13] =	ssyncset.done $0x0  }
0x80: {  	s28 =	rddreg [dreg:$0x8];
	[sflag:s13] =	ssyncadd.s32 $0xFFFFC000  }
0x81: {  	[hbm4b:s28+s2] =	stream.linear.scatter [tilespmem:s10], [sflag:$0x7], $0x4000, $0x38;
	[tilespmem:$0x18380] =	vst v63  }
0x82: {  	_ =	swait.ge [sflag:s4], $0x4000  }
0x83: {  	[sflag:s4] =	ssyncset.done $0x0  }
0x84: {  	[sflag:s4] =	ssyncadd.s32 $0xFFFFC000  }
0x85: {  	[tilespmem:s10], [sflag:$0x1] =	stream.indirect.gather [hbm4b:s3+s19], $0x80, s29, s19, $0xb8;
	[tilespmem:$0x18380] =	vst v63  }
0x86: {  	_ =	swait.ge [sflag:s25], $0x4000  }
0x87: {  	[sflag:s25] =	ssyncset.done $0x0  }
0x88: {  	s28 =	rddreg [dreg:$0x9];
	[sflag:s25] =	ssyncadd.s32 $0xFFFFC000  }
0x89: {  	[hbm4b:s28+s2] =	stream.linear.scatter [tilespmem:s20], [sflag:$0x8], $0x4000, $0x38;
	[tilespmem:$0x18380] =	vst v63  }
0x8a: {  	_ =	swait.ge [sflag:s24], $0x4000  }
0x8b: {  	[sflag:s24] =	ssyncset.done $0x0  }
0x8c: {  	s28 =	rddreg [dreg:$0xa];
	[sflag:s24] =	ssyncadd.s32 $0xFFFFC000  }
0x8d: {  	[hbm4b:s28+s2] =	stream.linear.scatter [tilespmem:s18], [sflag:$0x9], $0x4000, $0x38;
	[tilespmem:$0x18380] =	vst v63  }
0x8e: {  	_ =	swait.ge [sflag:s23], $0x4000  }
0x8f: {  	[sflag:s23] =	ssyncset.done $0x0  }
0x90: {  	s28 =	rddreg [dreg:$0xb];
	[sflag:s23] =	ssyncadd.s32 $0xFFFFC000  }
0x91: {  	[hbm4b:s28+s2] =	stream.linear.scatter [tilespmem:s17], [sflag:$0xA], $0x4000, $0x38;
	[tilespmem:$0x18380] =	vst v63  }
0x92: {  	_ =	swait.ge [sflag:s22], $0x4000  }
0x93: {  	[sflag:s22] =	ssyncset.done $0x0  }
0x94: {  	[sflag:s22] =	ssyncadd.s32 $0xFFFFC000  }
0x95: {  	[hbm4b:s9+s2] =	stream.linear.scatter [tilespmem:s16], [sflag:$0xB], $0x4000, $0x38;
	[tilespmem:$0x18380] =	vst v63  }
0x96: {  	_ =	swait.ge [sflag:s21], $0x4000  }
0x97: {  	[sflag:s21] =	ssyncset.done $0x0  }
0x98: {  	[sflag:s21] =	ssyncadd.s32 $0xFFFFC000  }
0x99: {  	[hbm4b:s8+s2] =	stream.linear.scatter [tilespmem:s15], [sflag:$0xC], $0x4000, $0x38;
	[tilespmem:$0x18380] =	vst v63  }
0x9a: {  	_ =	swait.ge [sflag:s13], $0x4000  }
0x9b: {  	[sflag:s13] =	ssyncset.done $0x0  }
0x9c: {  	[sflag:s13] =	ssyncadd.s32 $0xFFFFC000  }
0x9d: {  	[hbm4b:s5+s2] =	stream.linear.scatter [tilespmem:s10], [sflag:$0x7], $0x4000, $0x38;
	[tilespmem:$0x18380] =	vst v63  }
0x9e: {  	_ =	swait.ge [sflag:s7], $0x4000  }
0x9f: {  	[sflag:s7] =	ssyncset.done $0x0  }
0xa0: {  	[sflag:s7] =	ssyncadd.s32 $0xFFFFC000  }
0xa1: {  	_ =	swait.ge [sflag:s6], $0x4000  }
0xa2: {  	[sflag:s6] =	ssyncset.done $0x0  }
0xa3: {  	[sflag:s6] =	ssyncadd.s32 $0xFFFFC000  }
0xa4: {  	_ =	swait.ge [sflag:s14], $0x4000  }
0xa5: {  	[sflag:s14] =	ssyncset.done $0x0  }
0xa6: {  	[sflag:s14] =	ssyncadd.s32 $0xFFFFC000  }
0xa7: {  	_ =	swait.ge [sflag:s12], $0x4000  }
0xa8: {  	[sflag:s12] =	ssyncset.done $0x0  }
0xa9: {  	p1 =	sne.s32 s1, $0x1;
	[sflag:s12] =	ssyncadd.s32 $0xFFFFC000  }
.Ltmp2:
0xaa: {  	_ =	swait.ge [sflag:s11], $0x4000;
	(pc) =	sbr.rel @p1 .LBB2_4-.Ltmp2, $4  }
0xab: {  	[sflag:s11] =	ssyncset.done $0x0  }
0xac: {  	[sflag:s11] =	ssyncadd.s32 $0xFFFFC000  }
0xad: {  	_ =	swait.ge [sflag:s4], $0x4000  }
0xae: {  	s1 =	sadd.s32 $0xFFFFFFFF, s1;
	s0 =	rddreg [dreg:$0x5];
	[sflag:s4] =	ssyncset.done $0x0  }
0xaf: {  	s28 =	simm.s32 $0x280  }
0xb0: {  	s31 =	simm.s32 $0x200;
	s30 =	simm.s32 $0x180;
	s29 =	simm.s32 $0x300  }
.LBB2_6:
0xb1: {  	[sflag:s4] =	ssyncadd.s32 @p0 $0xFFFFC000  }
0xb2: {  	[tilespmem:s2], [sflag:$0x7] =	stream.linear.gather [hbm4b:s0+s2], $0x80, $0x38;
	[tilespmem:$0x18380] =	vst v63  }
0xb3: {  	s1 =	rddreg [dreg:$0x6]  }
0xb4: {  	[tilespmem:s19], [sflag:$0x8] =	stream.linear.gather [hbm4b:s1+s2], $0x80, $0x38;
	[tilespmem:$0x18380] =	vst v63  }
0xb5: {  	s0 =	rddreg [dreg:$0x7]  }
0xb6: {  	[tilespmem:s26], [sflag:$0x9] =	stream.linear.gather [hbm4b:s0+s2], $0x280, $0x38;
	[tilespmem:$0x18380] =	vst v63  }
0xb7: {  	_ =	swait.ge [sflag:s4], $0x80  }
0xb8: {  	[sflag:s4] =	ssyncset.done $0x0  }
0xb9: {  	[sflag:s4] =	ssyncadd.s32 $0xFFFFFF80  }
0xba: {  	_ =	swait.ge [sflag:s7], $0x80  }
0xbb: {  	[sflag:s7] =	ssyncset.done $0x0  }
0xbc: {  	[sflag:s7] =	ssyncadd.s32 $0xFFFFFF80  }
0xbd: {  	_ =	swait.ge [sflag:s6], $0x280  }
0xbe: {  	[sflag:s6] =	ssyncset.done $0x0  }
0xbf: {  	s1 =	rddreg [dreg:$0x4];
	[sflag:s6] =	ssyncadd.s32 $0xFFFFFD80  }
0xc0: {  	[tilespmem:s10], [sflag:$0x1] =	stream.indirect.gather [hbm4b:s1+s19], $0x80, s2, s19, $0xb8;
	[tilespmem:$0x18380] =	vst v63  }
0xc1: {  	_ = 	snop  }
0xc2: {  	[tilespmem:s20], [sflag:$0x2] =	stream.indirect.gather [hbm4b:s3+s19], $0x80, s19, s19, $0xb8;
	[tilespmem:$0x18380] =	vst v63  }
0xc3: {  	_ = 	snop  }
0xc4: {  	[tilespmem:s18], [sflag:$0x3] =	stream.indirect.gather [hbm4b:s3+s19], $0x80, s26, s19, $0xb8;
	[tilespmem:$0x18380] =	vst v63  }
0xc5: {  	_ = 	snop  }
0xc6: {  	[tilespmem:s17], [sflag:$0x4] =	stream.indirect.gather [hbm4b:s3+s19], $0x80, s30, s19, $0xb8;
	[tilespmem:$0x18380] =	vst v63  }
0xc7: {  	_ = 	snop  }
0xc8: {  	[tilespmem:s16], [sflag:$0x5] =	stream.indirect.gather [hbm4b:s3+s19], $0x80, s31, s19, $0xb8;
	[tilespmem:$0x18380] =	vst v63  }
0xc9: {  	_ = 	snop  }
0xca: {  	[tilespmem:s15], [sflag:$0x6] =	stream.indirect.gather [hbm4b:s3+s19], $0x80, s28, s19, $0xb8;
	[tilespmem:$0x18380] =	vst v63  }
0xcb: {  	_ =	swait.ge [sflag:s13], $0x4000  }
0xcc: {  	[sflag:s13] =	ssyncset.done $0x0  }
0xcd: {  	s26 =	rddreg [dreg:$0x8];
	[sflag:s13] =	ssyncadd.s32 $0xFFFFC000  }
0xce: {  	[hbm4b:s26+s2] =	stream.linear.scatter [tilespmem:s10], [sflag:$0x7], $0x4000, $0x38;
	[tilespmem:$0x18380] =	vst v63  }
0xcf: {  	_ =	swait.ge [sflag:s4], $0x4000  }
0xd0: {  	[sflag:s4] =	ssyncset.done $0x0  }
0xd1: {  	[sflag:s4] =	ssyncadd.s32 $0xFFFFC000  }
0xd2: {  	[tilespmem:s10], [sflag:$0x1] =	stream.indirect.gather [hbm4b:s3+s19], $0x80, s29, s19, $0xb8;
	[tilespmem:$0x18380] =	vst v63  }
0xd3: {  	_ =	swait.ge [sflag:s25], $0x4000  }
0xd4: {  	[sflag:s25] =	ssyncset.done $0x0  }
0xd5: {  	s28 =	rddreg [dreg:$0x9];
	[sflag:s25] =	ssyncadd.s32 $0xFFFFC000  }
0xd6: {  	[hbm4b:s28+s2] =	stream.linear.scatter [tilespmem:s20], [sflag:$0x8], $0x4000, $0x38;
	[tilespmem:$0x18380] =	vst v63  }
0xd7: {  	_ =	swait.ge [sflag:s24], $0x4000  }
0xd8: {  	[sflag:s24] =	ssyncset.done $0x0  }
0xd9: {  	s29 =	rddreg [dreg:$0xa];
	[sflag:s24] =	ssyncadd.s32 $0xFFFFC000  }
0xda: {  	[hbm4b:s29+s2] =	stream.linear.scatter [tilespmem:s18], [sflag:$0x9], $0x4000, $0x38;
	[tilespmem:$0x18380] =	vst v63  }
0xdb: {  	_ =	swait.ge [sflag:s23], $0x4000  }
0xdc: {  	[sflag:s23] =	ssyncset.done $0x0  }
0xdd: {  	s30 =	rddreg [dreg:$0xb];
	[sflag:s23] =	ssyncadd.s32 $0xFFFFC000  }
0xde: {  	[hbm4b:s30+s2] =	stream.linear.scatter [tilespmem:s17], [sflag:$0xA], $0x4000, $0x38;
	[tilespmem:$0x18380] =	vst v63  }
0xdf: {  	_ =	swait.ge [sflag:s22], $0x4000  }
0xe0: {  	[sflag:s22] =	ssyncset.done $0x0  }
0xe1: {  	[sflag:s22] =	ssyncadd.s32 $0xFFFFC000  }
0xe2: {  	[hbm4b:s9+s2] =	stream.linear.scatter [tilespmem:s16], [sflag:$0xB], $0x4000, $0x38;
	[tilespmem:$0x18380] =	vst v63  }
0xe3: {  	_ =	swait.ge [sflag:s21], $0x4000  }
0xe4: {  	[sflag:s21] =	ssyncset.done $0x0  }
0xe5: {  	[sflag:s21] =	ssyncadd.s32 $0xFFFFC000  }
0xe6: {  	[hbm4b:s8+s2] =	stream.linear.scatter [tilespmem:s15], [sflag:$0xC], $0x4000, $0x38;
	[tilespmem:$0x18380] =	vst v63  }
0xe7: {  	_ =	swait.ge [sflag:s13], $0x4000  }
0xe8: {  	[sflag:s13] =	ssyncset.done $0x0  }
0xe9: {  	[sflag:s13] =	ssyncadd.s32 $0xFFFFC000  }
0xea: {  	[hbm4b:s5+s2] =	stream.linear.scatter [tilespmem:s10], [sflag:$0x7], $0x4000, $0x38;
	[tilespmem:$0x18380] =	vst v63  }
0xeb: {  	_ =	swait.ge [sflag:s7], $0x4000  }
0xec: {  	[sflag:s7] =	ssyncset.done $0x0  }
0xed: {  	[sflag:s7] =	ssyncadd.s32 $0xFFFFC000  }
0xee: {  	_ =	swait.ge [sflag:s6], $0x4000  }
0xef: {  	[sflag:s6] =	ssyncset.done $0x0  }
0xf0: {  	[sflag:s6] =	ssyncadd.s32 $0xFFFFC000  }
0xf1: {  	_ =	swait.ge [sflag:s14], $0x4000  }
0xf2: {  	[sflag:s14] =	ssyncset.done $0x0  }
0xf3: {  	[sflag:s14] =	ssyncadd.s32 $0xFFFFC000  }
0xf4: {  	_ =	swait.ge [sflag:s12], $0x4000  }
0xf5: {  	[sflag:s12] =	ssyncset.done $0x0  }
0xf6: {  	[sflag:s12] =	ssyncadd.s32 $0xFFFFC000  }
0xf7: {  	_ =	swait.ge [sflag:s11], $0x4000  }
0xf8: {  	[sflag:s11] =	ssyncset.done $0x0  }
0xf9: {  	[sflag:s11] =	ssyncadd.s32 $0xFFFFC000  }
0xfa: {  	_ =	swait.ge [sflag:s4], $0x4000  }
0xfb: {  	[sflag:s4] =	ssyncset.done $0x0  }
0xfc: {  	[sflag:s4] =	ssyncadd.s32 $0xFFFFC000  }
0xfd: {  	_ =	sfence.sel $0x180000  }
0xfe: {  	[bflag:$0x0] =	sbarrier.arrive $0xFFFF  }
0xff: {  	_ =	strace $0x9000004A  }
0x100: {  	s31 =	stileid.u32;
	[bflag:$0x2] =	sbarrier.arrive $0xFFFF  }
0x101: {  	p0 =	sne.s32 s31, $0x0;
	s0 =	rddreg [dreg:$0x3]  }
0x102: {  	s0 =	sadd.s32 @!p0 $0x100000, s0  }
0x103: {  	[sflag:s0] =	ssyncadd.tile.s32 @!p0 $0x1;
	_ =	shalt  }
.LBB2_1:
.Ltmp3:
0x104: {  	(pc) =	sbr.rel .LBB2_6-.Ltmp3, $3  }
0x105: {  	_ =	sdelay $0x1  }
0x106: {  	s28 =	simm.s32 $0x280  }
0x107: {  	s31 =	simm.s32 $0x200;
	s30 =	simm.s32 $0x180;
	s29 =	simm.s32 $0x300  }
.LBB2_3:
.Ltmp4:
0x108: {  	(pc) =	sbr.rel .LBB2_6-.Ltmp4, $3  }
0x109: {  	_ =	sdelay $0x1  }
0x10a: {  	s28 =	simm.s32 $0x280  }
0x10b: {  	s31 =	simm.s32 $0x200;
	s30 =	simm.s32 $0x180;
	s29 =	simm.s32 $0x300  }
.Lfunc_end2:
_tile_overlayer_lowered:
.L_overlay_start_2:
0x10c: {  	(tag) =	ssettag $0x2  }
0x10d: {  	s0 =	rddreg [dreg:$0x0];
	s2 =	stileid.u32  }
0x10e: {  	s1 =	rddreg [dreg:$0x1];
	p0 =	sne.s32 s2, $0x0  }
0x10f: {  	s3 =	rddreg [dreg:$0x2];
	[bflag:$0x3] =	sbarrier.arrive $0xFFFF;
	s2 =	simm.s32 @!p0 $0x1C0D  }
0x110: {  	[timem:s3], [sflag:s2] =	dma.local @!p0 [hbm:s0], s1  }
0x111: {  	s0 =	simm.s32 @!p0 $0xD  }
0x112: {  	_ =	swait.ge @!p0 [sflag:s0], s1  }
0x113: {  	s1 =	ssub.s32 @!p0 $0x0, s1;
	[sflag:s0] =	ssyncset.done @!p0 $0x0  }
0x114: {  	[sflag:s0] =	ssyncadd.s32 @!p0 s1  }
0x115: {  	[bflag:$0x3] =	sbarrier.arrive $0xFFFF  }
0x116: {  	_ =	shalt  }

// kernel: kernel.9.cloned.1.call-start
scs
__scs_entry_jumppad:
0x0: {  	(pc) =	sbr.rel $0x88, $3  }
0x1: {  	(tag) =	ssettag $0x0;
	lr =	simm.s32 $0x1  }
0x2: {  	[smem:$0x3F9A] =	sst lr;
	_ =	strace $0xD0000000  }
0x3: {  	_ = 	snop  }
0x4: {  	_ = 	snop  }
0x5: {  	_ = 	snop  }
0x6: {  	_ = 	snop  }
0x7: {  	_ = 	snop  }
__scs_overlays_trampoline_lowered:
0x8: {  	[smem:$0x3FA9] =	sst s0  }
0x9: {  	[smem:$0x3FAA] =	sst s1  }
0xa: {  	[smem:$0x3FAB] =	sst s2  }
0xb: {  	[smem:$0x3FAC] =	sst s3  }
0xc: {  	[smem:$0x3FAD] =	sst s4  }
0xd: {  	[smem:$0x3FAE] =	sst s5  }
0xe: {  	[smem:$0x3FAF] =	sst s6  }
0xf: {  	[smem:$0x3FB0] =	sst s7  }
0x10: {  	[smem:$0x3FB1] =	sst s8  }
0x11: {  	[smem:$0x3FB2] =	sst s9;
	s0 =	simm.s32 @!p0 $0x0  }
0x12: {  	s1 =	sld [smem:$0x3F98];
	s0 =	simm.s32 @p0 $0x1  }
0x13: {  	[smem:$0x3FB3] =	sst s0;
	s0 =	simm.s32 @!p1 $0x0  }
0x14: {  	s2 =	sld [smem:$0x3F97];
	s0 =	simm.s32 @p1 $0x1  }
0x15: {  	[smem:$0x3FB4] =	sst s0;
	s0 =	simm.s32 @!p2 $0x0  }
0x16: {  	s3 =	sld [smem:$0x3FDB];
	s0 =	simm.s32 @p2 $0x1  }
0x17: {  	s4 =	simm.s32 $0x1BF5;
	[smem:$0x3FB6] =	sst s0  }
0x18: {  	s0 =	sld [smem:$0x3F99];
	_ =	swait.ge [sflag:s4], $0x0  }
0x19: {  	s7 =	sld [smem:$0x3F9A]  }
0x1a: {  	s8 =	sadd.s32 $0xFFFFE003, lr  }
0x1b: {  	s9 =	sadd.s32 $0xFFFFFEF7, lr;
	s5 =	simm.s32 $0xFFFFFFFF;
	p2 =	slt.u32 s8, $0xFFFFF086  }
0x1c: {  	p1 =	slt.u32 s9, $0xF7A;
	s5 =	simm.s32 @!p2 $0x0  }
0x1d: {  	s5 =	simm.s32 @p1 $0x1;
	p0 =	seq.s32 s7, s2  }
0x1e: {  	s7 =	smul.u32 @!p0 $0xF7A, s2;
	p2 =	seq.s32 @!p0 s5, $0x0  }
0x1f: {  	s9 =	smul.u32 $0xF7A, s1;
	s8 =	simm.s32 @!p0 $0x1BF5;
	p2 =	por !p2, p0  }
0x20: {  	[sflag:s8] =	ssyncset.s32 @!p0 $0xFFFFF086;
	s6 =	sadd.s32 @!p0 s3, s7;
	s7 =	simm.s32 @!p0 $0x108  }
0x21: {  	s3 =	sadd.s32 s3, s9;
	s6 =	sadd.s32 @!p0 $0x88, s6;
	s7 =	simm.s32 @p2 $0x1082  }
0x22: {  	[simem:s7], [sflag:s8] =	dma.local @!p0 [hbm:s6], $0xF7A  }
0x23: {  	s9 =	sor.u32 $0xD0000000, s2;
	s6 =	simm.s32 $0x108;
	_ =	swait.ge @!p0 [sflag:s8], $0x0  }
0x24: {  	s3 =	sadd.s32 $0x88, s3;
	s6 =	simm.s32 @!p1 $0x1082;
	[sflag:s4] =	ssyncset.s32 $0xFFFFF086  }
0x25: {  	[simem:s6], [sflag:s4] =	dma.local [hbm:s3], $0xF7A  }
0x26: {  	[smem:$0x3F9A] =	sst s1;
	(tag) =	ssettag s2;
	_ =	strace s9  }
0x27: {  	s1 =	sld [smem:$0x3FAA]  }
0x28: {  	s2 =	sld [smem:$0x3FAB]  }
0x29: {  	s4 =	sld [smem:$0x3FAD]  }
0x2a: {  	p0 =	seq.s32 s5, $0x0;
	s5 =	sld [smem:$0x3FAE]  }
0x2b: {  	s6 =	sld [smem:$0x3FAF]  }
0x2c: {  	s7 =	sld [smem:$0x3FB0]  }
0x2d: {  	s3 =	simm.s32 $0x108;
	s8 =	sld [smem:$0x3FB1]  }
0x2e: {  	s3 =	simm.s32 @!p0 $0x1082;
	s9 =	sld [smem:$0x3FB2]  }
0x2f: {  	lr =	sadd.s32 s0, s3;
	s0 =	sld [smem:$0x3FA9]  }
0x30: {  	s3 =	sld [smem:$0x3FAC]  }
0x31: {  	[smem:$0x3FB5] =	sst s10  }
0x32: {  	s10 =	sld [smem:$0x3FB3];
	_ =	sdelay $0x3  }
0x33: {  	p0 =	seq.s32 s10, $0x1;
	s10 =	sld [smem:$0x3FB5];
	_ =	sdelay $0x3  }
0x34: {  	[smem:$0x3FB5] =	sst s10  }
0x35: {  	s10 =	sld [smem:$0x3FB4];
	_ =	sdelay $0x3  }
0x36: {  	p1 =	seq.s32 s10, $0x1;
	s10 =	sld [smem:$0x3FB5];
	_ =	sdelay $0x3  }
0x37: {  	[smem:$0x3FB5] =	sst s10  }
0x38: {  	s10 =	sld [smem:$0x3FB6]  }
0x39: {  	_ = 	snop;
	(pc) =	sbr.ind lr, $3  }
0x3a: {  	_ = 	snop  }
0x3b: {  	_ = 	snop  }
0x3c: {  	p2 =	seq.s32 s10, $0x1;
	s10 =	sld [smem:$0x3FB5]  }
0x3d: {  	_ =	shalt  }
0x3e: {  	_ =	shalt  }
0x3f: {  	_ =	shalt  }
0x40: {  	_ =	shalt  }
0x41: {  	_ =	shalt  }
0x42: {  	_ =	shalt  }
0x43: {  	_ =	shalt  }
0x44: {  	_ =	shalt  }
0x45: {  	_ =	shalt  }
0x46: {  	_ =	shalt  }
0x47: {  	_ =	shalt  }
0x48: {  	_ =	shalt  }
0x49: {  	_ =	shalt  }
0x4a: {  	_ =	shalt  }
0x4b: {  	_ =	shalt  }
0x4c: {  	_ =	shalt  }
0x4d: {  	_ =	shalt  }
0x4e: {  	_ =	shalt  }
0x4f: {  	_ =	shalt  }
0x50: {  	_ =	shalt  }
0x51: {  	_ =	shalt  }
0x52: {  	_ =	shalt  }
0x53: {  	_ =	shalt  }
0x54: {  	_ =	shalt  }
0x55: {  	_ =	shalt  }
0x56: {  	_ =	shalt  }
0x57: {  	_ =	shalt  }
0x58: {  	_ =	shalt  }
0x59: {  	_ =	shalt  }
0x5a: {  	_ =	shalt  }
0x5b: {  	_ =	shalt  }
0x5c: {  	_ =	shalt  }
0x5d: {  	_ =	shalt  }
0x5e: {  	_ =	shalt  }
0x5f: {  	_ =	shalt  }
0x60: {  	_ =	shalt  }
0x61: {  	_ =	shalt  }
0x62: {  	_ =	shalt  }
0x63: {  	_ =	shalt  }
0x64: {  	_ =	shalt  }
0x65: {  	_ =	shalt  }
0x66: {  	_ =	shalt  }
0x67: {  	_ =	shalt  }
0x68: {  	_ =	shalt  }
0x69: {  	_ =	shalt  }
0x6a: {  	_ =	shalt  }
0x6b: {  	_ =	shalt  }
0x6c: {  	_ =	shalt  }
0x6d: {  	_ =	shalt  }
0x6e: {  	_ =	shalt  }
0x6f: {  	_ =	shalt  }
0x70: {  	_ =	shalt  }
0x71: {  	_ =	shalt  }
0x72: {  	_ =	shalt  }
0x73: {  	_ =	shalt  }
0x74: {  	_ =	shalt  }
0x75: {  	_ =	shalt  }
0x76: {  	_ =	shalt  }
0x77: {  	_ =	shalt  }
0x78: {  	_ =	shalt  }
0x79: {  	_ =	shalt  }
0x7a: {  	_ =	shalt  }
0x7b: {  	_ =	shalt  }
0x7c: {  	_ =	shalt  }
0x7d: {  	_ =	shalt  }
0x7e: {  	_ =	shalt  }
0x7f: {  	_ =	shalt  }
0x80: {  	_ =	shalt  }
0x81: {  	_ =	shalt  }
0x82: {  	_ =	shalt  }
0x83: {  	_ =	shalt  }
0x84: {  	_ =	shalt  }
0x85: {  	_ =	shalt  }
0x86: {  	_ =	shalt  }
0x87: {  	_ =	shalt  }
.Lfunc_end0:
.L_simem_size_0:
called_computation.1_lowered:
.L_overlay_start_0:
0x88: {  	s2 =	sld [smem:$0x3FD9]  }
0x89: {  	s3 =	sld [smem:$0x3FFE];
	_ =	sdelay $0x1  }
0x8a: {  	s1 =	srdreg.scid  }
0x8b: {  	s0 =	sand.u32 $0x1, s1  }
0x8c: {  	s17 =	sshll.u32 s0, $0xA;
	s2 =	sadd.s32 s3, s2  }
0x8d: {  	s2 =	sadd.s32 s2, s17  }
0x8e: {  	[smem:$0x3FC1] =	sst s2  }
0x8f: {  	_ = 	snop  }
0x90: {  	s2 =	sld [smem:$0x3FC9]  }
0x91: {  	s18 =	sld [smem:$0x3FC8];
	(tm) =	ssettm $0x1  }
0x92: {  	s4 =	sld [smem:$0x3FFB];
	_ =	sdelay $0x3  }
0x93: {  	_ =	strace s4  }
0x94: {  	s4 =	sld [smem:$0x3FFC];
	_ =	sdelay $0x3  }
0x95: {  	_ =	strace s4  }
0x96: {  	s4 =	sld [smem:$0x3FFD];
	_ =	sdelay $0x3  }
0x97: {  	_ =	strace s4  }
0x98: {  	_ =	strace $0x8FFFFFFF  }
0x99: {  	s19 =	sld [smem:$0x3FDB];
	_ =	sdelay $0x1  }
0x9a: {  	s5 =	simm.s32 $_scs_section_size  }
0x9b: {  	s6 =	simm.s32 $_size__tile_overlayer_lowered;
	s7 =	simm.s32 $_tile_overlayer_lowered  }
0x9c: {  	s22 =	simm.s32 $0x1BFF;
	s21 =	sshll.u32 s7, $0x1;
	s4 =	sadd.s32 s5, s19  }
0x9d: {  	s8 =	simm.s32 $0x0;
	s20 =	sshll.u32 s6, $0x1;
	s6 =	sadd.s32 s21, s4  }
0x9e: {  	[timem:s8], [sflag:s22] =	dma.local [hbm:s6], s20  }
0x9f: {  	_ =	swait.ge [sflag:s22], s20  }
0xa0: {  	s5 =	ssub.s32 $0x0, s20;
	[sflag:s22] =	ssyncset.done $0x0  }
0xa1: {  	[sflag:s22] =	ssyncadd.s32 s5;
	_ =	sdelay $0x1  }
0xa2: {  	s23 =	simm.s32 $0x1B8B  }
0xa3: {  	_ =	swait.ge [sflag:s23], $0x1  }
0xa4: {  	[sflag:s23] =	ssyncset.done $0x0  }
0xa5: {  	s25 =	simm.s32 $0x1B8E;
	s24 =	sld [smem:$0x3FFE];
	[sflag:s23] =	ssyncadd.s32 $0xFFFFFFFF  }
0xa6: {  	s26 =	simm.s32 $execute0_lowered;
	[smem:$0x3FD2] =	sst s25  }
0xa7: {  	s6 =	sshll.u32 s26, $0x1;
	_ =	strace $0x80000046;
	[dreg:$0x1] =	wrdreg $0xFFFFFFFF  }
0xa8: {  	s28 =	simm.s32 $_size_execute0_lowered;
	s4 =	sadd.s32 s4, s6;
	[dreg:$0x0] =	wrdreg $0x0  }
0xa9: {  	s6 =	sshll.u32 s28, $0x1;
	[dreg:$0x2] =	wrdreg s4  }
0xaa: {  	[dreg:$0x3] =	wrdreg s6  }
0xab: {  	[dreg:$0x4] =	wrdreg $0xC0  }
0xac: {  	_ =	task [dreg:s8], $0x5FFFF  }
0xad: {  	[dreg:$0x1] =	wrdreg $0xFFFFFFFF  }
0xae: {  	[dreg:$0x0] =	wrdreg $0x60  }
0xaf: {  	[dreg:$0x2] =	wrdreg s2  }
0xb0: {  	[dreg:$0x3] =	wrdreg s18  }
0xb1: {  	[dreg:$0x4] =	wrdreg s24  }
0xb2: {  	[dreg:$0x5] =	wrdreg $0xA  }
0xb3: {  	_ =	task.clear_ibuf [dreg:s8], $0x6FFFF;
	_ =	strace $0x90000046  }
0xb4: {  	s29 =	simm.s32 $0xA;
	_ =	strace $0x80000048  }
0xb5: {  	_ =	swait.ge [sflag:s29], $0x1  }
0xb6: {  	[sflag:s29] =	ssyncadd.s32 $0xFFFFFFFF  }
0xb7: {  	_ =	strace $0x90000048  }
0xb8: {  	_ =	sfence  }
0xb9: {  	s30 =	sld [smem:$0x0];
	_ =	sdelay $0x2  }
0xba: {  	s31 =	sshll.u32 s1, $0xD;
	s1 =	sshrl.u32 s1, $0x2  }
0xbb: {  	s3 =	sand.u32 $0x4000, s31;
	s1 =	sadd.s32 s1, s30  }
0xbc: {  	s0 =	sor.u32 s3, s0;
	s1 =	sshll.u32 s1, $0x11  }
0xbd: {  	s0 =	sor.u32 s1, s0  }
0xbe: {  	s0 =	sadd.s32 $0x8F2B, s0  }
0xbf: {  	[sflag:s0] =	ssyncadd.remote.s32 $0x1  }
0xc0: {  	_ =	sfence.sel $0xFFFF  }
0xc1: {  	[dreg:$0x0] =	wrdreg $0xFFFFFFFF;
	(pc) =	sbr.abs _section_cstart, $3  }
0xc2: {  	[dreg:$0x1] =	wrdreg $0xFFFFFFFF  }
0xc3: {  	_ =	task.clear_ibuf [dreg:s8], $0x2FFFF;
	_ =	strace $0x9FFFFFFF  }
0xc4: {  	(tm) =	ssettm $0x7FFFFFFF  }
0xc5: {  	_ =	shalt  }
tec
execute0_lowered:
.L_overlay_start_1:
0x0: {  	(tag) =	ssettag $0x1  }
0x1: {  	s0 =	srdreg.scid;
	s23 =	stileid.u32  }
0x2: {  	s1 =	sand.u32 $0x1, s0;
	s13 =	sshll.u32 s23, $0x1  }
0x3: {  	s0 =	sor.u32 s1, s13  }
0x4: {  	s26 =	rddreg [dreg:$0x0];
	s5 =	smul.u32 $0x30, s0  }
0x5: {  	s3 =	rddreg [dreg:$0x1];
	s6 =	smul.u32 $0xF0, s0  }
0x6: {  	s4 =	rddreg [dreg:$0x2];
	s2 =	simm.s32 $0x0;
	s10 =	smul.u32 $0xC000, s0  }
0x7: {  	[smem:$0x7FF] =	sst s2;
	s7 =	sadd.s32 $0x4E00, s4;
	s14 =	smul.u32 $0x1800, s0  }
0x8: {  	s8 =	sadd.s32 $0x34E00, s4;
	_ =	strace $0x80000047;
	s21 =	smul.u32 $0x3C000, s0  }
0x9: {  	s0 =	smul.u32 $0x7800, s0;
	s5 =	sadd.s32 s5, s4;
	s17 =	sadd.s32 s7, s14  }
0xa: {  	s6 =	sadd.s32 s6, s4;
	s20 =	sadd.s32 s8, s14;
	[dreg:$0x7] =	wrdreg s17  }
0xb: {  	s16 =	sshrl.u32 s10, $0x3;
	s9 =	sadd.s32 $0x4200, s5;
	[dreg:$0xa] =	wrdreg s20  }
0xc: {  	s4 =	sadd.s32 $0x64E00, s4;
	s5 =	sadd.s32 $0x4800, s5;
	[dreg:$0x4] =	wrdreg s9  }
0xd: {  	s25 =	sshrl.u32 s21, $0x3;
	s15 =	sadd.s32 $0x2400, s6;
	[dreg:$0x5] =	wrdreg s5  }
0xe: {  	s10 =	sadd.s32 $0x800, s16;
	s0 =	sadd.s32 s4, s0;
	[dreg:$0x6] =	wrdreg s15  }
0xf: {  	s4 =	sadd.s32 s4, s25;
	s25 =	simm.s32 $0x280;
	[dreg:$0xd] =	wrdreg s0  }
0x10: {  	s6 =	sadd.s32 $0x1000, s16;
	s18 =	sadd.s32 s7, s10;
	[dreg:$0x1e] =	wrdreg s25  }
0x11: {  	s19 =	sadd.s32 s7, s6;
	[dreg:$0x8] =	wrdreg s18  }
0x12: {  	s22 =	sadd.s32 s8, s10;
	[dreg:$0x9] =	wrdreg s19  }
0x13: {  	s24 =	sadd.s32 s8, s6;
	[dreg:$0xb] =	wrdreg s22  }
0x14: {  	s7 =	sadd.s32 $0x800, s4;
	[dreg:$0xc] =	wrdreg s24  }
0x15: {  	s8 =	sadd.s32 $0x1000, s4;
	[dreg:$0xe] =	wrdreg s7  }
0x16: {  	s31 =	simm.s32 $0x180;
	s9 =	sadd.s32 $0x1800, s4;
	[dreg:$0xf] =	wrdreg s8  }
0x17: {  	s30 =	simm.s32 $0x300;
	s10 =	sadd.s32 $0x2000, s4;
	[dreg:$0x10] =	wrdreg s9  }
0x18: {  	p0 =	por $0x0, $0x0;
	s11 =	sadd.s32 $0x2800, s4;
	[dreg:$0x11] =	wrdreg s10  }
0x19: {  	s29 =	simm.s32 $0x880;
	s12 =	sadd.s32 $0x3000, s4;
	[dreg:$0x12] =	wrdreg s11  }
0x1a: {  	s28 =	simm.s32 $0x900;
	s13 =	sadd.s32 $0x3800, s4;
	[dreg:$0x13] =	wrdreg s12  }
0x1b: {  	s1 =	ssub.s32 $0x2, s1;
	s14 =	sadd.s32 $0x4000, s4;
	[dreg:$0x14] =	wrdreg s13  }
0x1c: {  	s15 =	sadd.s32 $0x4800, s4;
	s16 =	sadd.s32 $0x5000, s4;
	[dreg:$0x15] =	wrdreg s14  }
0x1d: {  	s17 =	sadd.s32 $0x5800, s4;
	s20 =	sadd.s32 $0x6800, s4;
	[dreg:$0x16] =	wrdreg s15  }
0x1e: {  	s21 =	sadd.s32 $0x7000, s4;
	s6 =	simm.s32 $0x7;
	[dreg:$0x17] =	wrdreg s16  }
0x1f: {  	s5 =	simm.s32 $0x8;
	s25 =	simm.s32 $0x780;
	[dreg:$0x18] =	wrdreg s17  }
0x20: {  	s18 =	sadd.s32 $0x6000, s4;
	s19 =	sshrl.u32 s1, $0x1;
	[dreg:$0x1a] =	wrdreg s20  }
0x21: {  	[dreg:$0x1b] =	wrdreg s21;
	s4 =	simm.s32 $0x9;
	s16 =	simm.s32 $0x80  }
0x22: {  	s9 =	simm.s32 $0xA80;
	s8 =	simm.s32 $0x4A80;
	s22 =	simm.s32 $0x100  }
0x23: {  	s7 =	simm.s32 $0x8A80;
	s24 =	simm.s32 $0x200;
	s17 =	simm.s32 $0x10A80  }
0x24: {  	s10 =	simm.s32 $0x380;
	s14 =	simm.s32 $0x14A80;
	[smem:$0x7FD] =	sst s25  }
0x25: {  	s11 =	simm.s32 $0x400;
	s13 =	simm.s32 $0x1;
	[dreg:$0x19] =	wrdreg s18  }
0x26: {  	s12 =	simm.s32 $0x480;
	s15 =	simm.s32 $0x500;
	[dreg:$0x1c] =	wrdreg s22  }
0x27: {  	s20 =	simm.s32 $0x4;
	s21 =	simm.s32 $0x600;
	[dreg:$0x1d] =	wrdreg s24  }
0x28: {  	s25 =	simm.s32 $0x980;
	s1 =	ssub.s32 s1, s19;
	[dreg:$0x1f] =	wrdreg s10  }
0x29: {  	s18 =	simm.s32 $0xCA80;
	[smem:$0x7F6] =	sst s11;
	s11 =	simm.s32 $0x2  }
0x2a: {  	[smem:$0x7F7] =	sst s12;
	s10 =	simm.s32 $0x3;
	s0 =	smax.u32 s1, $0x1  }
0x2b: {  	[smem:$0x7F8] =	sst s15;
	s19 =	simm.s32 $0x580;
	p1 =	sne.s32 s0, $0x1  }
.Ltmp0:
0x2c: {  	s12 =	simm.s32 $0xA;
	[smem:$0x7FA] =	sst s21;
	(pc) =	sbr.rel @!p1 .LBB2_1-.Ltmp0, $4  }
0x2d: {  	s22 =	simm.s32 $0x680;
	s21 =	simm.s32 $0x5;
	[smem:$0x7F9] =	sst s19  }
0x2e: {  	s24 =	simm.s32 $0x700;
	s15 =	simm.s32 $0xB;
	[smem:$0x7FB] =	sst s22  }
0x2f: {  	[smem:$0x7FC] =	sst s24;
	s22 =	simm.s32 $0x6;
	s19 =	simm.s32 $0xC  }
0x30: {  	s24 =	simm.s32 $0xA00;
	s1 =	sadd.s32 $0xFFFFFFFF, s0;
	s0 =	rddreg [dreg:$0x4]  }
0x31: {  	[tilespmem:s2], [sflag:$0x7] =	stream.linear.gather [hbm4b:s0+s2], $0x180, $0x38;
	[tilespmem:$0x18A80] =	vst v63  }
0x32: {  	s23 =	smov.u32 s1;
	s1 =	rddreg [dreg:$0x5]  }
0x33: {  	[tilespmem:s31], [sflag:$0x8] =	stream.linear.gather [hbm4b:s1+s2], $0x180, $0x38;
	[tilespmem:$0x18A80] =	vst v63  }
0x34: {  	s0 =	rddreg [dreg:$0x6]  }
0x35: {  	[tilespmem:s30], [sflag:$0x9] =	stream.linear.gather [hbm4b:s0+s2], $0x780, $0x38;
	[tilespmem:$0x18A80] =	vst v63  }
0x36: {  	_ =	swait.ge [sflag:s6], $0x180  }
0x37: {  	[sflag:s6] =	ssyncset.done $0x0  }
0x38: {  	[sflag:s6] =	ssyncadd.s32 $0xFFFFFE80  }
0x39: {  	_ =	swait.ge [sflag:s5], $0x180  }
0x3a: {  	[sflag:s5] =	ssyncset.done $0x0  }
0x3b: {  	[sflag:s5] =	ssyncadd.s32 $0xFFFFFE80  }
0x3c: {  	_ =	swait.ge [sflag:s4], $0x780  }
0x3d: {  	[sflag:s4] =	ssyncset.done $0x0  }
0x3e: {  	[sflag:s4] =	ssyncadd.s32 $0xFFFFF880  }
0x3f: {  	[tilespmem:s9], [sflag:$0x1] =	stream.indirect.gather [hbm4b:s26+s16], $0x80, s2, s16, $0xb8;
	[tilespmem:$0x18A80] =	vst v63  }
0x40: {  	_ = 	snop  }
0x41: {  	[tilespmem:s8], [sflag:$0x2] =	stream.indirect.gather [hbm4b:s26+s16], $0x80, s16, s16, $0xb8;
	[tilespmem:$0x18A80] =	vst v63  }
0x42: {  	s1 =	rddreg [dreg:$0x1c]  }
0x43: {  	[tilespmem:s7], [sflag:$0x3] =	stream.indirect.gather [hbm4b:s26+s16], $0x80, s1, s16, $0xb8;
	[tilespmem:$0x18A80] =	vst v63  }
0x44: {  	_ = 	snop  }
0x45: {  	[tilespmem:s18], [sflag:$0x4] =	stream.indirect.gather [hbm4b:s3+s16], $0x80, s31, s16, $0xb8;
	[tilespmem:$0x18A80] =	vst v63  }
0x46: {  	s0 =	rddreg [dreg:$0x1d]  }
0x47: {  	[tilespmem:s17], [sflag:$0x5] =	stream.indirect.gather [hbm4b:s3+s16], $0x80, s0, s16, $0xb8;
	[tilespmem:$0x18A80] =	vst v63  }
0x48: {  	s1 =	rddreg [dreg:$0x1e]  }
0x49: {  	[tilespmem:s14], [sflag:$0x6] =	stream.indirect.gather [hbm4b:s3+s16], $0x80, s1, s16, $0xb8;
	[tilespmem:$0x18A80] =	vst v63  }
0x4a: {  	_ =	swait.ge [sflag:s13], $0x4000  }
0x4b: {  	[sflag:s13] =	ssyncset.done $0x0  }
0x4c: {  	s1 =	rddreg [dreg:$0x7];
	[sflag:s13] =	ssyncadd.s32 $0xFFFFC000  }
0x4d: {  	[hbm4b:s1+s2] =	stream.linear.scatter [tilespmem:s9], [sflag:$0x7], $0x4000, $0x38;
	[tilespmem:$0x18A80] =	vst v63  }
0x4e: {  	_ =	swait.ge [sflag:s6], $0x4000  }
0x4f: {  	[sflag:s6] =	ssyncset.done $0x0  }
0x50: {  	[sflag:s6] =	ssyncadd.s32 $0xFFFFC000  }
0x51: {  	[tilespmem:s9], [sflag:$0x1] =	stream.indirect.gather [hbm4b:s3+s16], $0x80, s30, s16, $0xb8;
	[tilespmem:$0x18A80] =	vst v63  }
0x52: {  	_ =	swait.ge [sflag:s11], $0x4000  }
0x53: {  	[sflag:s11] =	ssyncset.done $0x0  }
0x54: {  	s1 =	rddreg [dreg:$0x8];
	[sflag:s11] =	ssyncadd.s32 $0xFFFFC000  }
0x55: {  	[hbm4b:s1+s2] =	stream.linear.scatter [tilespmem:s8], [sflag:$0x8], $0x4000, $0x38;
	[tilespmem:$0x18A80] =	vst v63  }
0x56: {  	_ =	swait.ge [sflag:s5], $0x4000  }
0x57: {  	[sflag:s5] =	ssyncset.done $0x0  }
0x58: {  	s1 =	rddreg [dreg:$0x1f];
	[sflag:s5] =	ssyncadd.s32 $0xFFFFC000  }
0x59: {  	[tilespmem:s8], [sflag:$0x2] =	stream.indirect.gather [hbm4b:s3+s16], $0x80, s1, s16, $0xb8;
	[tilespmem:$0x18A80] =	vst v63  }
0x5a: {  	_ =	swait.ge [sflag:s10], $0x4000  }
0x5b: {  	[sflag:s10] =	ssyncset.done $0x0  }
0x5c: {  	s1 =	rddreg [dreg:$0x9];
	[sflag:s10] =	ssyncadd.s32 $0xFFFFC000  }
0x5d: {  	[hbm4b:s1+s2] =	stream.linear.scatter [tilespmem:s7], [sflag:$0x9], $0x4000, $0x38;
	[tilespmem:$0x18A80] =	vst v63  }
0x5e: {  	_ =	swait.ge [sflag:s4], $0x4000  }
0x5f: {  	s1 =	sld [smem:$0x7F6]  }
0x60: {  	[sflag:s4] =	ssyncset.done $0x0  }
0x61: {  	[sflag:s4] =	ssyncadd.s32 $0xFFFFC000  }
0x62: {  	[tilespmem:s7], [sflag:$0x3] =	stream.indirect.gather [hbm4b:s3+s16], $0x80, s1, s16, $0xb8;
	[tilespmem:$0x18A80] =	vst v63  }
0x63: {  	_ =	swait.ge [sflag:s20], $0x4000  }
0x64: {  	[sflag:s20] =	ssyncset.done $0x0  }
0x65: {  	s1 =	rddreg [dreg:$0xa];
	[sflag:s20] =	ssyncadd.s32 $0xFFFFC000  }
0x66: {  	[hbm4b:s1+s2] =	stream.linear.scatter [tilespmem:s18], [sflag:$0xA], $0x4000, $0x38;
	[tilespmem:$0x18A80] =	vst v63  }
0x67: {  	_ =	swait.ge [sflag:s12], $0x4000  }
0x68: {  	s1 =	sld [smem:$0x7F7]  }
0x69: {  	[sflag:s12] =	ssyncset.done $0x0  }
0x6a: {  	[sflag:s12] =	ssyncadd.s32 $0xFFFFC000  }
0x6b: {  	[tilespmem:s18], [sflag:$0x4] =	stream.indirect.gather [hbm4b:s3+s16], $0x80, s1, s16, $0xb8;
	[tilespmem:$0x18A80] =	vst v63  }
0x6c: {  	_ =	swait.ge [sflag:s21], $0x4000  }
0x6d: {  	[sflag:s21] =	ssyncset.done $0x0  }
0x6e: {  	s1 =	rddreg [dreg:$0xb];
	[sflag:s21] =	ssyncadd.s32 $0xFFFFC000  }
0x6f: {  	[hbm4b:s1+s2] =	stream.linear.scatter [tilespmem:s17], [sflag:$0xB], $0x4000, $0x38;
	[tilespmem:$0x18A80] =	vst v63  }
0x70: {  	_ =	swait.ge [sflag:s15], $0x4000  }
0x71: {  	s1 =	sld [smem:$0x7F8]  }
0x72: {  	[sflag:s15] =	ssyncset.done $0x0  }
0x73: {  	[sflag:s15] =	ssyncadd.s32 $0xFFFFC000  }
0x74: {  	[tilespmem:s17], [sflag:$0x5] =	stream.indirect.gather [hbm4b:s3+s16], $0x80, s1, s16, $0xb8;
	[tilespmem:$0x18A80] =	vst v63  }
0x75: {  	_ =	swait.ge [sflag:s22], $0x4000  }
0x76: {  	[sflag:s22] =	ssyncset.done $0x0  }
0x77: {  	s1 =	rddreg [dreg:$0xc];
	[sflag:s22] =	ssyncadd.s32 $0xFFFFC000  }
0x78: {  	[hbm4b:s1+s2] =	stream.linear.scatter [tilespmem:s14], [sflag:$0xC], $0x4000, $0x38;
	[tilespmem:$0x18A80] =	vst v63  }
0x79: {  	_ =	swait.ge [sflag:s19], $0x4000  }
0x7a: {  	s1 =	sld [smem:$0x7F9]  }
0x7b: {  	[sflag:s19] =	ssyncset.done $0x0  }
0x7c: {  	[sflag:s19] =	ssyncadd.s32 $0xFFFFC000  }
0x7d: {  	[tilespmem:s14], [sflag:$0x6] =	stream.indirect.gather [hbm4b:s3+s16], $0x80, s1, s16, $0xb8;
	[tilespmem:$0x18A80] =	vst v63  }
0x7e: {  	_ =	swait.ge [sflag:s13], $0x4000  }
0x7f: {  	[sflag:s13] =	ssyncset.done $0x0  }
0x80: {  	s1 =	rddreg [dreg:$0xd];
	[sflag:s13] =	ssyncadd.s32 $0xFFFFC000  }
0x81: {  	[hbm4b:s1+s2] =	stream.linear.scatter [tilespmem:s9], [sflag:$0x7], $0x4000, $0x38;
	[tilespmem:$0x18A80] =	vst v63  }
0x82: {  	_ =	swait.ge [sflag:s6], $0x4000  }
0x83: {  	s1 =	sld [smem:$0x7FA]  }
0x84: {  	[sflag:s6] =	ssyncset.done $0x0  }
0x85: {  	[sflag:s6] =	ssyncadd.s32 $0xFFFFC000  }
0x86: {  	[tilespmem:s9], [sflag:$0x1] =	stream.indirect.gather [hbm4b:s3+s16], $0x80, s1, s16, $0xb8;
	[tilespmem:$0x18A80] =	vst v63  }
0x87: {  	_ =	swait.ge [sflag:s11], $0x4000  }
0x88: {  	[sflag:s11] =	ssyncset.done $0x0  }
0x89: {  	s1 =	rddreg [dreg:$0xe];
	[sflag:s11] =	ssyncadd.s32 $0xFFFFC000  }
0x8a: {  	[hbm4b:s1+s2] =	stream.linear.scatter [tilespmem:s8], [sflag:$0x8], $0x4000, $0x38;
	[tilespmem:$0x18A80] =	vst v63  }
0x8b: {  	_ =	swait.ge [sflag:s5], $0x4000  }
0x8c: {  	s1 =	sld [smem:$0x7FB]  }
0x8d: {  	[sflag:s5] =	ssyncset.done $0x0  }
0x8e: {  	[sflag:s5] =	ssyncadd.s32 $0xFFFFC000  }
0x8f: {  	[tilespmem:s8], [sflag:$0x2] =	stream.indirect.gather [hbm4b:s3+s16], $0x80, s1, s16, $0xb8;
	[tilespmem:$0x18A80] =	vst v63  }
0x90: {  	_ =	swait.ge [sflag:s10], $0x4000  }
0x91: {  	[sflag:s10] =	ssyncset.done $0x0  }
0x92: {  	s1 =	rddreg [dreg:$0xf];
	[sflag:s10] =	ssyncadd.s32 $0xFFFFC000  }
0x93: {  	[hbm4b:s1+s2] =	stream.linear.scatter [tilespmem:s7], [sflag:$0x9], $0x4000, $0x38;
	[tilespmem:$0x18A80] =	vst v63  }
0x94: {  	_ =	swait.ge [sflag:s4], $0x4000  }
0x95: {  	s1 =	sld [smem:$0x7FC]  }
0x96: {  	[sflag:s4] =	ssyncset.done $0x0  }
0x97: {  	[sflag:s4] =	ssyncadd.s32 $0xFFFFC000  }
0x98: {  	[tilespmem:s7], [sflag:$0x3] =	stream.indirect.gather [hbm4b:s3+s16], $0x80, s1, s16, $0xb8;
	[tilespmem:$0x18A80] =	vst v63  }
0x99: {  	_ =	swait.ge [sflag:s20], $0x4000  }
0x9a: {  	[sflag:s20] =	ssyncset.done $0x0  }
0x9b: {  	s1 =	rddreg [dreg:$0x10];
	[sflag:s20] =	ssyncadd.s32 $0xFFFFC000  }
0x9c: {  	[hbm4b:s1+s2] =	stream.linear.scatter [tilespmem:s18], [sflag:$0xA], $0x4000, $0x38;
	[tilespmem:$0x18A80] =	vst v63  }
0x9d: {  	_ =	swait.ge [sflag:s12], $0x4000  }
0x9e: {  	s1 =	sld [smem:$0x7FD]  }
0x9f: {  	[sflag:s12] =	ssyncset.done $0x0  }
0xa0: {  	[sflag:s12] =	ssyncadd.s32 $0xFFFFC000  }
0xa1: {  	[tilespmem:s18], [sflag:$0x4] =	stream.indirect.gather [hbm4b:s3+s16], $0x80, s1, s16, $0xb8;
	[tilespmem:$0x18A80] =	vst v63  }
0xa2: {  	_ =	swait.ge [sflag:s21], $0x4000  }
0xa3: {  	[sflag:s21] =	ssyncset.done $0x0  }
0xa4: {  	s1 =	rddreg [dreg:$0x11];
	[sflag:s21] =	ssyncadd.s32 $0xFFFFC000  }
0xa5: {  	[hbm4b:s1+s2] =	stream.linear.scatter [tilespmem:s17], [sflag:$0xB], $0x4000, $0x38;
	[tilespmem:$0x18A80] =	vst v63  }
0xa6: {  	_ =	swait.ge [sflag:s15], $0x4000  }
0xa7: {  	[sflag:s15] =	ssyncset.done $0x0  }
0xa8: {  	s1 =	simm.s32 $0x800;
	[sflag:s15] =	ssyncadd.s32 $0xFFFFC000  }
0xa9: {  	[tilespmem:s17], [sflag:$0x5] =	stream.indirect.gather [hbm4b:s3+s16], $0x80, s1, s16, $0xb8;
	[tilespmem:$0x18A80] =	vst v63  }
0xaa: {  	_ =	swait.ge [sflag:s22], $0x4000  }
0xab: {  	[sflag:s22] =	ssyncset.done $0x0  }
0xac: {  	s1 =	rddreg [dreg:$0x12];
	[sflag:s22] =	ssyncadd.s32 $0xFFFFC000  }
0xad: {  	[hbm4b:s1+s2] =	stream.linear.scatter [tilespmem:s14], [sflag:$0xC], $0x4000, $0x38;
	[tilespmem:$0x18A80] =	vst v63  }
0xae: {  	_ =	swait.ge [sflag:s19], $0x4000  }
0xaf: {  	[sflag:s19] =	ssyncset.done $0x0  }
0xb0: {  	[sflag:s19] =	ssyncadd.s32 $0xFFFFC000  }
0xb1: {  	[tilespmem:s14], [sflag:$0x6] =	stream.indirect.gather [hbm4b:s3+s16], $0x80, s29, s16, $0xb8;
	[tilespmem:$0x18A80] =	vst v63  }
0xb2: {  	_ =	swait.ge [sflag:s13], $0x4000  }
0xb3: {  	[sflag:s13] =	ssyncset.done $0x0  }
0xb4: {  	s1 =	rddreg [dreg:$0x13];
	[sflag:s13] =	ssyncadd.s32 $0xFFFFC000  }
0xb5: {  	[hbm4b:s1+s2] =	stream.linear.scatter [tilespmem:s9], [sflag:$0x7], $0x4000, $0x38;
	[tilespmem:$0x18A80] =	vst v63  }
0xb6: {  	_ =	swait.ge [sflag:s6], $0x4000  }
0xb7: {  	[sflag:s6] =	ssyncset.done $0x0  }
0xb8: {  	[sflag:s6] =	ssyncadd.s32 $0xFFFFC000  }
0xb9: {  	[tilespmem:s9], [sflag:$0x1] =	stream.indirect.gather [hbm4b:s3+s16], $0x80, s28, s16, $0xb8;
	[tilespmem:$0x18A80] =	vst v63  }
0xba: {  	_ =	swait.ge [sflag:s11], $0x4000  }
0xbb: {  	[sflag:s11] =	ssyncset.done $0x0  }
0xbc: {  	s1 =	rddreg [dreg:$0x14];
	[sflag:s11] =	ssyncadd.s32 $0xFFFFC000  }
0xbd: {  	[hbm4b:s1+s2] =	stream.linear.scatter [tilespmem:s8], [sflag:$0x8], $0x4000, $0x38;
	[tilespmem:$0x18A80] =	vst v63  }
0xbe: {  	_ =	swait.ge [sflag:s5], $0x4000  }
0xbf: {  	[sflag:s5] =	ssyncset.done $0x0  }
0xc0: {  	[sflag:s5] =	ssyncadd.s32 $0xFFFFC000  }
0xc1: {  	[tilespmem:s8], [sflag:$0x2] =	stream.indirect.gather [hbm4b:s3+s16], $0x80, s25, s16, $0xb8;
	[tilespmem:$0x18A80] =	vst v63  }
0xc2: {  	_ =	swait.ge [sflag:s10], $0x4000  }
0xc3: {  	[sflag:s10] =	ssyncset.done $0x0  }
0xc4: {  	s1 =	rddreg [dreg:$0x15];
	[sflag:s10] =	ssyncadd.s32 $0xFFFFC000  }
0xc5: {  	[hbm4b:s1+s2] =	stream.linear.scatter [tilespmem:s7], [sflag:$0x9], $0x4000, $0x38;
	[tilespmem:$0x18A80] =	vst v63  }
0xc6: {  	_ =	swait.ge [sflag:s4], $0x4000  }
0xc7: {  	[sflag:s4] =	ssyncset.done $0x0  }
0xc8: {  	[sflag:s4] =	ssyncadd.s32 $0xFFFFC000  }
0xc9: {  	[tilespmem:s7], [sflag:$0x3] =	stream.indirect.gather [hbm4b:s3+s16], $0x80, s24, s16, $0xb8;
	[tilespmem:$0x18A80] =	vst v63  }
0xca: {  	_ =	swait.ge [sflag:s20], $0x4000  }
0xcb: {  	[sflag:s20] =	ssyncset.done $0x0  }
0xcc: {  	s1 =	rddreg [dreg:$0x16];
	[sflag:s20] =	ssyncadd.s32 $0xFFFFC000  }
0xcd: {  	[hbm4b:s1+s2] =	stream.linear.scatter [tilespmem:s18], [sflag:$0xA], $0x4000, $0x38;
	[tilespmem:$0x18A80] =	vst v63  }
0xce: {  	_ =	swait.ge [sflag:s21], $0x4000  }
0xcf: {  	[sflag:s21] =	ssyncset.done $0x0  }
0xd0: {  	s1 =	rddreg [dreg:$0x17];
	[sflag:s21] =	ssyncadd.s32 $0xFFFFC000  }
0xd1: {  	[hbm4b:s1+s2] =	stream.linear.scatter [tilespmem:s17], [sflag:$0xB], $0x4000, $0x38;
	[tilespmem:$0x18A80] =	vst v63  }
0xd2: {  	_ =	swait.ge [sflag:s22], $0x4000  }
0xd3: {  	[sflag:s22] =	ssyncset.done $0x0  }
0xd4: {  	s1 =	rddreg [dreg:$0x18];
	[sflag:s22] =	ssyncadd.s32 $0xFFFFC000  }
0xd5: {  	[hbm4b:s1+s2] =	stream.linear.scatter [tilespmem:s14], [sflag:$0xC], $0x4000, $0x38;
	[tilespmem:$0x18A80] =	vst v63  }
0xd6: {  	_ =	swait.ge [sflag:s13], $0x4000  }
0xd7: {  	[sflag:s13] =	ssyncset.done $0x0  }
0xd8: {  	s1 =	rddreg [dreg:$0x19];
	[sflag:s13] =	ssyncadd.s32 $0xFFFFC000  }
0xd9: {  	[hbm4b:s1+s2] =	stream.linear.scatter [tilespmem:s9], [sflag:$0x7], $0x4000, $0x38;
	[tilespmem:$0x18A80] =	vst v63  }
0xda: {  	_ =	swait.ge [sflag:s11], $0x4000  }
0xdb: {  	[sflag:s11] =	ssyncset.done $0x0  }
0xdc: {  	s1 =	rddreg [dreg:$0x1a];
	[sflag:s11] =	ssyncadd.s32 $0xFFFFC000  }
0xdd: {  	[hbm4b:s1+s2] =	stream.linear.scatter [tilespmem:s8], [sflag:$0x8], $0x4000, $0x38;
	[tilespmem:$0x18A80] =	vst v63  }
0xde: {  	_ =	swait.ge [sflag:s10], $0x4000  }
0xdf: {  	[sflag:s10] =	ssyncset.done $0x0  }
0xe0: {  	s1 =	rddreg [dreg:$0x1b];
	[sflag:s10] =	ssyncadd.s32 $0xFFFFC000  }
0xe1: {  	[hbm4b:s1+s2] =	stream.linear.scatter [tilespmem:s7], [sflag:$0x9], $0x4000, $0x38;
	[tilespmem:$0x18A80] =	vst v63  }
0xe2: {  	_ =	swait.ge [sflag:s12], $0x4000  }
0xe3: {  	[sflag:s12] =	ssyncset.done $0x0  }
0xe4: {  	[sflag:s12] =	ssyncadd.s32 $0xFFFFC000  }
0xe5: {  	_ =	swait.ge [sflag:s15], $0x4000  }
0xe6: {  	[sflag:s15] =	ssyncset.done $0x0  }
0xe7: {  	[sflag:s15] =	ssyncadd.s32 $0xFFFFC000  }
0xe8: {  	_ =	swait.ge [sflag:s19], $0x4000  }
0xe9: {  	[sflag:s19] =	ssyncset.done $0x0  }
0xea: {  	[sflag:s19] =	ssyncadd.s32 $0xFFFFC000  }
0xeb: {  	_ =	swait.ge [sflag:s6], $0x4000  }
0xec: {  	[sflag:s6] =	ssyncset.done $0x0  }
0xed: {  	p1 =	sne.s32 s23, $0x1;
	[sflag:s6] =	ssyncadd.s32 $0xFFFFC000  }
.Ltmp1:
0xee: {  	_ =	swait.ge [sflag:s5], $0x4000;
	(pc) =	sbr.rel @!p1 .LBB2_3-.Ltmp1, $4  }
0xef: {  	[sflag:s5] =	ssyncset.done $0x0  }
0xf0: {  	[sflag:s5] =	ssyncadd.s32 $0xFFFFC000  }
0xf1: {  	p0 =	por $0x1, $0x1;
	_ =	swait.ge [sflag:s4], $0x4000  }
0xf2: {  	s1 =	sadd.s32 $0xFFFFFFFF, s23;
	s0 =	rddreg [dreg:$0x4];
	[sflag:s4] =	ssyncset.done $0x0  }
.LBB2_4:
0xf3: {  	[sflag:s4] =	ssyncadd.s32 $0xFFFFC000  }
0xf4: {  	[tilespmem:s2], [sflag:$0x7] =	stream.linear.gather [hbm4b:s0+s2], $0x180, $0x38;
	[tilespmem:$0x18A80] =	vst v63  }
0xf5: {  	s23 =	rddreg [dreg:$0x5]  }
0xf6: {  	[tilespmem:s31], [sflag:$0x8] =	stream.linear.gather [hbm4b:s23+s2], $0x180, $0x38;
	[tilespmem:$0x18A80] =	vst v63  }
0xf7: {  	s0 =	rddreg [dreg:$0x6]  }
0xf8: {  	[tilespmem:s30], [sflag:$0x9] =	stream.linear.gather [hbm4b:s0+s2], $0x780, $0x38;
	[tilespmem:$0x18A80] =	vst v63  }
0xf9: {  	_ =	swait.ge [sflag:s6], $0x180  }
0xfa: {  	[sflag:s6] =	ssyncset.done $0x0  }
0xfb: {  	[sflag:s6] =	ssyncadd.s32 $0xFFFFFE80  }
0xfc: {  	_ =	swait.ge [sflag:s5], $0x180  }
0xfd: {  	[sflag:s5] =	ssyncset.done $0x0  }
0xfe: {  	[sflag:s5] =	ssyncadd.s32 $0xFFFFFE80  }
0xff: {  	_ =	swait.ge [sflag:s4], $0x780  }
0x100: {  	[sflag:s4] =	ssyncset.done $0x0  }
0x101: {  	[sflag:s4] =	ssyncadd.s32 $0xFFFFF880  }
0x102: {  	[tilespmem:s9], [sflag:$0x1] =	stream.indirect.gather [hbm4b:s26+s16], $0x80, s2, s16, $0xb8;
	[tilespmem:$0x18A80] =	vst v63  }
0x103: {  	_ = 	snop  }
0x104: {  	[tilespmem:s8], [sflag:$0x2] =	stream.indirect.gather [hbm4b:s26+s16], $0x80, s16, s16, $0xb8;
	[tilespmem:$0x18A80] =	vst v63  }
0x105: {  	s23 =	rddreg [dreg:$0x1c]  }
0x106: {  	[tilespmem:s7], [sflag:$0x3] =	stream.indirect.gather [hbm4b:s26+s16], $0x80, s23, s16, $0xb8;
	[tilespmem:$0x18A80] =	vst v63  }
0x107: {  	_ = 	snop  }
0x108: {  	[tilespmem:s18], [sflag:$0x4] =	stream.indirect.gather [hbm4b:s3+s16], $0x80, s31, s16, $0xb8;
	[tilespmem:$0x18A80] =	vst v63  }
0x109: {  	s0 =	rddreg [dreg:$0x1d]  }
0x10a: {  	[tilespmem:s17], [sflag:$0x5] =	stream.indirect.gather [hbm4b:s3+s16], $0x80, s0, s16, $0xb8;
	[tilespmem:$0x18A80] =	vst v63  }
0x10b: {  	s23 =	rddreg [dreg:$0x1e]  }
0x10c: {  	[tilespmem:s14], [sflag:$0x6] =	stream.indirect.gather [hbm4b:s3+s16], $0x80, s23, s16, $0xb8;
	[tilespmem:$0x18A80] =	vst v63  }
0x10d: {  	_ =	swait.ge [sflag:s13], $0x4000  }
0x10e: {  	[sflag:s13] =	ssyncset.done $0x0  }
0x10f: {  	s23 =	rddreg [dreg:$0x7];
	[sflag:s13] =	ssyncadd.s32 $0xFFFFC000  }
0x110: {  	[hbm4b:s23+s2] =	stream.linear.scatter [tilespmem:s9], [sflag:$0x7], $0x4000, $0x38;
	[tilespmem:$0x18A80] =	vst v63  }
0x111: {  	_ =	swait.ge [sflag:s6], $0x4000  }
0x112: {  	[sflag:s6] =	ssyncset.done $0x0  }
0x113: {  	[sflag:s6] =	ssyncadd.s32 $0xFFFFC000  }
0x114: {  	[tilespmem:s9], [sflag:$0x1] =	stream.indirect.gather [hbm4b:s3+s16], $0x80, s30, s16, $0xb8;
	[tilespmem:$0x18A80] =	vst v63  }
0x115: {  	_ =	swait.ge [sflag:s11], $0x4000  }
0x116: {  	[sflag:s11] =	ssyncset.done $0x0  }
0x117: {  	s23 =	rddreg [dreg:$0x8];
	[sflag:s11] =	ssyncadd.s32 $0xFFFFC000  }
0x118: {  	[hbm4b:s23+s2] =	stream.linear.scatter [tilespmem:s8], [sflag:$0x8], $0x4000, $0x38;
	[tilespmem:$0x18A80] =	vst v63  }
0x119: {  	_ =	swait.ge [sflag:s5], $0x4000  }
0x11a: {  	[sflag:s5] =	ssyncset.done $0x0  }
0x11b: {  	s23 =	rddreg [dreg:$0x1f];
	[sflag:s5] =	ssyncadd.s32 $0xFFFFC000  }
0x11c: {  	[tilespmem:s8], [sflag:$0x2] =	stream.indirect.gather [hbm4b:s3+s16], $0x80, s23, s16, $0xb8;
	[tilespmem:$0x18A80] =	vst v63  }
0x11d: {  	_ =	swait.ge [sflag:s10], $0x4000  }
0x11e: {  	[sflag:s10] =	ssyncset.done $0x0  }
0x11f: {  	s23 =	rddreg [dreg:$0x9];
	[sflag:s10] =	ssyncadd.s32 $0xFFFFC000  }
0x120: {  	[hbm4b:s23+s2] =	stream.linear.scatter [tilespmem:s7], [sflag:$0x9], $0x4000, $0x38;
	[tilespmem:$0x18A80] =	vst v63  }
0x121: {  	_ =	swait.ge [sflag:s4], $0x4000  }
0x122: {  	s23 =	sld [smem:$0x7F6]  }
0x123: {  	[sflag:s4] =	ssyncset.done $0x0  }
0x124: {  	[sflag:s4] =	ssyncadd.s32 $0xFFFFC000  }
0x125: {  	[tilespmem:s7], [sflag:$0x3] =	stream.indirect.gather [hbm4b:s3+s16], $0x80, s23, s16, $0xb8;
	[tilespmem:$0x18A80] =	vst v63  }
0x126: {  	_ =	swait.ge [sflag:s20], $0x4000  }
0x127: {  	[sflag:s20] =	ssyncset.done $0x0  }
0x128: {  	s23 =	rddreg [dreg:$0xa];
	[sflag:s20] =	ssyncadd.s32 $0xFFFFC000  }
0x129: {  	[hbm4b:s23+s2] =	stream.linear.scatter [tilespmem:s18], [sflag:$0xA], $0x4000, $0x38;
	[tilespmem:$0x18A80] =	vst v63  }
0x12a: {  	_ =	swait.ge [sflag:s12], $0x4000  }
0x12b: {  	s23 =	sld [smem:$0x7F7]  }
0x12c: {  	[sflag:s12] =	ssyncset.done $0x0  }
0x12d: {  	[sflag:s12] =	ssyncadd.s32 $0xFFFFC000  }
0x12e: {  	[tilespmem:s18], [sflag:$0x4] =	stream.indirect.gather [hbm4b:s3+s16], $0x80, s23, s16, $0xb8;
	[tilespmem:$0x18A80] =	vst v63  }
0x12f: {  	_ =	swait.ge [sflag:s21], $0x4000  }
0x130: {  	[sflag:s21] =	ssyncset.done $0x0  }
0x131: {  	s23 =	rddreg [dreg:$0xb];
	[sflag:s21] =	ssyncadd.s32 $0xFFFFC000  }
0x132: {  	[hbm4b:s23+s2] =	stream.linear.scatter [tilespmem:s17], [sflag:$0xB], $0x4000, $0x38;
	[tilespmem:$0x18A80] =	vst v63  }
0x133: {  	_ =	swait.ge [sflag:s15], $0x4000  }
0x134: {  	s23 =	sld [smem:$0x7F8]  }
0x135: {  	[sflag:s15] =	ssyncset.done $0x0  }
0x136: {  	[sflag:s15] =	ssyncadd.s32 $0xFFFFC000  }
0x137: {  	[tilespmem:s17], [sflag:$0x5] =	stream.indirect.gather [hbm4b:s3+s16], $0x80, s23, s16, $0xb8;
	[tilespmem:$0x18A80] =	vst v63  }
0x138: {  	_ =	swait.ge [sflag:s22], $0x4000  }
0x139: {  	[sflag:s22] =	ssyncset.done $0x0  }
0x13a: {  	s23 =	rddreg [dreg:$0xc];
	[sflag:s22] =	ssyncadd.s32 $0xFFFFC000  }
0x13b: {  	[hbm4b:s23+s2] =	stream.linear.scatter [tilespmem:s14], [sflag:$0xC], $0x4000, $0x38;
	[tilespmem:$0x18A80] =	vst v63  }
0x13c: {  	_ =	swait.ge [sflag:s19], $0x4000  }
0x13d: {  	s23 =	sld [smem:$0x7F9]  }
0x13e: {  	[sflag:s19] =	ssyncset.done $0x0  }
0x13f: {  	[sflag:s19] =	ssyncadd.s32 $0xFFFFC000  }
0x140: {  	[tilespmem:s14], [sflag:$0x6] =	stream.indirect.gather [hbm4b:s3+s16], $0x80, s23, s16, $0xb8;
	[tilespmem:$0x18A80] =	vst v63  }
0x141: {  	_ =	swait.ge [sflag:s13], $0x4000  }
0x142: {  	[sflag:s13] =	ssyncset.done $0x0  }
0x143: {  	s23 =	rddreg [dreg:$0xd];
	[sflag:s13] =	ssyncadd.s32 $0xFFFFC000  }
0x144: {  	[hbm4b:s23+s2] =	stream.linear.scatter [tilespmem:s9], [sflag:$0x7], $0x4000, $0x38;
	[tilespmem:$0x18A80] =	vst v63  }
0x145: {  	_ =	swait.ge [sflag:s6], $0x4000  }
0x146: {  	s23 =	sld [smem:$0x7FA]  }
0x147: {  	[sflag:s6] =	ssyncset.done $0x0  }
0x148: {  	[sflag:s6] =	ssyncadd.s32 $0xFFFFC000  }
0x149: {  	[tilespmem:s9], [sflag:$0x1] =	stream.indirect.gather [hbm4b:s3+s16], $0x80, s23, s16, $0xb8;
	[tilespmem:$0x18A80] =	vst v63  }
0x14a: {  	_ =	swait.ge [sflag:s11], $0x4000  }
0x14b: {  	[sflag:s11] =	ssyncset.done $0x0  }
0x14c: {  	s23 =	rddreg [dreg:$0xe];
	[sflag:s11] =	ssyncadd.s32 $0xFFFFC000  }
0x14d: {  	[hbm4b:s23+s2] =	stream.linear.scatter [tilespmem:s8], [sflag:$0x8], $0x4000, $0x38;
	[tilespmem:$0x18A80] =	vst v63  }
0x14e: {  	_ =	swait.ge [sflag:s5], $0x4000  }
0x14f: {  	s23 =	sld [smem:$0x7FB]  }
0x150: {  	[sflag:s5] =	ssyncset.done $0x0  }
0x151: {  	[sflag:s5] =	ssyncadd.s32 $0xFFFFC000  }
0x152: {  	[tilespmem:s8], [sflag:$0x2] =	stream.indirect.gather [hbm4b:s3+s16], $0x80, s23, s16, $0xb8;
	[tilespmem:$0x18A80] =	vst v63  }
0x153: {  	_ =	swait.ge [sflag:s10], $0x4000  }
0x154: {  	[sflag:s10] =	ssyncset.done $0x0  }
0x155: {  	s23 =	rddreg [dreg:$0xf];
	[sflag:s10] =	ssyncadd.s32 $0xFFFFC000  }
0x156: {  	[hbm4b:s23+s2] =	stream.linear.scatter [tilespmem:s7], [sflag:$0x9], $0x4000, $0x38;
	[tilespmem:$0x18A80] =	vst v63  }
0x157: {  	_ =	swait.ge [sflag:s4], $0x4000  }
0x158: {  	s23 =	sld [smem:$0x7FC]  }
0x159: {  	[sflag:s4] =	ssyncset.done $0x0  }
0x15a: {  	[sflag:s4] =	ssyncadd.s32 $0xFFFFC000  }
0x15b: {  	[tilespmem:s7], [sflag:$0x3] =	stream.indirect.gather [hbm4b:s3+s16], $0x80, s23, s16, $0xb8;
	[tilespmem:$0x18A80] =	vst v63  }
0x15c: {  	_ =	swait.ge [sflag:s20], $0x4000  }
0x15d: {  	[sflag:s20] =	ssyncset.done $0x0  }
0x15e: {  	s23 =	rddreg [dreg:$0x10];
	[sflag:s20] =	ssyncadd.s32 $0xFFFFC000  }
0x15f: {  	[hbm4b:s23+s2] =	stream.linear.scatter [tilespmem:s18], [sflag:$0xA], $0x4000, $0x38;
	[tilespmem:$0x18A80] =	vst v63  }
0x160: {  	_ =	swait.ge [sflag:s12], $0x4000  }
0x161: {  	s23 =	sld [smem:$0x7FD]  }
0x162: {  	[sflag:s12] =	ssyncset.done $0x0  }
0x163: {  	[sflag:s12] =	ssyncadd.s32 $0xFFFFC000  }
0x164: {  	[tilespmem:s18], [sflag:$0x4] =	stream.indirect.gather [hbm4b:s3+s16], $0x80, s23, s16, $0xb8;
	[tilespmem:$0x18A80] =	vst v63  }
0x165: {  	_ =	swait.ge [sflag:s21], $0x4000  }
0x166: {  	[sflag:s21] =	ssyncset.done $0x0  }
0x167: {  	s23 =	rddreg [dreg:$0x11];
	[sflag:s21] =	ssyncadd.s32 $0xFFFFC000  }
0x168: {  	[hbm4b:s23+s2] =	stream.linear.scatter [tilespmem:s17], [sflag:$0xB], $0x4000, $0x38;
	[tilespmem:$0x18A80] =	vst v63  }
0x169: {  	_ =	swait.ge [sflag:s15], $0x4000  }
0x16a: {  	[sflag:s15] =	ssyncset.done $0x0  }
0x16b: {  	s23 =	simm.s32 $0x800;
	[sflag:s15] =	ssyncadd.s32 $0xFFFFC000  }
0x16c: {  	[tilespmem:s17], [sflag:$0x5] =	stream.indirect.gather [hbm4b:s3+s16], $0x80, s23, s16, $0xb8;
	[tilespmem:$0x18A80] =	vst v63  }
0x16d: {  	_ =	swait.ge [sflag:s22], $0x4000  }
0x16e: {  	[sflag:s22] =	ssyncset.done $0x0  }
0x16f: {  	s23 =	rddreg [dreg:$0x12];
	[sflag:s22] =	ssyncadd.s32 $0xFFFFC000  }
0x170: {  	[hbm4b:s23+s2] =	stream.linear.scatter [tilespmem:s14], [sflag:$0xC], $0x4000, $0x38;
	[tilespmem:$0x18A80] =	vst v63  }
0x171: {  	_ =	swait.ge [sflag:s19], $0x4000  }
0x172: {  	[sflag:s19] =	ssyncset.done $0x0  }
0x173: {  	[sflag:s19] =	ssyncadd.s32 $0xFFFFC000  }
0x174: {  	[tilespmem:s14], [sflag:$0x6] =	stream.indirect.gather [hbm4b:s3+s16], $0x80, s29, s16, $0xb8;
	[tilespmem:$0x18A80] =	vst v63  }
0x175: {  	_ =	swait.ge [sflag:s13], $0x4000  }
0x176: {  	[sflag:s13] =	ssyncset.done $0x0  }
0x177: {  	s23 =	rddreg [dreg:$0x13];
	[sflag:s13] =	ssyncadd.s32 $0xFFFFC000  }
0x178: {  	[hbm4b:s23+s2] =	stream.linear.scatter [tilespmem:s9], [sflag:$0x7], $0x4000, $0x38;
	[tilespmem:$0x18A80] =	vst v63  }
0x179: {  	_ =	swait.ge [sflag:s6], $0x4000  }
0x17a: {  	[sflag:s6] =	ssyncset.done $0x0  }
0x17b: {  	[sflag:s6] =	ssyncadd.s32 $0xFFFFC000  }
0x17c: {  	[tilespmem:s9], [sflag:$0x1] =	stream.indirect.gather [hbm4b:s3+s16], $0x80, s28, s16, $0xb8;
	[tilespmem:$0x18A80] =	vst v63  }
0x17d: {  	_ =	swait.ge [sflag:s11], $0x4000  }
0x17e: {  	[sflag:s11] =	ssyncset.done $0x0  }
0x17f: {  	s23 =	rddreg [dreg:$0x14];
	[sflag:s11] =	ssyncadd.s32 $0xFFFFC000  }
0x180: {  	[hbm4b:s23+s2] =	stream.linear.scatter [tilespmem:s8], [sflag:$0x8], $0x4000, $0x38;
	[tilespmem:$0x18A80] =	vst v63  }
0x181: {  	_ =	swait.ge [sflag:s5], $0x4000  }
0x182: {  	[sflag:s5] =	ssyncset.done $0x0  }
0x183: {  	[sflag:s5] =	ssyncadd.s32 $0xFFFFC000  }
0x184: {  	[tilespmem:s8], [sflag:$0x2] =	stream.indirect.gather [hbm4b:s3+s16], $0x80, s25, s16, $0xb8;
	[tilespmem:$0x18A80] =	vst v63  }
0x185: {  	_ =	swait.ge [sflag:s10], $0x4000  }
0x186: {  	[sflag:s10] =	ssyncset.done $0x0  }
0x187: {  	s23 =	rddreg [dreg:$0x15];
	[sflag:s10] =	ssyncadd.s32 $0xFFFFC000  }
0x188: {  	[hbm4b:s23+s2] =	stream.linear.scatter [tilespmem:s7], [sflag:$0x9], $0x4000, $0x38;
	[tilespmem:$0x18A80] =	vst v63  }
0x189: {  	_ =	swait.ge [sflag:s4], $0x4000  }
0x18a: {  	[sflag:s4] =	ssyncset.done $0x0  }
0x18b: {  	[sflag:s4] =	ssyncadd.s32 $0xFFFFC000  }
0x18c: {  	[tilespmem:s7], [sflag:$0x3] =	stream.indirect.gather [hbm4b:s3+s16], $0x80, s24, s16, $0xb8;
	[tilespmem:$0x18A80] =	vst v63  }
0x18d: {  	_ =	swait.ge [sflag:s20], $0x4000  }
0x18e: {  	[sflag:s20] =	ssyncset.done $0x0  }
0x18f: {  	s23 =	rddreg [dreg:$0x16];
	[sflag:s20] =	ssyncadd.s32 $0xFFFFC000  }
0x190: {  	[hbm4b:s23+s2] =	stream.linear.scatter [tilespmem:s18], [sflag:$0xA], $0x4000, $0x38;
	[tilespmem:$0x18A80] =	vst v63  }
0x191: {  	_ =	swait.ge [sflag:s21], $0x4000  }
0x192: {  	[sflag:s21] =	ssyncset.done $0x0  }
0x193: {  	s23 =	rddreg [dreg:$0x17];
	[sflag:s21] =	ssyncadd.s32 $0xFFFFC000  }
0x194: {  	[hbm4b:s23+s2] =	stream.linear.scatter [tilespmem:s17], [sflag:$0xB], $0x4000, $0x38;
	[tilespmem:$0x18A80] =	vst v63  }
0x195: {  	_ =	swait.ge [sflag:s22], $0x4000  }
0x196: {  	[sflag:s22] =	ssyncset.done $0x0  }
0x197: {  	s23 =	rddreg [dreg:$0x18];
	[sflag:s22] =	ssyncadd.s32 $0xFFFFC000  }
0x198: {  	[hbm4b:s23+s2] =	stream.linear.scatter [tilespmem:s14], [sflag:$0xC], $0x4000, $0x38;
	[tilespmem:$0x18A80] =	vst v63  }
0x199: {  	_ =	swait.ge [sflag:s13], $0x4000  }
0x19a: {  	[sflag:s13] =	ssyncset.done $0x0  }
0x19b: {  	s23 =	rddreg [dreg:$0x19];
	[sflag:s13] =	ssyncadd.s32 $0xFFFFC000  }
0x19c: {  	[hbm4b:s23+s2] =	stream.linear.scatter [tilespmem:s9], [sflag:$0x7], $0x4000, $0x38;
	[tilespmem:$0x18A80] =	vst v63  }
0x19d: {  	_ =	swait.ge [sflag:s11], $0x4000  }
0x19e: {  	[sflag:s11] =	ssyncset.done $0x0  }
0x19f: {  	s23 =	rddreg [dreg:$0x1a];
	[sflag:s11] =	ssyncadd.s32 $0xFFFFC000  }
0x1a0: {  	[hbm4b:s23+s2] =	stream.linear.scatter [tilespmem:s8], [sflag:$0x8], $0x4000, $0x38;
	[tilespmem:$0x18A80] =	vst v63  }
0x1a1: {  	_ =	swait.ge [sflag:s10], $0x4000  }
0x1a2: {  	[sflag:s10] =	ssyncset.done $0x0  }
0x1a3: {  	s23 =	rddreg [dreg:$0x1b];
	[sflag:s10] =	ssyncadd.s32 $0xFFFFC000  }
0x1a4: {  	[hbm4b:s23+s2] =	stream.linear.scatter [tilespmem:s7], [sflag:$0x9], $0x4000, $0x38;
	[tilespmem:$0x18A80] =	vst v63  }
0x1a5: {  	_ =	swait.ge [sflag:s12], $0x4000  }
0x1a6: {  	[sflag:s12] =	ssyncset.done $0x0  }
0x1a7: {  	[sflag:s12] =	ssyncadd.s32 $0xFFFFC000  }
0x1a8: {  	_ =	swait.ge [sflag:s15], $0x4000  }
0x1a9: {  	[sflag:s15] =	ssyncset.done $0x0  }
0x1aa: {  	[sflag:s15] =	ssyncadd.s32 $0xFFFFC000  }
0x1ab: {  	_ =	swait.ge [sflag:s19], $0x4000  }
0x1ac: {  	[sflag:s19] =	ssyncset.done $0x0  }
0x1ad: {  	[sflag:s19] =	ssyncadd.s32 $0xFFFFC000  }
0x1ae: {  	_ =	swait.ge [sflag:s6], $0x4000  }
0x1af: {  	[sflag:s6] =	ssyncset.done $0x0  }
0x1b0: {  	p1 =	sne.s32 s1, $0x1;
	[sflag:s6] =	ssyncadd.s32 $0xFFFFC000  }
.Ltmp2:
0x1b1: {  	_ =	swait.ge [sflag:s5], $0x4000;
	(pc) =	sbr.rel @p1 .LBB2_4-.Ltmp2, $4  }
0x1b2: {  	[sflag:s5] =	ssyncset.done $0x0  }
0x1b3: {  	[sflag:s5] =	ssyncadd.s32 $0xFFFFC000  }
0x1b4: {  	_ =	swait.ge [sflag:s4], $0x4000  }
0x1b5: {  	s1 =	sadd.s32 $0xFFFFFFFF, s1;
	s0 =	rddreg [dreg:$0x4];
	[sflag:s4] =	ssyncset.done $0x0  }
0x1b6: {  	s24 =	simm.s32 $0x800;
	s29 =	simm.s32 $0x880  }
0x1b7: {  	s28 =	simm.s32 $0x900;
	s25 =	simm.s32 $0x980;
	s23 =	stileid.u32  }
.LBB2_6:
0x1b8: {  	[sflag:s4] =	ssyncadd.s32 @p0 $0xFFFFC000  }
0x1b9: {  	[tilespmem:s2], [sflag:$0x7] =	stream.linear.gather [hbm4b:s0+s2], $0x180, $0x38;
	[tilespmem:$0x18A80] =	vst v63  }
0x1ba: {  	s1 =	rddreg [dreg:$0x5]  }
0x1bb: {  	[tilespmem:s31], [sflag:$0x8] =	stream.linear.gather [hbm4b:s1+s2], $0x180, $0x38;
	[tilespmem:$0x18A80] =	vst v63  }
0x1bc: {  	s0 =	rddreg [dreg:$0x6]  }
0x1bd: {  	[tilespmem:s30], [sflag:$0x9] =	stream.linear.gather [hbm4b:s0+s2], $0x780, $0x38;
	[tilespmem:$0x18A80] =	vst v63  }
0x1be: {  	_ =	swait.ge [sflag:s6], $0x180  }
0x1bf: {  	[sflag:s6] =	ssyncset.done $0x0  }
0x1c0: {  	[sflag:s6] =	ssyncadd.s32 $0xFFFFFE80  }
0x1c1: {  	_ =	swait.ge [sflag:s5], $0x180  }
0x1c2: {  	[sflag:s5] =	ssyncset.done $0x0  }
0x1c3: {  	[sflag:s5] =	ssyncadd.s32 $0xFFFFFE80  }
0x1c4: {  	_ =	swait.ge [sflag:s4], $0x780  }
0x1c5: {  	[sflag:s4] =	ssyncset.done $0x0  }
0x1c6: {  	[sflag:s4] =	ssyncadd.s32 $0xFFFFF880  }
0x1c7: {  	[tilespmem:s9], [sflag:$0x1] =	stream.indirect.gather [hbm4b:s26+s16], $0x80, s2, s16, $0xb8;
	[tilespmem:$0x18A80] =	vst v63  }
0x1c8: {  	_ = 	snop  }
0x1c9: {  	[tilespmem:s8], [sflag:$0x2] =	stream.indirect.gather [hbm4b:s26+s16], $0x80, s16, s16, $0xb8;
	[tilespmem:$0x18A80] =	vst v63  }
0x1ca: {  	s1 =	rddreg [dreg:$0x1c]  }
0x1cb: {  	[tilespmem:s7], [sflag:$0x3] =	stream.indirect.gather [hbm4b:s26+s16], $0x80, s1, s16, $0xb8;
	[tilespmem:$0x18A80] =	vst v63  }
0x1cc: {  	_ = 	snop  }
0x1cd: {  	[tilespmem:s18], [sflag:$0x4] =	stream.indirect.gather [hbm4b:s3+s16], $0x80, s31, s16, $0xb8;
	[tilespmem:$0x18A80] =	vst v63  }
0x1ce: {  	s26 =	rddreg [dreg:$0x1d]  }
0x1cf: {  	[tilespmem:s17], [sflag:$0x5] =	stream.indirect.gather [hbm4b:s3+s16], $0x80, s26, s16, $0xb8;
	[tilespmem:$0x18A80] =	vst v63  }
0x1d0: {  	s31 =	rddreg [dreg:$0x1e]  }
0x1d1: {  	[tilespmem:s14], [sflag:$0x6] =	stream.indirect.gather [hbm4b:s3+s16], $0x80, s31, s16, $0xb8;
	[tilespmem:$0x18A80] =	vst v63  }
0x1d2: {  	_ =	swait.ge [sflag:s13], $0x4000  }
0x1d3: {  	[sflag:s13] =	ssyncset.done $0x0  }
0x1d4: {  	s26 =	rddreg [dreg:$0x7];
	[sflag:s13] =	ssyncadd.s32 $0xFFFFC000  }
0x1d5: {  	[hbm4b:s26+s2] =	stream.linear.scatter [tilespmem:s9], [sflag:$0x7], $0x4000, $0x38;
	[tilespmem:$0x18A80] =	vst v63  }
0x1d6: {  	_ =	swait.ge [sflag:s6], $0x4000  }
0x1d7: {  	[sflag:s6] =	ssyncset.done $0x0  }
0x1d8: {  	[sflag:s6] =	ssyncadd.s32 $0xFFFFC000  }
0x1d9: {  	[tilespmem:s9], [sflag:$0x1] =	stream.indirect.gather [hbm4b:s3+s16], $0x80, s30, s16, $0xb8;
	[tilespmem:$0x18A80] =	vst v63  }
0x1da: {  	_ =	swait.ge [sflag:s11], $0x4000  }
0x1db: {  	[sflag:s11] =	ssyncset.done $0x0  }
0x1dc: {  	s30 =	rddreg [dreg:$0x8];
	[sflag:s11] =	ssyncadd.s32 $0xFFFFC000  }
0x1dd: {  	[hbm4b:s30+s2] =	stream.linear.scatter [tilespmem:s8], [sflag:$0x8], $0x4000, $0x38;
	[tilespmem:$0x18A80] =	vst v63  }
0x1de: {  	_ =	swait.ge [sflag:s5], $0x4000  }
0x1df: {  	[sflag:s5] =	ssyncset.done $0x0  }
0x1e0: {  	s31 =	rddreg [dreg:$0x1f];
	[sflag:s5] =	ssyncadd.s32 $0xFFFFC000  }
0x1e1: {  	[tilespmem:s8], [sflag:$0x2] =	stream.indirect.gather [hbm4b:s3+s16], $0x80, s31, s16, $0xb8;
	[tilespmem:$0x18A80] =	vst v63  }
0x1e2: {  	_ =	swait.ge [sflag:s10], $0x4000  }
0x1e3: {  	[sflag:s10] =	ssyncset.done $0x0  }
0x1e4: {  	s1 =	rddreg [dreg:$0x9];
	[sflag:s10] =	ssyncadd.s32 $0xFFFFC000  }
0x1e5: {  	[hbm4b:s1+s2] =	stream.linear.scatter [tilespmem:s7], [sflag:$0x9], $0x4000, $0x38;
	[tilespmem:$0x18A80] =	vst v63  }
0x1e6: {  	_ =	swait.ge [sflag:s4], $0x4000  }
0x1e7: {  	s26 =	sld [smem:$0x7F6]  }
0x1e8: {  	[sflag:s4] =	ssyncset.done $0x0  }
0x1e9: {  	[sflag:s4] =	ssyncadd.s32 $0xFFFFC000  }
0x1ea: {  	[tilespmem:s7], [sflag:$0x3] =	stream.indirect.gather [hbm4b:s3+s16], $0x80, s26, s16, $0xb8;
	[tilespmem:$0x18A80] =	vst v63  }
0x1eb: {  	_ =	swait.ge [sflag:s20], $0x4000  }
0x1ec: {  	[sflag:s20] =	ssyncset.done $0x0  }
0x1ed: {  	s30 =	rddreg [dreg:$0xa];
	[sflag:s20] =	ssyncadd.s32 $0xFFFFC000  }
0x1ee: {  	[hbm4b:s30+s2] =	stream.linear.scatter [tilespmem:s18], [sflag:$0xA], $0x4000, $0x38;
	[tilespmem:$0x18A80] =	vst v63  }
0x1ef: {  	_ =	swait.ge [sflag:s12], $0x4000  }
0x1f0: {  	s31 =	sld [smem:$0x7F7]  }
0x1f1: {  	[sflag:s12] =	ssyncset.done $0x0  }
0x1f2: {  	[sflag:s12] =	ssyncadd.s32 $0xFFFFC000  }
0x1f3: {  	[tilespmem:s18], [sflag:$0x4] =	stream.indirect.gather [hbm4b:s3+s16], $0x80, s31, s16, $0xb8;
	[tilespmem:$0x18A80] =	vst v63  }
0x1f4: {  	_ =	swait.ge [sflag:s21], $0x4000  }
0x1f5: {  	[sflag:s21] =	ssyncset.done $0x0  }
0x1f6: {  	s1 =	rddreg [dreg:$0xb];
	[sflag:s21] =	ssyncadd.s32 $0xFFFFC000  }
0x1f7: {  	[hbm4b:s1+s2] =	stream.linear.scatter [tilespmem:s17], [sflag:$0xB], $0x4000, $0x38;
	[tilespmem:$0x18A80] =	vst v63  }
0x1f8: {  	_ =	swait.ge [sflag:s15], $0x4000  }
0x1f9: {  	s26 =	sld [smem:$0x7F8]  }
0x1fa: {  	[sflag:s15] =	ssyncset.done $0x0  }
0x1fb: {  	[sflag:s15] =	ssyncadd.s32 $0xFFFFC000  }
0x1fc: {  	[tilespmem:s17], [sflag:$0x5] =	stream.indirect.gather [hbm4b:s3+s16], $0x80, s26, s16, $0xb8;
	[tilespmem:$0x18A80] =	vst v63  }
0x1fd: {  	_ =	swait.ge [sflag:s22], $0x4000  }
0x1fe: {  	[sflag:s22] =	ssyncset.done $0x0  }
0x1ff: {  	s30 =	rddreg [dreg:$0xc];
	[sflag:s22] =	ssyncadd.s32 $0xFFFFC000  }
0x200: {  	[hbm4b:s30+s2] =	stream.linear.scatter [tilespmem:s14], [sflag:$0xC], $0x4000, $0x38;
	[tilespmem:$0x18A80] =	vst v63  }
0x201: {  	_ =	swait.ge [sflag:s19], $0x4000  }
0x202: {  	s31 =	sld [smem:$0x7F9]  }
0x203: {  	[sflag:s19] =	ssyncset.done $0x0  }
0x204: {  	[sflag:s19] =	ssyncadd.s32 $0xFFFFC000  }
0x205: {  	[tilespmem:s14], [sflag:$0x6] =	stream.indirect.gather [hbm4b:s3+s16], $0x80, s31, s16, $0xb8;
	[tilespmem:$0x18A80] =	vst v63  }
0x206: {  	_ =	swait.ge [sflag:s13], $0x4000  }
0x207: {  	[sflag:s13] =	ssyncset.done $0x0  }
0x208: {  	s1 =	rddreg [dreg:$0xd];
	[sflag:s13] =	ssyncadd.s32 $0xFFFFC000  }
0x209: {  	[hbm4b:s1+s2] =	stream.linear.scatter [tilespmem:s9], [sflag:$0x7], $0x4000, $0x38;
	[tilespmem:$0x18A80] =	vst v63  }
0x20a: {  	_ =	swait.ge [sflag:s6], $0x4000  }
0x20b: {  	s26 =	sld [smem:$0x7FA]  }
0x20c: {  	[sflag:s6] =	ssyncset.done $0x0  }
0x20d: {  	[sflag:s6] =	ssyncadd.s32 $0xFFFFC000  }
0x20e: {  	[tilespmem:s9], [sflag:$0x1] =	stream.indirect.gather [hbm4b:s3+s16], $0x80, s26, s16, $0xb8;
	[tilespmem:$0x18A80] =	vst v63  }
0x20f: {  	_ =	swait.ge [sflag:s11], $0x4000  }
0x210: {  	[sflag:s11] =	ssyncset.done $0x0  }
0x211: {  	s30 =	rddreg [dreg:$0xe];
	[sflag:s11] =	ssyncadd.s32 $0xFFFFC000  }
0x212: {  	[hbm4b:s30+s2] =	stream.linear.scatter [tilespmem:s8], [sflag:$0x8], $0x4000, $0x38;
	[tilespmem:$0x18A80] =	vst v63  }
0x213: {  	_ =	swait.ge [sflag:s5], $0x4000  }
0x214: {  	s31 =	sld [smem:$0x7FB]  }
0x215: {  	[sflag:s5] =	ssyncset.done $0x0  }
0x216: {  	[sflag:s5] =	ssyncadd.s32 $0xFFFFC000  }
0x217: {  	[tilespmem:s8], [sflag:$0x2] =	stream.indirect.gather [hbm4b:s3+s16], $0x80, s31, s16, $0xb8;
	[tilespmem:$0x18A80] =	vst v63  }
0x218: {  	_ =	swait.ge [sflag:s10], $0x4000  }
0x219: {  	[sflag:s10] =	ssyncset.done $0x0  }
0x21a: {  	s1 =	rddreg [dreg:$0xf];
	[sflag:s10] =	ssyncadd.s32 $0xFFFFC000  }
0x21b: {  	[hbm4b:s1+s2] =	stream.linear.scatter [tilespmem:s7], [sflag:$0x9], $0x4000, $0x38;
	[tilespmem:$0x18A80] =	vst v63  }
0x21c: {  	_ =	swait.ge [sflag:s4], $0x4000  }
0x21d: {  	s26 =	sld [smem:$0x7FC]  }
0x21e: {  	[sflag:s4] =	ssyncset.done $0x0  }
0x21f: {  	[sflag:s4] =	ssyncadd.s32 $0xFFFFC000  }
0x220: {  	[tilespmem:s7], [sflag:$0x3] =	stream.indirect.gather [hbm4b:s3+s16], $0x80, s26, s16, $0xb8;
	[tilespmem:$0x18A80] =	vst v63  }
0x221: {  	_ =	swait.ge [sflag:s20], $0x4000  }
0x222: {  	[sflag:s20] =	ssyncset.done $0x0  }
0x223: {  	s30 =	rddreg [dreg:$0x10];
	[sflag:s20] =	ssyncadd.s32 $0xFFFFC000  }
0x224: {  	[hbm4b:s30+s2] =	stream.linear.scatter [tilespmem:s18], [sflag:$0xA], $0x4000, $0x38;
	[tilespmem:$0x18A80] =	vst v63  }
0x225: {  	_ =	swait.ge [sflag:s12], $0x4000  }
0x226: {  	s31 =	sld [smem:$0x7FD]  }
0x227: {  	[sflag:s12] =	ssyncset.done $0x0  }
0x228: {  	[sflag:s12] =	ssyncadd.s32 $0xFFFFC000  }
0x229: {  	[tilespmem:s18], [sflag:$0x4] =	stream.indirect.gather [hbm4b:s3+s16], $0x80, s31, s16, $0xb8;
	[tilespmem:$0x18A80] =	vst v63  }
0x22a: {  	_ =	swait.ge [sflag:s21], $0x4000  }
0x22b: {  	[sflag:s21] =	ssyncset.done $0x0  }
0x22c: {  	s1 =	rddreg [dreg:$0x11];
	[sflag:s21] =	ssyncadd.s32 $0xFFFFC000  }
0x22d: {  	[hbm4b:s1+s2] =	stream.linear.scatter [tilespmem:s17], [sflag:$0xB], $0x4000, $0x38;
	[tilespmem:$0x18A80] =	vst v63  }
0x22e: {  	_ =	swait.ge [sflag:s15], $0x4000  }
0x22f: {  	[sflag:s15] =	ssyncset.done $0x0  }
0x230: {  	[sflag:s15] =	ssyncadd.s32 $0xFFFFC000  }
0x231: {  	[tilespmem:s17], [sflag:$0x5] =	stream.indirect.gather [hbm4b:s3+s16], $0x80, s24, s16, $0xb8;
	[tilespmem:$0x18A80] =	vst v63  }
0x232: {  	_ =	swait.ge [sflag:s22], $0x4000  }
0x233: {  	[sflag:s22] =	ssyncset.done $0x0  }
0x234: {  	s26 =	rddreg [dreg:$0x12];
	[sflag:s22] =	ssyncadd.s32 $0xFFFFC000  }
0x235: {  	[hbm4b:s26+s2] =	stream.linear.scatter [tilespmem:s14], [sflag:$0xC], $0x4000, $0x38;
	[tilespmem:$0x18A80] =	vst v63  }
0x236: {  	_ =	swait.ge [sflag:s19], $0x4000  }
0x237: {  	[sflag:s19] =	ssyncset.done $0x0  }
0x238: {  	[sflag:s19] =	ssyncadd.s32 $0xFFFFC000  }
0x239: {  	[tilespmem:s14], [sflag:$0x6] =	stream.indirect.gather [hbm4b:s3+s16], $0x80, s29, s16, $0xb8;
	[tilespmem:$0x18A80] =	vst v63  }
0x23a: {  	_ =	swait.ge [sflag:s13], $0x4000  }
0x23b: {  	[sflag:s13] =	ssyncset.done $0x0  }
0x23c: {  	s30 =	rddreg [dreg:$0x13];
	[sflag:s13] =	ssyncadd.s32 $0xFFFFC000  }
0x23d: {  	[hbm4b:s30+s2] =	stream.linear.scatter [tilespmem:s9], [sflag:$0x7], $0x4000, $0x38;
	[tilespmem:$0x18A80] =	vst v63  }
0x23e: {  	_ =	swait.ge [sflag:s6], $0x4000  }
0x23f: {  	[sflag:s6] =	ssyncset.done $0x0  }
0x240: {  	[sflag:s6] =	ssyncadd.s32 $0xFFFFC000  }
0x241: {  	[tilespmem:s9], [sflag:$0x1] =	stream.indirect.gather [hbm4b:s3+s16], $0x80, s28, s16, $0xb8;
	[tilespmem:$0x18A80] =	vst v63  }
0x242: {  	_ =	swait.ge [sflag:s11], $0x4000  }
0x243: {  	[sflag:s11] =	ssyncset.done $0x0  }
0x244: {  	s31 =	rddreg [dreg:$0x14];
	[sflag:s11] =	ssyncadd.s32 $0xFFFFC000  }
0x245: {  	[hbm4b:s31+s2] =	stream.linear.scatter [tilespmem:s8], [sflag:$0x8], $0x4000, $0x38;
	[tilespmem:$0x18A80] =	vst v63  }
0x246: {  	_ =	swait.ge [sflag:s5], $0x4000  }
0x247: {  	[sflag:s5] =	ssyncset.done $0x0  }
0x248: {  	[sflag:s5] =	ssyncadd.s32 $0xFFFFC000  }
0x249: {  	[tilespmem:s8], [sflag:$0x2] =	stream.indirect.gather [hbm4b:s3+s16], $0x80, s25, s16, $0xb8;
	[tilespmem:$0x18A80] =	vst v63  }
0x24a: {  	_ =	swait.ge [sflag:s10], $0x4000  }
0x24b: {  	[sflag:s10] =	ssyncset.done $0x0  }
0x24c: {  	s1 =	rddreg [dreg:$0x15];
	[sflag:s10] =	ssyncadd.s32 $0xFFFFC000  }
0x24d: {  	[hbm4b:s1+s2] =	stream.linear.scatter [tilespmem:s7], [sflag:$0x9], $0x4000, $0x38;
	[tilespmem:$0x18A80] =	vst v63  }
0x24e: {  	_ =	swait.ge [sflag:s4], $0x4000  }
0x24f: {  	[sflag:s4] =	ssyncset.done $0x0  }
0x250: {  	s24 =	simm.s32 $0xA00;
	[sflag:s4] =	ssyncadd.s32 $0xFFFFC000  }
0x251: {  	[tilespmem:s7], [sflag:$0x3] =	stream.indirect.gather [hbm4b:s3+s16], $0x80, s24, s16, $0xb8;
	[tilespmem:$0x18A80] =	vst v63  }
0x252: {  	_ =	swait.ge [sflag:s20], $0x4000  }
0x253: {  	[sflag:s20] =	ssyncset.done $0x0  }
0x254: {  	s25 =	rddreg [dreg:$0x16];
	[sflag:s20] =	ssyncadd.s32 $0xFFFFC000  }
0x255: {  	[hbm4b:s25+s2] =	stream.linear.scatter [tilespmem:s18], [sflag:$0xA], $0x4000, $0x38;
	[tilespmem:$0x18A80] =	vst v63  }
0x256: {  	_ =	swait.ge [sflag:s21], $0x4000  }
0x257: {  	[sflag:s21] =	ssyncset.done $0x0  }
0x258: {  	s26 =	rddreg [dreg:$0x17];
	[sflag:s21] =	ssyncadd.s32 $0xFFFFC000  }
0x259: {  	[hbm4b:s26+s2] =	stream.linear.scatter [tilespmem:s17], [sflag:$0xB], $0x4000, $0x38;
	[tilespmem:$0x18A80] =	vst v63  }
0x25a: {  	_ =	swait.ge [sflag:s22], $0x4000  }
0x25b: {  	[sflag:s22] =	ssyncset.done $0x0  }
0x25c: {  	s28 =	rddreg [dreg:$0x18];
	[sflag:s22] =	ssyncadd.s32 $0xFFFFC000  }
0x25d: {  	[hbm4b:s28+s2] =	stream.linear.scatter [tilespmem:s14], [sflag:$0xC], $0x4000, $0x38;
	[tilespmem:$0x18A80] =	vst v63  }
0x25e: {  	_ =	swait.ge [sflag:s13], $0x4000  }
0x25f: {  	[sflag:s13] =	ssyncset.done $0x0  }
0x260: {  	s29 =	rddreg [dreg:$0x19];
	[sflag:s13] =	ssyncadd.s32 $0xFFFFC000  }
0x261: {  	[hbm4b:s29+s2] =	stream.linear.scatter [tilespmem:s9], [sflag:$0x7], $0x4000, $0x38;
	[tilespmem:$0x18A80] =	vst v63  }
0x262: {  	_ =	swait.ge [sflag:s11], $0x4000  }
0x263: {  	[sflag:s11] =	ssyncset.done $0x0  }
0x264: {  	s30 =	rddreg [dreg:$0x1a];
	[sflag:s11] =	ssyncadd.s32 $0xFFFFC000  }
0x265: {  	[hbm4b:s30+s2] =	stream.linear.scatter [tilespmem:s8], [sflag:$0x8], $0x4000, $0x38;
	[tilespmem:$0x18A80] =	vst v63  }
0x266: {  	_ =	swait.ge [sflag:s10], $0x4000  }
0x267: {  	[sflag:s10] =	ssyncset.done $0x0  }
0x268: {  	s31 =	rddreg [dreg:$0x1b];
	[sflag:s10] =	ssyncadd.s32 $0xFFFFC000  }
0x269: {  	[hbm4b:s31+s2] =	stream.linear.scatter [tilespmem:s7], [sflag:$0x9], $0x4000, $0x38;
	[tilespmem:$0x18A80] =	vst v63  }
0x26a: {  	_ =	swait.ge [sflag:s12], $0x4000  }
0x26b: {  	[sflag:s12] =	ssyncset.done $0x0  }
0x26c: {  	[sflag:s12] =	ssyncadd.s32 $0xFFFFC000  }
0x26d: {  	_ =	swait.ge [sflag:s15], $0x4000  }
0x26e: {  	[sflag:s15] =	ssyncset.done $0x0  }
0x26f: {  	[sflag:s15] =	ssyncadd.s32 $0xFFFFC000  }
0x270: {  	_ =	swait.ge [sflag:s19], $0x4000  }
0x271: {  	[sflag:s19] =	ssyncset.done $0x0  }
0x272: {  	[sflag:s19] =	ssyncadd.s32 $0xFFFFC000  }
0x273: {  	_ =	swait.ge [sflag:s6], $0x4000  }
0x274: {  	[sflag:s6] =	ssyncset.done $0x0  }
0x275: {  	[sflag:s6] =	ssyncadd.s32 $0xFFFFC000  }
0x276: {  	_ =	swait.ge [sflag:s5], $0x4000  }
0x277: {  	[sflag:s5] =	ssyncset.done $0x0  }
0x278: {  	[sflag:s5] =	ssyncadd.s32 $0xFFFFC000  }
0x279: {  	_ =	swait.ge [sflag:s4], $0x4000  }
0x27a: {  	[sflag:s4] =	ssyncset.done $0x0  }
0x27b: {  	[sflag:s4] =	ssyncadd.s32 $0xFFFFC000  }
0x27c: {  	_ =	sfence.sel $0x180000  }
0x27d: {  	[bflag:$0x0] =	sbarrier.arrive $0xFFFF  }
0x27e: {  	_ =	strace $0x90000047  }
0x27f: {  	[bflag:$0x2] =	sbarrier.arrive $0xFFFF  }
0x280: {  	p0 =	sne.s32 s23, $0x0;
	s0 =	rddreg [dreg:$0x3]  }
0x281: {  	s0 =	sadd.s32 @!p0 $0x100000, s0  }
0x282: {  	[sflag:s0] =	ssyncadd.tile.s32 @!p0 $0x1;
	_ =	shalt  }
.LBB2_1:
.Ltmp3:
0x283: {  	(pc) =	sbr.rel .LBB2_6-.Ltmp3, $3  }
0x284: {  	_ =	sdelay $0x1  }
0x285: {  	s24 =	simm.s32 $0x800  }
0x286: {  	s29 =	simm.s32 $0x880;
	s28 =	simm.s32 $0x900;
	s25 =	simm.s32 $0x980  }
.LBB2_3:
.Ltmp4:
0x287: {  	(pc) =	sbr.rel .LBB2_6-.Ltmp4, $3  }
0x288: {  	_ =	sdelay $0x1  }
0x289: {  	s24 =	simm.s32 $0x800;
	s29 =	simm.s32 $0x880  }
0x28a: {  	s28 =	simm.s32 $0x900;
	s25 =	simm.s32 $0x980;
	s23 =	stileid.u32  }
.Lfunc_end2:
_tile_overlayer_lowered:
.L_overlay_start_2:
0x28b: {  	(tag) =	ssettag $0x2  }
0x28c: {  	s0 =	rddreg [dreg:$0x0];
	s2 =	stileid.u32  }
0x28d: {  	s1 =	rddreg [dreg:$0x1];
	p0 =	sne.s32 s2, $0x0  }
0x28e: {  	s3 =	rddreg [dreg:$0x2];
	[bflag:$0x3] =	sbarrier.arrive $0xFFFF;
	s2 =	simm.s32 @!p0 $0x1C0D  }
0x28f: {  	[timem:s3], [sflag:s2] =	dma.local @!p0 [hbm:s0], s1  }
0x290: {  	s0 =	simm.s32 @!p0 $0xD  }
0x291: {  	_ =	swait.ge @!p0 [sflag:s0], s1  }
0x292: {  	s1 =	ssub.s32 @!p0 $0x0, s1;
	[sflag:s0] =	ssyncset.done @!p0 $0x0  }
0x293: {  	[sflag:s0] =	ssyncadd.s32 @!p0 s1  }
0x294: {  	[bflag:$0x3] =	sbarrier.arrive $0xFFFF  }
0x295: {  	_ =	shalt  }

</sc_bundles>
